<compile_context>
chip_gen: v7x
topology: tpu7x:2x2x1
jax: 0.10.2.dev20260603
libtpu: 0.0.44.dev20260713+nightly
codegen_flags: <defaults>
</compile_context>

<pallas_src>
import functools
import math

import jax
import jax.numpy as jnp
from jax import lax
from jax.experimental import pallas as pl
from jax.experimental.pallas import tpu as pltpu
from jax.experimental.pallas import tpu_sc as plsc

N = 10000
NP = 10240
E = 160000
D = 128
D_ATTR = 16
D_EMB = 16
D_EDGE = 4
FC_HID = 8

NC = 2
NS = 16
NW = NC * NS
EB = 64
EPAD = 163840
NBLKS = EPAD // EB
C0 = 112
C1 = 48

NODE_BLK = 2000
EDGE_BLK = 1280
IDXR = 20

_LN2 = math.log(2.0)
_HI = lax.Precision.HIGHEST


def _ssp(x):
    return jnp.maximum(x, 0.0) + jnp.log(1.0 + jnp.exp(-jnp.abs(x))) - _LN2


def _dot(a, b):
    return jnp.dot(a, b, preferred_element_type=jnp.float32, precision=_HI)


def _dotd(a, b):
    return jnp.dot(a, b, preferred_element_type=jnp.float32,
                   precision=lax.Precision.DEFAULT)



def _h_body(x_ref, w_ref, o_ref):
    o_ref[...] = _dot(x_ref[...], w_ref[...])


def _prep_body(embt_ref, attrt_ref, src_ref, dst_ref, wr1t_ref, br1_ref,
               wr2_ref, rw_ref, srcp_ref, dstp_ref):
    i = pl.program_id(0)
    embt = embt_ref[...]
    hidt = _ssp(_dotd(wr1t_ref[...], embt) + br1_ref[...])
    ecol = i * EDGE_BLK + lax.broadcasted_iota(jnp.int32, (1, EDGE_BLK), 1)
    attrt = jnp.where(ecol < E, attrt_ref[...], 0.0)
    gt = jnp.concatenate(
        [attrt[v:v + 1, :] * hidt for v in range(D_EDGE)]
        + [attrt, jnp.zeros_like(attrt)],
        axis=0)
    g = jnp.transpose(gt)
    rw_ref[...] = _dotd(g, wr2_ref[...])
    irow = i * IDXR + lax.broadcasted_iota(jnp.int32, (1, IDXR, 1), 1)
    ivalid = irow < (E // EB)
    srcp_ref[...] = jnp.where(ivalid, src_ref[...], 0)
    dstp_ref[...] = jnp.where(ivalid, dst_ref[...], 0)


def _scon_body(nf_ref, na_ref, wsc_ref, o_ref):
    nf = nf_ref[...]
    na = na_ref[...]
    acc = na[:, 0:1] * _dotd(nf, wsc_ref[0])
    for j in range(1, D_ATTR):
        acc = acc + na[:, j:j + 1] * _dotd(nf, wsc_ref[j])
    o_ref[...] = acc


def _fin_body(p0_ref, p1_ref, sc_ref, nf_ref, w2_ref, o_ref):
    agg = p0_ref[...] + p1_ref[...]
    lin2 = _dot(agg, w2_ref[...])
    o_ref[...] = _ssp(lin2 + sc_ref[...]) + nf_ref[...]



def _sc_aggregate(h, rw, src2d, dst2d):
    mesh = plsc.VectorSubcoreMesh(core_axis_name="c", subcore_axis_name="s")

    @functools.partial(
        pl.kernel,
        out_type=jax.ShapeDtypeStruct((NC * NP, D), jnp.float32),
        mesh=mesh,
        scratch_types=[
            pltpu.VMEM((C0 // 2, EB), jnp.int32),
            pltpu.VMEM((C0 // 2, EB), jnp.int32),
            pltpu.VMEM((EB, D), jnp.float32),
            pltpu.VMEM((EB, D), jnp.float32),
            pltpu.VMEM((EB, D), jnp.float32),
            pltpu.VMEM((EB, D), jnp.float32),
            pltpu.VMEM_SHARED((NP, D), jnp.float32),
            pltpu.SemaphoreType.DMA,
            pltpu.SemaphoreType.DMA,
            pltpu.SemaphoreType.DMA,
            pltpu.SemaphoreType.DMA,
            pltpu.SemaphoreType.DMA,
            pltpu.SemaphoreType.DMA,
        ],
    )
    def body(h_hbm, rw_hbm, src_hbm, dst_hbm, out_hbm,
             src_v, dst_v, hs0, hs1, rw0, rw1, acc,
             g0, g1, r0, r1, s0, s1):
        c = lax.axis_index("c")
        s = lax.axis_index("s")

        @pl.loop(0, EB)
        def _(i):
            for ch in range(D // 16):
                hs0[i, pl.ds(ch * 16, 16)] = jnp.zeros((16,), jnp.float32)

        rows = NP // NS

        @pl.loop(0, rows // EB)
        def _(k):
            pltpu.sync_copy(hs0, acc.at[pl.ds(s * rows + k * EB, EB)])

        plsc.subcore_barrier()

        nblk = jnp.where(c == 0, C0, C1)
        base_blk = jnp.where(c == 0, s * C0, NS * C0 + s * C1)
        hb = nblk // 2

        def start_gather(j, hs, gsem):
            pltpu.async_copy(h_hbm.at[src_v.at[j]], hs, gsem)

        def start_rwfill(b0, j, rw, rsem):
            e0 = pl.multiple_of((b0 + j) * EB, EB)
            pltpu.async_copy(rw_hbm.at[pl.ds(e0, EB)], rw, rsem)

        def wait_gather(j, hs, gsem):
            pltpu.make_async_copy(h_hbm.at[src_v.at[j]], hs, gsem).wait()

        def wait_rwfill(b0, j, rw, rsem):
            e0 = pl.multiple_of((b0 + j) * EB, EB)
            pltpu.make_async_copy(rw_hbm.at[pl.ds(e0, EB)],
                                  rw, rsem).wait()

        def compute(hs, rw):
            @pl.loop(0, EB)
            def _(i):
                for ch in range(D // 16):
                    sl = (i, pl.ds(ch * 16, 16))
                    rw[sl] = rw[sl] * hs[sl]

        def scatter_start(j, rw, ssem):
            pltpu.async_copy(rw, acc.at[dst_v.at[j]], ssem, add=True)

        def scatter_wait(j, rw, ssem):
            pltpu.make_async_copy(rw, acc.at[dst_v.at[j]], ssem).wait()

        for half in range(2):
            b0 = pl.multiple_of(base_blk + half * hb, 8)

            @pl.when(c == 0)
            def _():
                pltpu.sync_copy(src_hbm.at[pl.ds(b0, C0 // 2)],
                                src_v.at[pl.ds(0, C0 // 2)])
                pltpu.sync_copy(dst_hbm.at[pl.ds(b0, C0 // 2)],
                                dst_v.at[pl.ds(0, C0 // 2)])

            @pl.when(c == 1)
            def _():
                pltpu.sync_copy(src_hbm.at[pl.ds(b0, C1 // 2)],
                                src_v.at[pl.ds(0, C1 // 2)])
                pltpu.sync_copy(dst_hbm.at[pl.ds(b0, C1 // 2)],
                                dst_v.at[pl.ds(0, C1 // 2)])

            start_gather(0, hs0, g0)
            start_rwfill(b0, 0, rw0, r0)
            start_gather(1, hs1, g1)
            start_rwfill(b0, 1, rw1, r1)

            @pl.loop(0, hb // 2)
            def _(p):
                j0 = 2 * p
                j1 = j0 + 1

                wait_gather(j0, hs0, g0)
                wait_rwfill(b0, j0, rw0, r0)
                compute(hs0, rw0)

                @pl.when(j0 + 2 < hb)
                def _():
                    start_gather(j0 + 2, hs0, g0)

                scatter_start(j0, rw0, s0)

                wait_gather(j1, hs1, g1)
                wait_rwfill(b0, j1, rw1, r1)
                compute(hs1, rw1)

                @pl.when(j1 + 2 < hb)
                def _():
                    start_gather(j1 + 2, hs1, g1)

                scatter_start(j1, rw1, s1)

                scatter_wait(j0, rw0, s0)

                @pl.when(j0 + 2 < hb)
                def _():
                    start_rwfill(b0, j0 + 2, rw0, r0)

                scatter_wait(j1, rw1, s1)

                @pl.when(j1 + 2 < hb)
                def _():
                    start_rwfill(b0, j1 + 2, rw1, r1)

        plsc.subcore_barrier()

        @pl.loop(0, rows // EB)
        def _(k):
            r0 = s * rows + k * EB
            pltpu.sync_copy(acc.at[pl.ds(r0, EB)],
                            out_hbm.at[pl.ds(c * NP + r0, EB)])

    return body(h, rw, src2d, dst2d)



def kernel(node_feats, node_attrs, edge_embedding, edge_attrs, edge_index,
           W1, Wr1, br1, Wr2, br2, W2, Wsc):
    f32 = jnp.float32
    nf = node_feats.astype(f32)
    na = node_attrs.astype(f32)

    inv_se = 1.0 / math.sqrt(float(D_EDGE))
    m1 = (Wr2.reshape(FC_HID, D, D_EDGE).transpose(2, 0, 1)
          .reshape(D_EDGE * FC_HID, D))
    bbm = br2.reshape(D, D_EDGE).T
    wr2r = jnp.concatenate([m1, bbm, jnp.zeros((D_EDGE, D), f32)],
                           axis=0) * inv_se
    br1r = br1.reshape(FC_HID, 1)
    w2s = W2 * (1.0 / math.sqrt(16.0))
    wsct = Wsc.transpose(1, 0, 2) * (1.0 / math.sqrt(float(D * D_ATTR)))

    ei = edge_index.astype(jnp.int32)
    src3 = ei[0].reshape(E // (EB * IDXR), IDXR, EB)
    dst3 = ei[1].reshape(E // (EB * IDXR), IDXR, EB)

    n_nb = N // NODE_BLK

    h = pl.pallas_call(
        _h_body,
        grid=(n_nb,),
        in_specs=[
            pl.BlockSpec((NODE_BLK, D), lambda i: (i, 0)),
            pl.BlockSpec((D, D), lambda i: (0, 0)),
        ],
        out_specs=pl.BlockSpec((NODE_BLK, D), lambda i: (i, 0)),
        out_shape=jax.ShapeDtypeStruct((N, D), f32),
    )(nf, W1)

    g_prep = EPAD // EDGE_BLK
    _clampt = lambda i: (0, jnp.minimum(i, E // EDGE_BLK - 1))
    _clamp3 = lambda i: (jnp.minimum(i, E // EDGE_BLK - 1), 0, 0)
    rw, srcp3, dstp3 = pl.pallas_call(
        _prep_body,
        grid=(g_prep,),
        in_specs=[
            pl.BlockSpec((D_EMB, EDGE_BLK), _clampt),
            pl.BlockSpec((D_EDGE, EDGE_BLK), _clampt),
            pl.BlockSpec((1, IDXR, EB), _clamp3),
            pl.BlockSpec((1, IDXR, EB), _clamp3),
            pl.BlockSpec((FC_HID, D_EMB), lambda i: (0, 0)),
            pl.BlockSpec((FC_HID, 1), lambda i: (0, 0)),
            pl.BlockSpec((5 * FC_HID, D), lambda i: (0, 0)),
        ],
        out_specs=[
            pl.BlockSpec((EDGE_BLK, D), lambda i: (i, 0)),
            pl.BlockSpec((1, IDXR, EB), lambda i: (i, 0, 0)),
            pl.BlockSpec((1, IDXR, EB), lambda i: (i, 0, 0)),
        ],
        out_shape=[
            jax.ShapeDtypeStruct((EPAD, D), f32),
            jax.ShapeDtypeStruct((g_prep, IDXR, EB), jnp.int32),
            jax.ShapeDtypeStruct((g_prep, IDXR, EB), jnp.int32),
        ],
    )(edge_embedding.astype(f32).T, edge_attrs.astype(f32).T, src3, dst3,
      Wr1.T, br1r, wr2r)
    srcp = srcp3.reshape(NBLKS, EB)
    dstp = dstp3.reshape(NBLKS, EB)

    partials = _sc_aggregate(h, rw, srcp, dstp)
    p0 = partials[:N]
    p1 = partials[NP:NP + N]

    scon = pl.pallas_call(
        _scon_body,
        grid=(n_nb,),
        in_specs=[
            pl.BlockSpec((NODE_BLK, D), lambda i: (i, 0)),
            pl.BlockSpec((NODE_BLK, D_ATTR), lambda i: (i, 0)),
            pl.BlockSpec((D_ATTR, D, D), lambda i: (0, 0, 0)),
        ],
        out_specs=pl.BlockSpec((NODE_BLK, D), lambda i: (i, 0)),
        out_shape=jax.ShapeDtypeStruct((N, D), f32),
    )(nf, na, wsct)

    out = pl.pallas_call(
        _fin_body,
        grid=(n_nb,),
        in_specs=[
            pl.BlockSpec((NODE_BLK, D), lambda i: (i, 0)),
            pl.BlockSpec((NODE_BLK, D), lambda i: (i, 0)),
            pl.BlockSpec((NODE_BLK, D), lambda i: (i, 0)),
            pl.BlockSpec((NODE_BLK, D), lambda i: (i, 0)),
            pl.BlockSpec((D, D), lambda i: (0, 0)),
        ],
        out_specs=pl.BlockSpec((NODE_BLK, D), lambda i: (i, 0)),
        out_shape=jax.ShapeDtypeStruct((N, D), f32),
    )(p0, p1, scon, nf, w2s)

    return out

# --- scband reference (transcript-rebuilt; emitter-appended) ---
"""Pipeline reference for scband-tfnlayer-34033320853621 (READ-ONLY COPY).

The authoritative reference and input builder live on the scoring server;
editing this copy changes nothing except your own understanding.
"""

import jax, jax.numpy as jnp
import numpy as np

N_NODES = 10000
N_EDGES = 160000
D_FEAT = 128
D_ATTR = 16
D_EMB = 16
D_EDGE = 4
FC_HID = 8
WEIGHT_NUMEL = D_FEAT * D_EDGE  # uvu tensor-product weights per edge
AVG_NUM_NEIGHBORS = 16.0


def ssp(x):
    # ShiftedSoftPlus
    return jax.nn.softplus(x) - jnp.log(2.0)


def setup_inputs(seed: int = 0) -> dict:
    key = jax.random.key(seed)
    ks = jax.random.split(key, 12)
    node_feats = jax.random.normal(ks[0], (N_NODES, D_FEAT), dtype=jnp.float32)
    node_attrs = jax.random.uniform(ks[1], (N_NODES, D_ATTR), dtype=jnp.float32)
    edge_embedding = jax.random.uniform(ks[2], (N_EDGES, D_EMB), dtype=jnp.float32)
    edge_attrs = jax.random.normal(ks[3], (N_EDGES, D_EDGE), dtype=jnp.float32)
    edge_index = jax.random.randint(ks[4], (2, N_EDGES), 0, N_NODES, dtype=jnp.int64)
    # learned parameters
    W1 = jax.random.normal(ks[5], (D_FEAT, D_FEAT), dtype=jnp.float32) / np.sqrt(D_FEAT)
    Wr1 = jax.random.normal(ks[6], (D_EMB, FC_HID), dtype=jnp.float32) / np.sqrt(D_EMB)
    br1 = jnp.zeros((FC_HID,), dtype=jnp.float32)
    Wr2 = jax.random.normal(ks[7], (FC_HID, WEIGHT_NUMEL), dtype=jnp.float32) / np.sqrt(FC_HID)
    br2 = jnp.zeros((WEIGHT_NUMEL,), dtype=jnp.float32)
    W2 = jax.random.normal(ks[8], (D_FEAT, D_FEAT), dtype=jnp.float32) / np.sqrt(D_FEAT)
    Wsc = jax.random.normal(ks[9], (D_FEAT, D_ATTR, D_FEAT), dtype=jnp.float32)
    return {
        'node_feats': node_feats,
        'node_attrs': node_attrs,
        'edge_embedding': edge_embedding,
        'edge_attrs': edge_attrs,
        'edge_index': edge_index,
        'W1': W1, 'Wr1': Wr1, 'br1': br1, 'Wr2': Wr2, 'br2': br2,
        'W2': W2, 'Wsc': Wsc,
    }


def reference(node_feats, node_attrs, edge_embedding, edge_attrs, edge_index,
              W1, Wr1, br1, Wr2, br2, W2, Wsc):
    edge_src = edge_index[0]
    edge_dst = edge_index[1]
    # TFNConv.linear_1 (equivariant Linear on 128x0e == plain dense)
    h = node_feats @ W1
    # radial_nn: FullyConnectedNet([D_EMB, FC_HID, weight_numel], act=ssp)
    w = ssp(edge_embedding @ Wr1 + br1)
    w = w @ Wr2 + br2                      # [E, D_FEAT*D_EDGE]
    w = w.reshape(-1, D_FEAT, D_EDGE)
    # tp: uvu TensorProduct(node_feats[src], edge_attrs, per-edge weights)
    h_src = h[edge_src]                    # gather [E, D_FEAT]
    edge_feats = jnp.einsum('euv,eu,ev->eu', w, h_src, edge_attrs) / jnp.sqrt(float(D_EDGE))
    # scatter-add over destination nodes
    agg = jnp.zeros((node_feats.shape[0], D_FEAT), dtype=node_feats.dtype).at[edge_dst].add(edge_feats)
    agg = agg / jnp.sqrt(AVG_NUM_NEIGHBORS)
    # linear_2
    out = agg @ W2
    # self connection: FullyConnectedTensorProduct(node_feats_in, node_attrs)
    sc = jnp.einsum('ni,nj,ijo->no', node_feats, node_attrs, Wsc) / jnp.sqrt(float(D_FEAT * D_ATTR))
    out = sc + out
    # gate nonlinearity on scalar (0e) irreps -> ShiftedSoftPlus
    out = ssp(out)
    # resnet (irreps in == irreps out)
    out = out + node_feats
    return out

if __name__ == "__main__":
    import jax
    _d = setup_inputs()
    print(jax.jit(kernel)(*tuple(_d.values())))

</pallas_src>

<mosaic_0001>
#map = affine_map<(d0, d1) -> (0, 0)>
module attributes {stable_mosaic.version = 14 : i64} {
  func.func @body(%arg0: i32, %arg1: i32, %arg2: memref<10000x128xf32, #tpu.memory_space<hbm>>, %arg3: memref<163840x128xf32, #tpu.memory_space<hbm>>, %arg4: memref<2560x64xi32, #tpu.memory_space<hbm>>, %arg5: memref<2560x64xi32, #tpu.memory_space<hbm>>, %arg6: memref<20480x128xf32, #tpu.memory_space<hbm>>, %arg7: memref<56x64xi32, #tpu.memory_space<vmem>>, %arg8: memref<56x64xi32, #tpu.memory_space<vmem>>, %arg9: memref<64x128xf32, #tpu.memory_space<vmem>>, %arg10: memref<64x128xf32, #tpu.memory_space<vmem>>, %arg11: memref<64x128xf32, #tpu.memory_space<vmem>>, %arg12: memref<64x128xf32, #tpu.memory_space<vmem>>, %arg13: memref<10240x128xf32, #tpu.memory_space<vmem_shared>>, %arg14: memref<!tpu.dma_semaphore, #tpu.memory_space<semaphore_mem>>, %arg15: memref<!tpu.dma_semaphore, #tpu.memory_space<semaphore_mem>>, %arg16: memref<!tpu.dma_semaphore, #tpu.memory_space<semaphore_mem>>, %arg17: memref<!tpu.dma_semaphore, #tpu.memory_space<semaphore_mem>>, %arg18: memref<!tpu.dma_semaphore, #tpu.memory_space<semaphore_mem>>, %arg19: memref<!tpu.dma_semaphore, #tpu.memory_space<semaphore_mem>>) attributes {dimension_semantics = [#tpu.dimension_semantics<core_parallel>, #tpu.dimension_semantics<subcore_parallel>], iteration_bounds = array<i64: 2, 16>, scalar_prefetch = 0 : i64, scratch_operands = 13 : i64, tpu.core_type = #tpu.core_type<sc_vector_subcore>, window_params = [{transform_indices = #map}, {transform_indices = #map}, {transform_indices = #map}, {transform_indices = #map}, {transform_indices = #map}]} {
    %scan3A = arith.constant 0 : i32
    %scan3A_0 = arith.constant 64 : i32
    %scan3A_1 = arith.addi %scan3A, %scan3A_0 : i32
    %scan3A_2 = arith.constant 1 : i32
    scf.for %scan3A_215 = %scan3A to %scan3A_1 step %scan3A_2  : i32 {
      %mul3A_216 = arith.constant 1 : i32
      %mul3A_217 = arith.muli %scan3A_215, %mul3A_216 : i32
      %add3A_218 = arith.constant 0 : i32
      %add3A_219 = arith.addi %add3A_218, %mul3A_217 : i32
      %broadcast_in_dim3A = arith.constant 0.000000e+00 : f32
      %broadcast_in_dim3A_220 = vector.broadcast %broadcast_in_dim3A : f32 to vector<16xf32>
      %swap3A = arith.index_cast %add3A_219 : i32 to index
      %swap3A_221 = arith.constant 0 : index
      %swap3A_222 = tpu.vector_load %arg9[%swap3A, %swap3A_221] {strides = array<i32>} : memref<64x128xf32, #tpu.memory_space<vmem>>, vector<1x16xf32>,
      %swap3A_223 = vector.shape_cast %swap3A_222 : vector<1x16xf32> to vector<16xf32>
      %swap3A_224 = vector.shape_cast %broadcast_in_dim3A_220 : vector<16xf32> to vector<1x16xf32>
      tpu.vector_store %arg9[%swap3A, %swap3A_221], %swap3A_224 {strides = array<i32>} : memref<64x128xf32, #tpu.memory_space<vmem>>, vector<1x16xf32>,
      %broadcast_in_dim3A_225 = arith.constant 0.000000e+00 : f32
      %broadcast_in_dim3A_226 = vector.broadcast %broadcast_in_dim3A_225 : f32 to vector<16xf32>
      %swap3A_227 = arith.index_cast %add3A_219 : i32 to index
      %swap3A_228 = arith.constant 16 : index
      %swap3A_229 = tpu.vector_load %arg9[%swap3A_227, %swap3A_228] {strides = array<i32>} : memref<64x128xf32, #tpu.memory_space<vmem>>, vector<1x16xf32>,
      %swap3A_230 = vector.shape_cast %swap3A_229 : vector<1x16xf32> to vector<16xf32>
      %swap3A_231 = vector.shape_cast %broadcast_in_dim3A_226 : vector<16xf32> to vector<1x16xf32>
      tpu.vector_store %arg9[%swap3A_227, %swap3A_228], %swap3A_231 {strides = array<i32>} : memref<64x128xf32, #tpu.memory_space<vmem>>, vector<1x16xf32>,
      %broadcast_in_dim3A_232 = arith.constant 0.000000e+00 : f32
      %broadcast_in_dim3A_233 = vector.broadcast %broadcast_in_dim3A_232 : f32 to vector<16xf32>
      %swap3A_234 = arith.index_cast %add3A_219 : i32 to index
      %swap3A_235 = arith.constant 32 : index
      %swap3A_236 = tpu.vector_load %arg9[%swap3A_234, %swap3A_235] {strides = array<i32>} : memref<64x128xf32, #tpu.memory_space<vmem>>, vector<1x16xf32>,
      %swap3A_237 = vector.shape_cast %swap3A_236 : vector<1x16xf32> to vector<16xf32>
      %swap3A_238 = vector.shape_cast %broadcast_in_dim3A_233 : vector<16xf32> to vector<1x16xf32>
      tpu.vector_store %arg9[%swap3A_234, %swap3A_235], %swap3A_238 {strides = array<i32>} : memref<64x128xf32, #tpu.memory_space<vmem>>, vector<1x16xf32>,
      %broadcast_in_dim3A_239 = arith.constant 0.000000e+00 : f32
      %broadcast_in_dim3A_240 = vector.broadcast %broadcast_in_dim3A_239 : f32 to vector<16xf32>
      %swap3A_241 = arith.index_cast %add3A_219 : i32 to index
      %swap3A_242 = arith.constant 48 : index
      %swap3A_243 = tpu.vector_load %arg9[%swap3A_241, %swap3A_242] {strides = array<i32>} : memref<64x128xf32, #tpu.memory_space<vmem>>, vector<1x16xf32>,
      %swap3A_244 = vector.shape_cast %swap3A_243 : vector<1x16xf32> to vector<16xf32>
      %swap3A_245 = vector.shape_cast %broadcast_in_dim3A_240 : vector<16xf32> to vector<1x16xf32>
      tpu.vector_store %arg9[%swap3A_241, %swap3A_242], %swap3A_245 {strides = array<i32>} : memref<64x128xf32, #tpu.memory_space<vmem>>, vector<1x16xf32>,
      %broadcast_in_dim3A_246 = arith.constant 0.000000e+00 : f32
      %broadcast_in_dim3A_247 = vector.broadcast %broadcast_in_dim3A_246 : f32 to vector<16xf32>
      %swap3A_248 = arith.index_cast %add3A_219 : i32 to index
      %swap3A_249 = arith.constant 64 : index
      %swap3A_250 = tpu.vector_load %arg9[%swap3A_248, %swap3A_249] {strides = array<i32>} : memref<64x128xf32, #tpu.memory_space<vmem>>, vector<1x16xf32>,
      %swap3A_251 = vector.shape_cast %swap3A_250 : vector<1x16xf32> to vector<16xf32>
      %swap3A_252 = vector.shape_cast %broadcast_in_dim3A_247 : vector<16xf32> to vector<1x16xf32>
      tpu.vector_store %arg9[%swap3A_248, %swap3A_249], %swap3A_252 {strides = array<i32>} : memref<64x128xf32, #tpu.memory_space<vmem>>, vector<1x16xf32>,
      %broadcast_in_dim3A_253 = arith.constant 0.000000e+00 : f32
      %broadcast_in_dim3A_254 = vector.broadcast %broadcast_in_dim3A_253 : f32 to vector<16xf32>
      %swap3A_255 = arith.index_cast %add3A_219 : i32 to index
      %swap3A_256 = arith.constant 80 : index
      %swap3A_257 = tpu.vector_load %arg9[%swap3A_255, %swap3A_256] {strides = array<i32>} : memref<64x128xf32, #tpu.memory_space<vmem>>, vector<1x16xf32>,
      %swap3A_258 = vector.shape_cast %swap3A_257 : vector<1x16xf32> to vector<16xf32>
      %swap3A_259 = vector.shape_cast %broadcast_in_dim3A_254 : vector<16xf32> to vector<1x16xf32>
      tpu.vector_store %arg9[%swap3A_255, %swap3A_256], %swap3A_259 {strides = array<i32>} : memref<64x128xf32, #tpu.memory_space<vmem>>, vector<1x16xf32>,
      %broadcast_in_dim3A_260 = arith.constant 0.000000e+00 : f32
      %broadcast_in_dim3A_261 = vector.broadcast %broadcast_in_dim3A_260 : f32 to vector<16xf32>
      %swap3A_262 = arith.index_cast %add3A_219 : i32 to index
      %swap3A_263 = arith.constant 96 : index
      %swap3A_264 = tpu.vector_load %arg9[%swap3A_262, %swap3A_263] {strides = array<i32>} : memref<64x128xf32, #tpu.memory_space<vmem>>, vector<1x16xf32>,
      %swap3A_265 = vector.shape_cast %swap3A_264 : vector<1x16xf32> to vector<16xf32>
      %swap3A_266 = vector.shape_cast %broadcast_in_dim3A_261 : vector<16xf32> to vector<1x16xf32>
      tpu.vector_store %arg9[%swap3A_262, %swap3A_263], %swap3A_266 {strides = array<i32>} : memref<64x128xf32, #tpu.memory_space<vmem>>, vector<1x16xf32>,
      %broadcast_in_dim3A_267 = arith.constant 0.000000e+00 : f32
      %broadcast_in_dim3A_268 = vector.broadcast %broadcast_in_dim3A_267 : f32 to vector<16xf32>
      %swap3A_269 = arith.index_cast %add3A_219 : i32 to index
      %swap3A_270 = arith.constant 112 : index
      %swap3A_271 = tpu.vector_load %arg9[%swap3A_269, %swap3A_270] {strides = array<i32>} : memref<64x128xf32, #tpu.memory_space<vmem>>, vector<1x16xf32>,
      %swap3A_272 = vector.shape_cast %swap3A_271 : vector<1x16xf32> to vector<16xf32>
      %swap3A_273 = vector.shape_cast %broadcast_in_dim3A_268 : vector<16xf32> to vector<1x16xf32>
      tpu.vector_store %arg9[%swap3A_269, %swap3A_270], %swap3A_273 {strides = array<i32>} : memref<64x128xf32, #tpu.memory_space<vmem>>, vector<1x16xf32>,
    }
    %scan3A_3 = arith.constant 64 : i32
    %scan3A_4 = arith.constant 0 : i32
    %scan3A_5 = arith.constant 10 : i32
    %scan3A_6 = arith.addi %scan3A_4, %scan3A_5 : i32
    %scan3A_7 = arith.constant 1 : i32
    scf.for %scan3A_215 = %scan3A_4 to %scan3A_6 step %scan3A_7  : i32 {
      %mul3A_216 = arith.constant 1 : i32
      %mul3A_217 = arith.muli %scan3A_215, %mul3A_216 : i32
      %add3A_218 = arith.constant 0 : i32
      %add3A_219 = arith.addi %add3A_218, %mul3A_217 : i32
      %mul3A_220 = arith.constant 640 : i32
      %mul3A_221 = arith.muli %arg1, %mul3A_220 : i32
      %mul3A_222 = arith.constant 64 : i32
      %mul3A_223 = arith.muli %add3A_219, %mul3A_222 : i32
      %add3A_224 = arith.addi %mul3A_221, %mul3A_223 : i32
      "tpu.region"() ({
        %run_scoped3A = tpu.sem_alloc : memref<!tpu.dma_semaphore, #tpu.memory_space<semaphore_mem>>
        %dma_start3A_225 = arith.constant 0 : i32
        %dma_start3A_226 = tpu.memref_slice %arg13[%add3A_224, %dma_start3A_225] : memref<10240x128xf32, #tpu.memory_space<vmem_shared>> -> memref<64x128xf32, #tpu.memory_space<vmem_shared>>
        %dma_start3A_227 = arith.constant 0 : i32
        %dma_start3A_228 = tpu.memref_slice %arg13[%add3A_224, %dma_start3A_227] : memref<10240x128xf32, #tpu.memory_space<vmem_shared>> -> memref<64x128xf32, #tpu.memory_space<vmem_shared>>
        tpu.enqueue_dma source(%arg9 : memref<64x128xf32, #tpu.memory_space<vmem>>) target(%dma_start3A_228 : memref<64x128xf32, #tpu.memory_space<vmem_shared>>) target_semaphore(%run_scoped3A : memref<!tpu.dma_semaphore, #tpu.memory_space<semaphore_mem>>)
        %dma_wait3A = arith.constant 0 : i32
        %dma_wait3A_229 = tpu.memref_slice %arg13[%add3A_224, %dma_wait3A] : memref<10240x128xf32, #tpu.memory_space<vmem_shared>> -> memref<64x128xf32, #tpu.memory_space<vmem_shared>>
        %dma_wait3A_230 = arith.constant 0 : i32
        %dma_wait3A_231 = tpu.memref_slice %arg13[%add3A_224, %dma_wait3A_230] : memref<10240x128xf32, #tpu.memory_space<vmem_shared>> -> memref<64x128xf32, #tpu.memory_space<vmem_shared>>
        tpu.wait_dma2 semaphore(%run_scoped3A : memref<!tpu.dma_semaphore, #tpu.memory_space<semaphore_mem>>) src(%arg9 : memref<64x128xf32, #tpu.memory_space<vmem>>) dst(%dma_wait3A_231 : memref<64x128xf32, #tpu.memory_space<vmem_shared>>)
        tpu.yield
      }) : () -> ()
    }
    %scan3A_8 = arith.constant 10 : i32
    %barrier3A = arith.constant 0 : index
    tpu.barrier barrier_id(%barrier3A)
    %eq3A = arith.constant 0 : i32
    %eq3A_9 = arith.cmpi eq, %arg0, %eq3A : i32
    %jit3A = arith.constant 112 : i32
    %jit3A_10 = arith.constant 48 : i32
    %select_n3A = arith.select %eq3A_9, %jit3A, %jit3A_10 : i32
    %eq3A_11 = arith.constant 0 : i32
    %eq3A_12 = arith.cmpi eq, %arg0, %eq3A_11 : i32
    %mul3A = arith.constant 112 : i32
    %mul3A_13 = arith.muli %arg1, %mul3A : i32
    %mul3A_14 = arith.constant 48 : i32
    %mul3A_15 = arith.muli %arg1, %mul3A_14 : i32
    %add3A = arith.constant 1792 : i32
    %add3A_16 = arith.addi %add3A, %mul3A_15 : i32
    %select_n3A_17 = arith.select %eq3A_12, %mul3A_13, %add3A_16 : i32
    %jit3A_18 = arith.constant 2 : i32
    %div3A = arith.divsi %select_n3A, %jit3A_18 : i32
    %sign3A = arith.constant 0 : i32
    %sign3A_19 = arith.cmpi sgt, %select_n3A, %sign3A : i32
    %sign3A_20 = arith.extui %sign3A_19 : i1 to i32
    %sign3A_21 = arith.constant 0 : i32
    %sign3A_22 = arith.cmpi slt, %select_n3A, %sign3A_21 : i32
    %sign3A_23 = arith.extui %sign3A_22 : i1 to i32
    %sign3A_24 = arith.subi %sign3A_20, %sign3A_23 : i32
    %sign3A_25 = arith.constant 0 : i32
    %sign3A_26 = arith.cmpi sgt, %jit3A_18, %sign3A_25 : i32
    %sign3A_27 = arith.extui %sign3A_26 : i1 to i32
    %sign3A_28 = arith.constant 0 : i32
    %sign3A_29 = arith.cmpi slt, %jit3A_18, %sign3A_28 : i32
    %sign3A_30 = arith.extui %sign3A_29 : i1 to i32
    %sign3A_31 = arith.subi %sign3A_27, %sign3A_30 : i32
    %ne3A = arith.cmpi ne, %sign3A_24, %sign3A_31 : i32
    %rem3A = arith.remsi %select_n3A, %jit3A_18 : i32
    %ne3A_32 = arith.constant 0 : i32
    %ne3A_33 = arith.cmpi ne, %rem3A, %ne3A_32 : i32
    %and3A = arith.andi %ne3A, %ne3A_33 : i1
    %sub3A = arith.constant 1 : i32
    %sub3A_34 = arith.subi %div3A, %sub3A : i32
    %select_n3A_35 = arith.select %and3A, %sub3A_34, %div3A : i32
    %mul3A_36 = arith.constant 0 : i32
    %mul3A_37 = arith.muli %mul3A_36, %select_n3A_35 : i32
    %add3A_38 = arith.addi %select_n3A_17, %mul3A_37 : i32
    %multiple_of3A = tpu.assume_multiple %add3A_38, 8 : i32
    %eq3A_39 = arith.constant 0 : i32
    %eq3A_40 = arith.cmpi eq, %arg0, %eq3A_39 : i32
    %convert_element_type3A = arith.extui %eq3A_40 : i1 to i32
    %cond3A = arith.constant 0 : i32
    %cond3A_41 = arith.cmpi ne, %convert_element_type3A, %cond3A : i32
    scf.if %cond3A_41 {
      "tpu.region"() ({
        %run_scoped3A = tpu.sem_alloc : memref<!tpu.dma_semaphore, #tpu.memory_space<semaphore_mem>>
        %dma_start3A_215 = arith.constant 0 : i32
        %dma_start3A_216 = arith.constant 0 : i32
        %dma_start3A_217 = tpu.memref_slice %arg7[%dma_start3A_215, %dma_start3A_216] : memref<56x64xi32, #tpu.memory_space<vmem>> -> memref<56x64xi32, #tpu.memory_space<vmem>>
        %dma_start3A_218 = arith.constant 0 : i32
        %dma_start3A_219 = tpu.memref_slice %arg4[%multiple_of3A, %dma_start3A_218] : memref<2560x64xi32, #tpu.memory_space<hbm>> -> memref<56x64xi32, #tpu.memory_space<hbm>>
        %dma_start3A_220 = arith.constant 0 : i32
        %dma_start3A_221 = arith.constant 0 : i32
        %dma_start3A_222 = tpu.memref_slice %arg7[%dma_start3A_220, %dma_start3A_221] : memref<56x64xi32, #tpu.memory_space<vmem>> -> memref<56x64xi32, #tpu.memory_space<vmem>>
        %dma_start3A_223 = arith.constant 0 : i32
        %dma_start3A_224 = tpu.memref_slice %arg4[%multiple_of3A, %dma_start3A_223] : memref<2560x64xi32, #tpu.memory_space<hbm>> -> memref<56x64xi32, #tpu.memory_space<hbm>>
        tpu.enqueue_dma source(%dma_start3A_224 : memref<56x64xi32, #tpu.memory_space<hbm>>) target(%dma_start3A_222 : memref<56x64xi32, #tpu.memory_space<vmem>>) target_semaphore(%run_scoped3A : memref<!tpu.dma_semaphore, #tpu.memory_space<semaphore_mem>>)
        %dma_wait3A = arith.constant 0 : i32
        %dma_wait3A_225 = arith.constant 0 : i32
        %dma_wait3A_226 = tpu.memref_slice %arg7[%dma_wait3A, %dma_wait3A_225] : memref<56x64xi32, #tpu.memory_space<vmem>> -> memref<56x64xi32, #tpu.memory_space<vmem>>
        %dma_wait3A_227 = arith.constant 0 : i32
        %dma_wait3A_228 = tpu.memref_slice %arg4[%multiple_of3A, %dma_wait3A_227] : memref<2560x64xi32, #tpu.memory_space<hbm>> -> memref<56x64xi32, #tpu.memory_space<hbm>>
        %dma_wait3A_229 = arith.constant 0 : i32
        %dma_wait3A_230 = arith.constant 0 : i32
        %dma_wait3A_231 = tpu.memref_slice %arg7[%dma_wait3A_229, %dma_wait3A_230] : memref<56x64xi32, #tpu.memory_space<vmem>> -> memref<56x64xi32, #tpu.memory_space<vmem>>
        %dma_wait3A_232 = arith.constant 0 : i32
        %dma_wait3A_233 = tpu.memref_slice %arg4[%multiple_of3A, %dma_wait3A_232] : memref<2560x64xi32, #tpu.memory_space<hbm>> -> memref<56x64xi32, #tpu.memory_space<hbm>>
        tpu.wait_dma2 semaphore(%run_scoped3A : memref<!tpu.dma_semaphore, #tpu.memory_space<semaphore_mem>>) src(%dma_wait3A_233 : memref<56x64xi32, #tpu.memory_space<hbm>>) dst(%dma_wait3A_231 : memref<56x64xi32, #tpu.memory_space<vmem>>)
        tpu.yield
      }) : () -> ()
      "tpu.region"() ({
        %run_scoped3A = tpu.sem_alloc : memref<!tpu.dma_semaphore, #tpu.memory_space<semaphore_mem>>
        %dma_start3A_215 = arith.constant 0 : i32
        %dma_start3A_216 = arith.constant 0 : i32
        %dma_start3A_217 = tpu.memref_slice %arg8[%dma_start3A_215, %dma_start3A_216] : memref<56x64xi32, #tpu.memory_space<vmem>> -> memref<56x64xi32, #tpu.memory_space<vmem>>
        %dma_start3A_218 = arith.constant 0 : i32
        %dma_start3A_219 = tpu.memref_slice %arg5[%multiple_of3A, %dma_start3A_218] : memref<2560x64xi32, #tpu.memory_space<hbm>> -> memref<56x64xi32, #tpu.memory_space<hbm>>
        %dma_start3A_220 = arith.constant 0 : i32
        %dma_start3A_221 = arith.constant 0 : i32
        %dma_start3A_222 = tpu.memref_slice %arg8[%dma_start3A_220, %dma_start3A_221] : memref<56x64xi32, #tpu.memory_space<vmem>> -> memref<56x64xi32, #tpu.memory_space<vmem>>
        %dma_start3A_223 = arith.constant 0 : i32
        %dma_start3A_224 = tpu.memref_slice %arg5[%multiple_of3A, %dma_start3A_223] : memref<2560x64xi32, #tpu.memory_space<hbm>> -> memref<56x64xi32, #tpu.memory_space<hbm>>
        tpu.enqueue_dma source(%dma_start3A_224 : memref<56x64xi32, #tpu.memory_space<hbm>>) target(%dma_start3A_222 : memref<56x64xi32, #tpu.memory_space<vmem>>) target_semaphore(%run_scoped3A : memref<!tpu.dma_semaphore, #tpu.memory_space<semaphore_mem>>)
        %dma_wait3A = arith.constant 0 : i32
        %dma_wait3A_225 = arith.constant 0 : i32
        %dma_wait3A_226 = tpu.memref_slice %arg8[%dma_wait3A, %dma_wait3A_225] : memref<56x64xi32, #tpu.memory_space<vmem>> -> memref<56x64xi32, #tpu.memory_space<vmem>>
        %dma_wait3A_227 = arith.constant 0 : i32
        %dma_wait3A_228 = tpu.memref_slice %arg5[%multiple_of3A, %dma_wait3A_227] : memref<2560x64xi32, #tpu.memory_space<hbm>> -> memref<56x64xi32, #tpu.memory_space<hbm>>
        %dma_wait3A_229 = arith.constant 0 : i32
        %dma_wait3A_230 = arith.constant 0 : i32
        %dma_wait3A_231 = tpu.memref_slice %arg8[%dma_wait3A_229, %dma_wait3A_230] : memref<56x64xi32, #tpu.memory_space<vmem>> -> memref<56x64xi32, #tpu.memory_space<vmem>>
        %dma_wait3A_232 = arith.constant 0 : i32
        %dma_wait3A_233 = tpu.memref_slice %arg5[%multiple_of3A, %dma_wait3A_232] : memref<2560x64xi32, #tpu.memory_space<hbm>> -> memref<56x64xi32, #tpu.memory_space<hbm>>
        tpu.wait_dma2 semaphore(%run_scoped3A : memref<!tpu.dma_semaphore, #tpu.memory_space<semaphore_mem>>) src(%dma_wait3A_233 : memref<56x64xi32, #tpu.memory_space<hbm>>) dst(%dma_wait3A_231 : memref<56x64xi32, #tpu.memory_space<vmem>>)
        tpu.yield
      }) : () -> ()
    } else {
    }
    %eq3A_42 = arith.constant 1 : i32
    %eq3A_43 = arith.cmpi eq, %arg0, %eq3A_42 : i32
    %convert_element_type3A_44 = arith.extui %eq3A_43 : i1 to i32
    %cond3A_45 = arith.constant 0 : i32
    %cond3A_46 = arith.cmpi ne, %convert_element_type3A_44, %cond3A_45 : i32
    scf.if %cond3A_46 {
      "tpu.region"() ({
        %run_scoped3A = tpu.sem_alloc : memref<!tpu.dma_semaphore, #tpu.memory_space<semaphore_mem>>
        %dma_start3A_215 = arith.constant 0 : i32
        %dma_start3A_216 = arith.constant 0 : i32
        %dma_start3A_217 = tpu.memref_slice %arg7[%dma_start3A_215, %dma_start3A_216] : memref<56x64xi32, #tpu.memory_space<vmem>> -> memref<24x64xi32, #tpu.memory_space<vmem>>
        %dma_start3A_218 = arith.constant 0 : i32
        %dma_start3A_219 = tpu.memref_slice %arg4[%multiple_of3A, %dma_start3A_218] : memref<2560x64xi32, #tpu.memory_space<hbm>> -> memref<24x64xi32, #tpu.memory_space<hbm>>
        %dma_start3A_220 = arith.constant 0 : i32
        %dma_start3A_221 = arith.constant 0 : i32
        %dma_start3A_222 = tpu.memref_slice %arg7[%dma_start3A_220, %dma_start3A_221] : memref<56x64xi32, #tpu.memory_space<vmem>> -> memref<24x64xi32, #tpu.memory_space<vmem>>
        %dma_start3A_223 = arith.constant 0 : i32
        %dma_start3A_224 = tpu.memref_slice %arg4[%multiple_of3A, %dma_start3A_223] : memref<2560x64xi32, #tpu.memory_space<hbm>> -> memref<24x64xi32, #tpu.memory_space<hbm>>
        tpu.enqueue_dma source(%dma_start3A_224 : memref<24x64xi32, #tpu.memory_space<hbm>>) target(%dma_start3A_222 : memref<24x64xi32, #tpu.memory_space<vmem>>) target_semaphore(%run_scoped3A : memref<!tpu.dma_semaphore, #tpu.memory_space<semaphore_mem>>)
        %dma_wait3A = arith.constant 0 : i32
        %dma_wait3A_225 = arith.constant 0 : i32
        %dma_wait3A_226 = tpu.memref_slice %arg7[%dma_wait3A, %dma_wait3A_225] : memref<56x64xi32, #tpu.memory_space<vmem>> -> memref<24x64xi32, #tpu.memory_space<vmem>>
        %dma_wait3A_227 = arith.constant 0 : i32
        %dma_wait3A_228 = tpu.memref_slice %arg4[%multiple_of3A, %dma_wait3A_227] : memref<2560x64xi32, #tpu.memory_space<hbm>> -> memref<24x64xi32, #tpu.memory_space<hbm>>
        %dma_wait3A_229 = arith.constant 0 : i32
        %dma_wait3A_230 = arith.constant 0 : i32
        %dma_wait3A_231 = tpu.memref_slice %arg7[%dma_wait3A_229, %dma_wait3A_230] : memref<56x64xi32, #tpu.memory_space<vmem>> -> memref<24x64xi32, #tpu.memory_space<vmem>>
        %dma_wait3A_232 = arith.constant 0 : i32
        %dma_wait3A_233 = tpu.memref_slice %arg4[%multiple_of3A, %dma_wait3A_232] : memref<2560x64xi32, #tpu.memory_space<hbm>> -> memref<24x64xi32, #tpu.memory_space<hbm>>
        tpu.wait_dma2 semaphore(%run_scoped3A : memref<!tpu.dma_semaphore, #tpu.memory_space<semaphore_mem>>) src(%dma_wait3A_233 : memref<24x64xi32, #tpu.memory_space<hbm>>) dst(%dma_wait3A_231 : memref<24x64xi32, #tpu.memory_space<vmem>>)
        tpu.yield
      }) : () -> ()
      "tpu.region"() ({
        %run_scoped3A = tpu.sem_alloc : memref<!tpu.dma_semaphore, #tpu.memory_space<semaphore_mem>>
        %dma_start3A_215 = arith.constant 0 : i32
        %dma_start3A_216 = arith.constant 0 : i32
        %dma_start3A_217 = tpu.memref_slice %arg8[%dma_start3A_215, %dma_start3A_216] : memref<56x64xi32, #tpu.memory_space<vmem>> -> memref<24x64xi32, #tpu.memory_space<vmem>>
        %dma_start3A_218 = arith.constant 0 : i32
        %dma_start3A_219 = tpu.memref_slice %arg5[%multiple_of3A, %dma_start3A_218] : memref<2560x64xi32, #tpu.memory_space<hbm>> -> memref<24x64xi32, #tpu.memory_space<hbm>>
        %dma_start3A_220 = arith.constant 0 : i32
        %dma_start3A_221 = arith.constant 0 : i32
        %dma_start3A_222 = tpu.memref_slice %arg8[%dma_start3A_220, %dma_start3A_221] : memref<56x64xi32, #tpu.memory_space<vmem>> -> memref<24x64xi32, #tpu.memory_space<vmem>>
        %dma_start3A_223 = arith.constant 0 : i32
        %dma_start3A_224 = tpu.memref_slice %arg5[%multiple_of3A, %dma_start3A_223] : memref<2560x64xi32, #tpu.memory_space<hbm>> -> memref<24x64xi32, #tpu.memory_space<hbm>>
        tpu.enqueue_dma source(%dma_start3A_224 : memref<24x64xi32, #tpu.memory_space<hbm>>) target(%dma_start3A_222 : memref<24x64xi32, #tpu.memory_space<vmem>>) target_semaphore(%run_scoped3A : memref<!tpu.dma_semaphore, #tpu.memory_space<semaphore_mem>>)
        %dma_wait3A = arith.constant 0 : i32
        %dma_wait3A_225 = arith.constant 0 : i32
        %dma_wait3A_226 = tpu.memref_slice %arg8[%dma_wait3A, %dma_wait3A_225] : memref<56x64xi32, #tpu.memory_space<vmem>> -> memref<24x64xi32, #tpu.memory_space<vmem>>
        %dma_wait3A_227 = arith.constant 0 : i32
        %dma_wait3A_228 = tpu.memref_slice %arg5[%multiple_of3A, %dma_wait3A_227] : memref<2560x64xi32, #tpu.memory_space<hbm>> -> memref<24x64xi32, #tpu.memory_space<hbm>>
        %dma_wait3A_229 = arith.constant 0 : i32
        %dma_wait3A_230 = arith.constant 0 : i32
        %dma_wait3A_231 = tpu.memref_slice %arg8[%dma_wait3A_229, %dma_wait3A_230] : memref<56x64xi32, #tpu.memory_space<vmem>> -> memref<24x64xi32, #tpu.memory_space<vmem>>
        %dma_wait3A_232 = arith.constant 0 : i32
        %dma_wait3A_233 = tpu.memref_slice %arg5[%multiple_of3A, %dma_wait3A_232] : memref<2560x64xi32, #tpu.memory_space<hbm>> -> memref<24x64xi32, #tpu.memory_space<hbm>>
        tpu.wait_dma2 semaphore(%run_scoped3A : memref<!tpu.dma_semaphore, #tpu.memory_space<semaphore_mem>>) src(%dma_wait3A_233 : memref<24x64xi32, #tpu.memory_space<hbm>>) dst(%dma_wait3A_231 : memref<24x64xi32, #tpu.memory_space<vmem>>)
        tpu.yield
      }) : () -> ()
    } else {
    }
    %dma_start3A = arith.constant 0 : i32
    %dma_start3A_47 = arith.constant 0 : i32
    %dma_start3A_48 = tpu.memref_slice %arg7[%dma_start3A, %dma_start3A_47] : memref<56x64xi32, #tpu.memory_space<vmem>> -> memref<1x64xi32, #tpu.memory_space<vmem>>
    %dma_start3A_49 = tpu.memref_squeeze %dma_start3A_48 : memref<1x64xi32, #tpu.memory_space<vmem>> -> memref<64xi32, #tpu.memory_space<vmem>>
    %dma_start3A_50 = arith.constant 0 : i32
    %dma_start3A_51 = arith.constant 0 : i32
    %dma_start3A_52 = tpu.memref_slice %arg2[%dma_start3A_50, %dma_start3A_51] : memref<10000x128xf32, #tpu.memory_space<hbm>> -> memref<10000x128xf32, #tpu.memory_space<hbm>>
    tpu.enqueue_indirect_dma source(%dma_start3A_52 : memref<10000x128xf32, #tpu.memory_space<hbm>>) target(%arg9 : memref<64x128xf32, #tpu.memory_space<vmem>>) offsets(%dma_start3A_49 : memref<64xi32, #tpu.memory_space<vmem>>) semaphore(%arg14 : memref<!tpu.dma_semaphore, #tpu.memory_space<semaphore_mem>>)
    %add3A_53 = arith.constant 0 : i32
    %add3A_54 = arith.addi %multiple_of3A, %add3A_53 : i32
    %mul3A_55 = arith.constant 64 : i32
    %mul3A_56 = arith.muli %add3A_54, %mul3A_55 : i32
    %multiple_of3A_57 = tpu.assume_multiple %mul3A_56, 64 : i32
    %dma_start3A_58 = arith.constant 0 : i32
    %dma_start3A_59 = tpu.memref_slice %arg3[%multiple_of3A_57, %dma_start3A_58] : memref<163840x128xf32, #tpu.memory_space<hbm>> -> memref<64x128xf32, #tpu.memory_space<hbm>>
    %dma_start3A_60 = arith.constant 0 : i32
    %dma_start3A_61 = tpu.memref_slice %arg3[%multiple_of3A_57, %dma_start3A_60] : memref<163840x128xf32, #tpu.memory_space<hbm>> -> memref<64x128xf32, #tpu.memory_space<hbm>>
    tpu.enqueue_dma source(%dma_start3A_61 : memref<64x128xf32, #tpu.memory_space<hbm>>) target(%arg11 : memref<64x128xf32, #tpu.memory_space<vmem>>) target_semaphore(%arg16 : memref<!tpu.dma_semaphore, #tpu.memory_space<semaphore_mem>>)
    %dma_start3A_62 = arith.constant 1 : i32
    %dma_start3A_63 = arith.constant 0 : i32
    %dma_start3A_64 = tpu.memref_slice %arg7[%dma_start3A_62, %dma_start3A_63] : memref<56x64xi32, #tpu.memory_space<vmem>> -> memref<1x64xi32, #tpu.memory_space<vmem>>
    %dma_start3A_65 = tpu.memref_squeeze %dma_start3A_64 : memref<1x64xi32, #tpu.memory_space<vmem>> -> memref<64xi32, #tpu.memory_space<vmem>>
    %dma_start3A_66 = arith.constant 0 : i32
    %dma_start3A_67 = arith.constant 0 : i32
    %dma_start3A_68 = tpu.memref_slice %arg2[%dma_start3A_66, %dma_start3A_67] : memref<10000x128xf32, #tpu.memory_space<hbm>> -> memref<10000x128xf32, #tpu.memory_space<hbm>>
    tpu.enqueue_indirect_dma source(%dma_start3A_68 : memref<10000x128xf32, #tpu.memory_space<hbm>>) target(%arg10 : memref<64x128xf32, #tpu.memory_space<vmem>>) offsets(%dma_start3A_65 : memref<64xi32, #tpu.memory_space<vmem>>) semaphore(%arg15 : memref<!tpu.dma_semaphore, #tpu.memory_space<semaphore_mem>>)
    %add3A_69 = arith.constant 1 : i32
    %add3A_70 = arith.addi %multiple_of3A, %add3A_69 : i32
    %mul3A_71 = arith.constant 64 : i32
    %mul3A_72 = arith.muli %add3A_70, %mul3A_71 : i32
    %multiple_of3A_73 = tpu.assume_multiple %mul3A_72, 64 : i32
    %dma_start3A_74 = arith.constant 0 : i32
    %dma_start3A_75 = tpu.memref_slice %arg3[%multiple_of3A_73, %dma_start3A_74] : memref<163840x128xf32, #tpu.memory_space<hbm>> -> memref<64x128xf32, #tpu.memory_space<hbm>>
    %dma_start3A_76 = arith.constant 0 : i32
    %dma_start3A_77 = tpu.memref_slice %arg3[%multiple_of3A_73, %dma_start3A_76] : memref<163840x128xf32, #tpu.memory_space<hbm>> -> memref<64x128xf32, #tpu.memory_space<hbm>>
    tpu.enqueue_dma source(%dma_start3A_77 : memref<64x128xf32, #tpu.memory_space<hbm>>) target(%arg12 : memref<64x128xf32, #tpu.memory_space<vmem>>) target_semaphore(%arg17 : memref<!tpu.dma_semaphore, #tpu.memory_space<semaphore_mem>>)
    %jit3A_78 = arith.constant 2 : i32
    %div3A_79 = arith.divsi %select_n3A_35, %jit3A_78 : i32
    %sign3A_80 = arith.constant 0 : i32
    %sign3A_81 = arith.cmpi sgt, %select_n3A_35, %sign3A_80 : i32
    %sign3A_82 = arith.extui %sign3A_81 : i1 to i32
    %sign3A_83 = arith.constant 0 : i32
    %sign3A_84 = arith.cmpi slt, %select_n3A_35, %sign3A_83 : i32
    %sign3A_85 = arith.extui %sign3A_84 : i1 to i32
    %sign3A_86 = arith.subi %sign3A_82, %sign3A_85 : i32
    %sign3A_87 = arith.constant 0 : i32
    %sign3A_88 = arith.cmpi sgt, %jit3A_78, %sign3A_87 : i32
    %sign3A_89 = arith.extui %sign3A_88 : i1 to i32
    %sign3A_90 = arith.constant 0 : i32
    %sign3A_91 = arith.cmpi slt, %jit3A_78, %sign3A_90 : i32
    %sign3A_92 = arith.extui %sign3A_91 : i1 to i32
    %sign3A_93 = arith.subi %sign3A_89, %sign3A_92 : i32
    %ne3A_94 = arith.cmpi ne, %sign3A_86, %sign3A_93 : i32
    %rem3A_95 = arith.remsi %select_n3A_35, %jit3A_78 : i32
    %ne3A_96 = arith.constant 0 : i32
    %ne3A_97 = arith.cmpi ne, %rem3A_95, %ne3A_96 : i32
    %and3A_98 = arith.andi %ne3A_94, %ne3A_97 : i1
    %sub3A_99 = arith.constant 1 : i32
    %sub3A_100 = arith.subi %div3A_79, %sub3A_99 : i32
    %select_n3A_101 = arith.select %and3A_98, %sub3A_100, %div3A_79 : i32
    %sub3A_102 = arith.constant 0 : i32
    %sub3A_103 = arith.subi %select_n3A_101, %sub3A_102 : i32
    %sub3A_104 = arith.constant 1 : i32
    %sub3A_105 = arith.constant 1 : i32
    %sub3A_106 = arith.subi %sub3A_104, %sub3A_105 : i32
    %add3A_107 = arith.addi %sub3A_103, %sub3A_106 : i32
    %div3A_108 = arith.constant 1 : i32
    %div3A_109 = arith.divsi %add3A_107, %div3A_108 : i32
    %while3A = arith.constant 1 : i32
    %while3A_110 = arith.constant 0 : i32
    %while3A_111 = arith.constant 0 : i32
    %while3A_112 = arith.subi %div3A_109, %while3A_111 : i32
    %while3A_113 = arith.addi %while3A_111, %while3A_112 : i32
    %while3A_114 = arith.constant 1 : i32
    %while3A_115 = arith.divsi %while3A_112, %while3A_114 : i32
    %while3A_116 = arith.muli %while3A_115, %while3A_114 : i32
    %while3A_117 = arith.addi %while3A_111, %while3A_116 : i32
    %while3A_118 = arith.constant 1 : i32
    scf.for %while3A_215 = %while3A_111 to %while3A_117 step %while3A_118  : i32 {
      %mul3A_216 = arith.muli %while3A_215, %while3A : i32
      %add3A_217 = arith.addi %while3A_110, %mul3A_216 : i32
      %mul3A_218 = arith.constant 2 : i32
      %mul3A_219 = arith.muli %mul3A_218, %add3A_217 : i32
      %add3A_220 = arith.constant 1 : i32
      %add3A_221 = arith.addi %mul3A_219, %add3A_220 : i32
      %dma_wait3A = arith.constant 0 : i32
      %dma_wait3A_222 = tpu.memref_slice %arg7[%mul3A_219, %dma_wait3A] : memref<56x64xi32, #tpu.memory_space<vmem>> -> memref<1x64xi32, #tpu.memory_space<vmem>>
      %dma_wait3A_223 = tpu.memref_squeeze %dma_wait3A_222 : memref<1x64xi32, #tpu.memory_space<vmem>> -> memref<64xi32, #tpu.memory_space<vmem>>
      %dma_wait3A_224 = arith.constant 0 : i32
      %dma_wait3A_225 = arith.constant 0 : i32
      %dma_wait3A_226 = tpu.memref_slice %arg2[%dma_wait3A_224, %dma_wait3A_225] : memref<10000x128xf32, #tpu.memory_space<hbm>> -> memref<10000x128xf32, #tpu.memory_space<hbm>>
      tpu.wait_indirect_dma semaphore(%arg14 : memref<!tpu.dma_semaphore, #tpu.memory_space<semaphore_mem>>) src(%dma_wait3A_226 : memref<10000x128xf32, #tpu.memory_space<hbm>>) dst(%arg9 : memref<64x128xf32, #tpu.memory_space<vmem>>)
      %add3A_227 = arith.addi %multiple_of3A, %mul3A_219 : i32
      %mul3A_228 = arith.constant 64 : i32
      %mul3A_229 = arith.muli %add3A_227, %mul3A_228 : i32
      %multiple_of3A_230 = tpu.assume_multiple %mul3A_229, 64 : i32
      %dma_wait3A_231 = arith.constant 0 : i32
      %dma_wait3A_232 = tpu.memref_slice %arg3[%multiple_of3A_230, %dma_wait3A_231] : memref<163840x128xf32, #tpu.memory_space<hbm>> -> memref<64x128xf32, #tpu.memory_space<hbm>>
      %dma_wait3A_233 = arith.constant 0 : i32
      %dma_wait3A_234 = tpu.memref_slice %arg3[%multiple_of3A_230, %dma_wait3A_233] : memref<163840x128xf32, #tpu.memory_space<hbm>> -> memref<64x128xf32, #tpu.memory_space<hbm>>
      tpu.wait_dma2 semaphore(%arg16 : memref<!tpu.dma_semaphore, #tpu.memory_space<semaphore_mem>>) src(%dma_wait3A_234 : memref<64x128xf32, #tpu.memory_space<hbm>>) dst(%arg11 : memref<64x128xf32, #tpu.memory_space<vmem>>)
      %scan3A_235 = arith.constant 0 : i32
      %scan3A_236 = arith.constant 64 : i32
      %scan3A_237 = arith.addi %scan3A_235, %scan3A_236 : i32
      %scan3A_238 = arith.constant 1 : i32
      scf.for %scan3A_306 = %scan3A_235 to %scan3A_237 step %scan3A_238  : i32 {
        %mul3A_307 = arith.constant 1 : i32
        %mul3A_308 = arith.muli %scan3A_306, %mul3A_307 : i32
        %add3A_309 = arith.constant 0 : i32
        %add3A_310 = arith.addi %add3A_309, %mul3A_308 : i32
        %get3A = arith.index_cast %add3A_310 : i32 to index
        %get3A_311 = arith.constant 0 : index
        %get3A_312 = tpu.vector_load %arg11[%get3A, %get3A_311] {strides = array<i32>} : memref<64x128xf32, #tpu.memory_space<vmem>>, vector<1x16xf32>,
        %get3A_313 = vector.shape_cast %get3A_312 : vector<1x16xf32> to vector<16xf32>
        %get3A_314 = arith.index_cast %add3A_310 : i32 to index
        %get3A_315 = arith.constant 0 : index
        %get3A_316 = tpu.vector_load %arg9[%get3A_314, %get3A_315] {strides = array<i32>} : memref<64x128xf32, #tpu.memory_space<vmem>>, vector<1x16xf32>,
        %get3A_317 = vector.shape_cast %get3A_316 : vector<1x16xf32> to vector<16xf32>
        %mul3A_318 = arith.mulf %get3A_313, %get3A_317 : vector<16xf32>
        %swap3A = arith.index_cast %add3A_310 : i32 to index
        %swap3A_319 = arith.constant 0 : index
        %swap3A_320 = tpu.vector_load %arg11[%swap3A, %swap3A_319] {strides = array<i32>} : memref<64x128xf32, #tpu.memory_space<vmem>>, vector<1x16xf32>,
        %swap3A_321 = vector.shape_cast %swap3A_320 : vector<1x16xf32> to vector<16xf32>
        %swap3A_322 = vector.shape_cast %mul3A_318 : vector<16xf32> to vector<1x16xf32>
        tpu.vector_store %arg11[%swap3A, %swap3A_319], %swap3A_322 {strides = array<i32>} : memref<64x128xf32, #tpu.memory_space<vmem>>, vector<1x16xf32>,
        %get3A_323 = arith.index_cast %add3A_310 : i32 to index
        %get3A_324 = arith.constant 16 : index
        %get3A_325 = tpu.vector_load %arg11[%get3A_323, %get3A_324] {strides = array<i32>} : memref<64x128xf32, #tpu.memory_space<vmem>>, vector<1x16xf32>,
        %get3A_326 = vector.shape_cast %get3A_325 : vector<1x16xf32> to vector<16xf32>
        %get3A_327 = arith.index_cast %add3A_310 : i32 to index
        %get3A_328 = arith.constant 16 : index
        %get3A_329 = tpu.vector_load %arg9[%get3A_327, %get3A_328] {strides = array<i32>} : memref<64x128xf32, #tpu.memory_space<vmem>>, vector<1x16xf32>,
        %get3A_330 = vector.shape_cast %get3A_329 : vector<1x16xf32> to vector<16xf32>
        %mul3A_331 = arith.mulf %get3A_326, %get3A_330 : vector<16xf32>
        %swap3A_332 = arith.index_cast %add3A_310 : i32 to index
        %swap3A_333 = arith.constant 16 : index
        %swap3A_334 = tpu.vector_load %arg11[%swap3A_332, %swap3A_333] {strides = array<i32>} : memref<64x128xf32, #tpu.memory_space<vmem>>, vector<1x16xf32>,
        %swap3A_335 = vector.shape_cast %swap3A_334 : vector<1x16xf32> to vector<16xf32>
        %swap3A_336 = vector.shape_cast %mul3A_331 : vector<16xf32> to vector<1x16xf32>
        tpu.vector_store %arg11[%swap3A_332, %swap3A_333], %swap3A_336 {strides = array<i32>} : memref<64x128xf32, #tpu.memory_space<vmem>>, vector<1x16xf32>,
        %get3A_337 = arith.index_cast %add3A_310 : i32 to index
        %get3A_338 = arith.constant 32 : index
        %get3A_339 = tpu.vector_load %arg11[%get3A_337, %get3A_338] {strides = array<i32>} : memref<64x128xf32, #tpu.memory_space<vmem>>, vector<1x16xf32>,
        %get3A_340 = vector.shape_cast %get3A_339 : vector<1x16xf32> to vector<16xf32>
        %get3A_341 = arith.index_cast %add3A_310 : i32 to index
        %get3A_342 = arith.constant 32 : index
        %get3A_343 = tpu.vector_load %arg9[%get3A_341, %get3A_342] {strides = array<i32>} : memref<64x128xf32, #tpu.memory_space<vmem>>, vector<1x16xf32>,
        %get3A_344 = vector.shape_cast %get3A_343 : vector<1x16xf32> to vector<16xf32>
        %mul3A_345 = arith.mulf %get3A_340, %get3A_344 : vector<16xf32>
        %swap3A_346 = arith.index_cast %add3A_310 : i32 to index
        %swap3A_347 = arith.constant 32 : index
        %swap3A_348 = tpu.vector_load %arg11[%swap3A_346, %swap3A_347] {strides = array<i32>} : memref<64x128xf32, #tpu.memory_space<vmem>>, vector<1x16xf32>,
        %swap3A_349 = vector.shape_cast %swap3A_348 : vector<1x16xf32> to vector<16xf32>
        %swap3A_350 = vector.shape_cast %mul3A_345 : vector<16xf32> to vector<1x16xf32>
        tpu.vector_store %arg11[%swap3A_346, %swap3A_347], %swap3A_350 {strides = array<i32>} : memref<64x128xf32, #tpu.memory_space<vmem>>, vector<1x16xf32>,
        %get3A_351 = arith.index_cast %add3A_310 : i32 to index
        %get3A_352 = arith.constant 48 : index
        %get3A_353 = tpu.vector_load %arg11[%get3A_351, %get3A_352] {strides = array<i32>} : memref<64x128xf32, #tpu.memory_space<vmem>>, vector<1x16xf32>,
        %get3A_354 = vector.shape_cast %get3A_353 : vector<1x16xf32> to vector<16xf32>
        %get3A_355 = arith.index_cast %add3A_310 : i32 to index
        %get3A_356 = arith.constant 48 : index
        %get3A_357 = tpu.vector_load %arg9[%get3A_355, %get3A_356] {strides = array<i32>} : memref<64x128xf32, #tpu.memory_space<vmem>>, vector<1x16xf32>,
        %get3A_358 = vector.shape_cast %get3A_357 : vector<1x16xf32> to vector<16xf32>
        %mul3A_359 = arith.mulf %get3A_354, %get3A_358 : vector<16xf32>
        %swap3A_360 = arith.index_cast %add3A_310 : i32 to index
        %swap3A_361 = arith.constant 48 : index
        %swap3A_362 = tpu.vector_load %arg11[%swap3A_360, %swap3A_361] {strides = array<i32>} : memref<64x128xf32, #tpu.memory_space<vmem>>, vector<1x16xf32>,
        %swap3A_363 = vector.shape_cast %swap3A_362 : vector<1x16xf32> to vector<16xf32>
        %swap3A_364 = vector.shape_cast %mul3A_359 : vector<16xf32> to vector<1x16xf32>
        tpu.vector_store %arg11[%swap3A_360, %swap3A_361], %swap3A_364 {strides = array<i32>} : memref<64x128xf32, #tpu.memory_space<vmem>>, vector<1x16xf32>,
        %get3A_365 = arith.index_cast %add3A_310 : i32 to index
        %get3A_366 = arith.constant 64 : index
        %get3A_367 = tpu.vector_load %arg11[%get3A_365, %get3A_366] {strides = array<i32>} : memref<64x128xf32, #tpu.memory_space<vmem>>, vector<1x16xf32>,
        %get3A_368 = vector.shape_cast %get3A_367 : vector<1x16xf32> to vector<16xf32>
        %get3A_369 = arith.index_cast %add3A_310 : i32 to index
        %get3A_370 = arith.constant 64 : index
        %get3A_371 = tpu.vector_load %arg9[%get3A_369, %get3A_370] {strides = array<i32>} : memref<64x128xf32, #tpu.memory_space<vmem>>, vector<1x16xf32>,
        %get3A_372 = vector.shape_cast %get3A_371 : vector<1x16xf32> to vector<16xf32>
        %mul3A_373 = arith.mulf %get3A_368, %get3A_372 : vector<16xf32>
        %swap3A_374 = arith.index_cast %add3A_310 : i32 to index
        %swap3A_375 = arith.constant 64 : index
        %swap3A_376 = tpu.vector_load %arg11[%swap3A_374, %swap3A_375] {strides = array<i32>} : memref<64x128xf32, #tpu.memory_space<vmem>>, vector<1x16xf32>,
        %swap3A_377 = vector.shape_cast %swap3A_376 : vector<1x16xf32> to vector<16xf32>
        %swap3A_378 = vector.shape_cast %mul3A_373 : vector<16xf32> to vector<1x16xf32>
        tpu.vector_store %arg11[%swap3A_374, %swap3A_375], %swap3A_378 {strides = array<i32>} : memref<64x128xf32, #tpu.memory_space<vmem>>, vector<1x16xf32>,
        %get3A_379 = arith.index_cast %add3A_310 : i32 to index
        %get3A_380 = arith.constant 80 : index
        %get3A_381 = tpu.vector_load %arg11[%get3A_379, %get3A_380] {strides = array<i32>} : memref<64x128xf32, #tpu.memory_space<vmem>>, vector<1x16xf32>,
        %get3A_382 = vector.shape_cast %get3A_381 : vector<1x16xf32> to vector<16xf32>
        %get3A_383 = arith.index_cast %add3A_310 : i32 to index
        %get3A_384 = arith.constant 80 : index
        %get3A_385 = tpu.vector_load %arg9[%get3A_383, %get3A_384] {strides = array<i32>} : memref<64x128xf32, #tpu.memory_space<vmem>>, vector<1x16xf32>,
        %get3A_386 = vector.shape_cast %get3A_385 : vector<1x16xf32> to vector<16xf32>
        %mul3A_387 = arith.mulf %get3A_382, %get3A_386 : vector<16xf32>
        %swap3A_388 = arith.index_cast %add3A_310 : i32 to index
        %swap3A_389 = arith.constant 80 : index
        %swap3A_390 = tpu.vector_load %arg11[%swap3A_388, %swap3A_389] {strides = array<i32>} : memref<64x128xf32, #tpu.memory_space<vmem>>, vector<1x16xf32>,
        %swap3A_391 = vector.shape_cast %swap3A_390 : vector<1x16xf32> to vector<16xf32>
        %swap3A_392 = vector.shape_cast %mul3A_387 : vector<16xf32> to vector<1x16xf32>
        tpu.vector_store %arg11[%swap3A_388, %swap3A_389], %swap3A_392 {strides = array<i32>} : memref<64x128xf32, #tpu.memory_space<vmem>>, vector<1x16xf32>,
        %get3A_393 = arith.index_cast %add3A_310 : i32 to index
        %get3A_394 = arith.constant 96 : index
        %get3A_395 = tpu.vector_load %arg11[%get3A_393, %get3A_394] {strides = array<i32>} : memref<64x128xf32, #tpu.memory_space<vmem>>, vector<1x16xf32>,
        %get3A_396 = vector.shape_cast %get3A_395 : vector<1x16xf32> to vector<16xf32>
        %get3A_397 = arith.index_cast %add3A_310 : i32 to index
        %get3A_398 = arith.constant 96 : index
        %get3A_399 = tpu.vector_load %arg9[%get3A_397, %get3A_398] {strides = array<i32>} : memref<64x128xf32, #tpu.memory_space<vmem>>, vector<1x16xf32>,
        %get3A_400 = vector.shape_cast %get3A_399 : vector<1x16xf32> to vector<16xf32>
        %mul3A_401 = arith.mulf %get3A_396, %get3A_400 : vector<16xf32>
        %swap3A_402 = arith.index_cast %add3A_310 : i32 to index
        %swap3A_403 = arith.constant 96 : index
        %swap3A_404 = tpu.vector_load %arg11[%swap3A_402, %swap3A_403] {strides = array<i32>} : memref<64x128xf32, #tpu.memory_space<vmem>>, vector<1x16xf32>,
        %swap3A_405 = vector.shape_cast %swap3A_404 : vector<1x16xf32> to vector<16xf32>
        %swap3A_406 = vector.shape_cast %mul3A_401 : vector<16xf32> to vector<1x16xf32>
        tpu.vector_store %arg11[%swap3A_402, %swap3A_403], %swap3A_406 {strides = array<i32>} : memref<64x128xf32, #tpu.memory_space<vmem>>, vector<1x16xf32>,
        %get3A_407 = arith.index_cast %add3A_310 : i32 to index
        %get3A_408 = arith.constant 112 : index
        %get3A_409 = tpu.vector_load %arg11[%get3A_407, %get3A_408] {strides = array<i32>} : memref<64x128xf32, #tpu.memory_space<vmem>>, vector<1x16xf32>,
        %get3A_410 = vector.shape_cast %get3A_409 : vector<1x16xf32> to vector<16xf32>
        %get3A_411 = arith.index_cast %add3A_310 : i32 to index
        %get3A_412 = arith.constant 112 : index
        %get3A_413 = tpu.vector_load %arg9[%get3A_411, %get3A_412] {strides = array<i32>} : memref<64x128xf32, #tpu.memory_space<vmem>>, vector<1x16xf32>,
        %get3A_414 = vector.shape_cast %get3A_413 : vector<1x16xf32> to vector<16xf32>
        %mul3A_415 = arith.mulf %get3A_410, %get3A_414 : vector<16xf32>
        %swap3A_416 = arith.index_cast %add3A_310 : i32 to index
        %swap3A_417 = arith.constant 112 : index
        %swap3A_418 = tpu.vector_load %arg11[%swap3A_416, %swap3A_417] {strides = array<i32>} : memref<64x128xf32, #tpu.memory_space<vmem>>, vector<1x16xf32>,
        %swap3A_419 = vector.shape_cast %swap3A_418 : vector<1x16xf32> to vector<16xf32>
        %swap3A_420 = vector.shape_cast %mul3A_415 : vector<16xf32> to vector<1x16xf32>
        tpu.vector_store %arg11[%swap3A_416, %swap3A_417], %swap3A_420 {strides = array<i32>} : memref<64x128xf32, #tpu.memory_space<vmem>>, vector<1x16xf32>,
      }
      %scan3A_239 = arith.constant 64 : i32
      %add3A_240 = arith.constant 2 : i32
      %add3A_241 = arith.addi %mul3A_219, %add3A_240 : i32
      %lt3A = arith.cmpi slt, %add3A_241, %select_n3A_35 : i32
      %convert_element_type3A_242 = arith.extui %lt3A : i1 to i32
      %cond3A_243 = arith.constant 0 : i32
      %cond3A_244 = arith.cmpi ne, %convert_element_type3A_242, %cond3A_243 : i32
      scf.if %cond3A_244 {
        %add3A_306 = arith.constant 2 : i32
        %add3A_307 = arith.addi %mul3A_219, %add3A_306 : i32
        %dma_start3A_308 = arith.constant 0 : i32
        %dma_start3A_309 = tpu.memref_slice %arg7[%add3A_307, %dma_start3A_308] : memref<56x64xi32, #tpu.memory_space<vmem>> -> memref<1x64xi32, #tpu.memory_space<vmem>>
        %dma_start3A_310 = tpu.memref_squeeze %dma_start3A_309 : memref<1x64xi32, #tpu.memory_space<vmem>> -> memref<64xi32, #tpu.memory_space<vmem>>
        %dma_start3A_311 = arith.constant 0 : i32
        %dma_start3A_312 = arith.constant 0 : i32
        %dma_start3A_313 = tpu.memref_slice %arg2[%dma_start3A_311, %dma_start3A_312] : memref<10000x128xf32, #tpu.memory_space<hbm>> -> memref<10000x128xf32, #tpu.memory_space<hbm>>
        tpu.enqueue_indirect_dma source(%dma_start3A_313 : memref<10000x128xf32, #tpu.memory_space<hbm>>) target(%arg9 : memref<64x128xf32, #tpu.memory_space<vmem>>) offsets(%dma_start3A_310 : memref<64xi32, #tpu.memory_space<vmem>>) semaphore(%arg14 : memref<!tpu.dma_semaphore, #tpu.memory_space<semaphore_mem>>)
      } else {
      }
      %dma_start3A_245 = arith.constant 0 : i32
      %dma_start3A_246 = tpu.memref_slice %arg8[%mul3A_219, %dma_start3A_245] : memref<56x64xi32, #tpu.memory_space<vmem>> -> memref<1x64xi32, #tpu.memory_space<vmem>>
      %dma_start3A_247 = tpu.memref_squeeze %dma_start3A_246 : memref<1x64xi32, #tpu.memory_space<vmem>> -> memref<64xi32, #tpu.memory_space<vmem>>
      %dma_start3A_248 = arith.constant 0 : i32
      %dma_start3A_249 = arith.constant 0 : i32
      %dma_start3A_250 = tpu.memref_slice %arg13[%dma_start3A_248, %dma_start3A_249] : memref<10240x128xf32, #tpu.memory_space<vmem_shared>> -> memref<10240x128xf32, #tpu.memory_space<vmem_shared>>
      tpu.enqueue_indirect_dma source(%arg11 : memref<64x128xf32, #tpu.memory_space<vmem>>) target(%dma_start3A_250 : memref<10240x128xf32, #tpu.memory_space<vmem_shared>>) offsets(%dma_start3A_247 : memref<64xi32, #tpu.memory_space<vmem>>) semaphore(%arg18 : memref<!tpu.dma_semaphore, #tpu.memory_space<semaphore_mem>>) {add = true}
      %dma_wait3A_251 = arith.constant 0 : i32
      %dma_wait3A_252 = tpu.memref_slice %arg7[%add3A_221, %dma_wait3A_251] : memref<56x64xi32, #tpu.memory_space<vmem>> -> memref<1x64xi32, #tpu.memory_space<vmem>>
      %dma_wait3A_253 = tpu.memref_squeeze %dma_wait3A_252 : memref<1x64xi32, #tpu.memory_space<vmem>> -> memref<64xi32, #tpu.memory_space<vmem>>
      %dma_wait3A_254 = arith.constant 0 : i32
      %dma_wait3A_255 = arith.constant 0 : i32
      %dma_wait3A_256 = tpu.memref_slice %arg2[%dma_wait3A_254, %dma_wait3A_255] : memref<10000x128xf32, #tpu.memory_space<hbm>> -> memref<10000x128xf32, #tpu.memory_space<hbm>>
      tpu.wait_indirect_dma semaphore(%arg15 : memref<!tpu.dma_semaphore, #tpu.memory_space<semaphore_mem>>) src(%dma_wait3A_256 : memref<10000x128xf32, #tpu.memory_space<hbm>>) dst(%arg10 : memref<64x128xf32, #tpu.memory_space<vmem>>)
      %add3A_257 = arith.addi %multiple_of3A, %add3A_221 : i32
      %mul3A_258 = arith.constant 64 : i32
      %mul3A_259 = arith.muli %add3A_257, %mul3A_258 : i32
      %multiple_of3A_260 = tpu.assume_multiple %mul3A_259, 64 : i32
      %dma_wait3A_261 = arith.constant 0 : i32
      %dma_wait3A_262 = tpu.memref_slice %arg3[%multiple_of3A_260, %dma_wait3A_261] : memref<163840x128xf32, #tpu.memory_space<hbm>> -> memref<64x128xf32, #tpu.memory_space<hbm>>
      %dma_wait3A_263 = arith.constant 0 : i32
      %dma_wait3A_264 = tpu.memref_slice %arg3[%multiple_of3A_260, %dma_wait3A_263] : memref<163840x128xf32, #tpu.memory_space<hbm>> -> memref<64x128xf32, #tpu.memory_space<hbm>>
      tpu.wait_dma2 semaphore(%arg17 : memref<!tpu.dma_semaphore, #tpu.memory_space<semaphore_mem>>) src(%dma_wait3A_264 : memref<64x128xf32, #tpu.memory_space<hbm>>) dst(%arg12 : memref<64x128xf32, #tpu.memory_space<vmem>>)
      %scan3A_265 = arith.constant 0 : i32
      %scan3A_266 = arith.constant 64 : i32
      %scan3A_267 = arith.addi %scan3A_265, %scan3A_266 : i32
      %scan3A_268 = arith.constant 1 : i32
      scf.for %scan3A_306 = %scan3A_265 to %scan3A_267 step %scan3A_268  : i32 {
        %mul3A_307 = arith.constant 1 : i32
        %mul3A_308 = arith.muli %scan3A_306, %mul3A_307 : i32
        %add3A_309 = arith.constant 0 : i32
        %add3A_310 = arith.addi %add3A_309, %mul3A_308 : i32
        %get3A = arith.index_cast %add3A_310 : i32 to index
        %get3A_311 = arith.constant 0 : index
        %get3A_312 = tpu.vector_load %arg12[%get3A, %get3A_311] {strides = array<i32>} : memref<64x128xf32, #tpu.memory_space<vmem>>, vector<1x16xf32>,
        %get3A_313 = vector.shape_cast %get3A_312 : vector<1x16xf32> to vector<16xf32>
        %get3A_314 = arith.index_cast %add3A_310 : i32 to index
        %get3A_315 = arith.constant 0 : index
        %get3A_316 = tpu.vector_load %arg10[%get3A_314, %get3A_315] {strides = array<i32>} : memref<64x128xf32, #tpu.memory_space<vmem>>, vector<1x16xf32>,
        %get3A_317 = vector.shape_cast %get3A_316 : vector<1x16xf32> to vector<16xf32>
        %mul3A_318 = arith.mulf %get3A_313, %get3A_317 : vector<16xf32>
        %swap3A = arith.index_cast %add3A_310 : i32 to index
        %swap3A_319 = arith.constant 0 : index
        %swap3A_320 = tpu.vector_load %arg12[%swap3A, %swap3A_319] {strides = array<i32>} : memref<64x128xf32, #tpu.memory_space<vmem>>, vector<1x16xf32>,
        %swap3A_321 = vector.shape_cast %swap3A_320 : vector<1x16xf32> to vector<16xf32>
        %swap3A_322 = vector.shape_cast %mul3A_318 : vector<16xf32> to vector<1x16xf32>
        tpu.vector_store %arg12[%swap3A, %swap3A_319], %swap3A_322 {strides = array<i32>} : memref<64x128xf32, #tpu.memory_space<vmem>>, vector<1x16xf32>,
        %get3A_323 = arith.index_cast %add3A_310 : i32 to index
        %get3A_324 = arith.constant 16 : index
        %get3A_325 = tpu.vector_load %arg12[%get3A_323, %get3A_324] {strides = array<i32>} : memref<64x128xf32, #tpu.memory_space<vmem>>, vector<1x16xf32>,
        %get3A_326 = vector.shape_cast %get3A_325 : vector<1x16xf32> to vector<16xf32>
        %get3A_327 = arith.index_cast %add3A_310 : i32 to index
        %get3A_328 = arith.constant 16 : index
        %get3A_329 = tpu.vector_load %arg10[%get3A_327, %get3A_328] {strides = array<i32>} : memref<64x128xf32, #tpu.memory_space<vmem>>, vector<1x16xf32>,
        %get3A_330 = vector.shape_cast %get3A_329 : vector<1x16xf32> to vector<16xf32>
        %mul3A_331 = arith.mulf %get3A_326, %get3A_330 : vector<16xf32>
        %swap3A_332 = arith.index_cast %add3A_310 : i32 to index
        %swap3A_333 = arith.constant 16 : index
        %swap3A_334 = tpu.vector_load %arg12[%swap3A_332, %swap3A_333] {strides = array<i32>} : memref<64x128xf32, #tpu.memory_space<vmem>>, vector<1x16xf32>,
        %swap3A_335 = vector.shape_cast %swap3A_334 : vector<1x16xf32> to vector<16xf32>
        %swap3A_336 = vector.shape_cast %mul3A_331 : vector<16xf32> to vector<1x16xf32>
        tpu.vector_store %arg12[%swap3A_332, %swap3A_333], %swap3A_336 {strides = array<i32>} : memref<64x128xf32, #tpu.memory_space<vmem>>, vector<1x16xf32>,
        %get3A_337 = arith.index_cast %add3A_310 : i32 to index
        %get3A_338 = arith.constant 32 : index
        %get3A_339 = tpu.vector_load %arg12[%get3A_337, %get3A_338] {strides = array<i32>} : memref<64x128xf32, #tpu.memory_space<vmem>>, vector<1x16xf32>,
        %get3A_340 = vector.shape_cast %get3A_339 : vector<1x16xf32> to vector<16xf32>
        %get3A_341 = arith.index_cast %add3A_310 : i32 to index
        %get3A_342 = arith.constant 32 : index
        %get3A_343 = tpu.vector_load %arg10[%get3A_341, %get3A_342] {strides = array<i32>} : memref<64x128xf32, #tpu.memory_space<vmem>>, vector<1x16xf32>,
        %get3A_344 = vector.shape_cast %get3A_343 : vector<1x16xf32> to vector<16xf32>
        %mul3A_345 = arith.mulf %get3A_340, %get3A_344 : vector<16xf32>
        %swap3A_346 = arith.index_cast %add3A_310 : i32 to index
        %swap3A_347 = arith.constant 32 : index
        %swap3A_348 = tpu.vector_load %arg12[%swap3A_346, %swap3A_347] {strides = array<i32>} : memref<64x128xf32, #tpu.memory_space<vmem>>, vector<1x16xf32>,
        %swap3A_349 = vector.shape_cast %swap3A_348 : vector<1x16xf32> to vector<16xf32>
        %swap3A_350 = vector.shape_cast %mul3A_345 : vector<16xf32> to vector<1x16xf32>
        tpu.vector_store %arg12[%swap3A_346, %swap3A_347], %swap3A_350 {strides = array<i32>} : memref<64x128xf32, #tpu.memory_space<vmem>>, vector<1x16xf32>,
        %get3A_351 = arith.index_cast %add3A_310 : i32 to index
        %get3A_352 = arith.constant 48 : index
        %get3A_353 = tpu.vector_load %arg12[%get3A_351, %get3A_352] {strides = array<i32>} : memref<64x128xf32, #tpu.memory_space<vmem>>, vector<1x16xf32>,
        %get3A_354 = vector.shape_cast %get3A_353 : vector<1x16xf32> to vector<16xf32>
        %get3A_355 = arith.index_cast %add3A_310 : i32 to index
        %get3A_356 = arith.constant 48 : index
        %get3A_357 = tpu.vector_load %arg10[%get3A_355, %get3A_356] {strides = array<i32>} : memref<64x128xf32, #tpu.memory_space<vmem>>, vector<1x16xf32>,
        %get3A_358 = vector.shape_cast %get3A_357 : vector<1x16xf32> to vector<16xf32>
        %mul3A_359 = arith.mulf %get3A_354, %get3A_358 : vector<16xf32>
        %swap3A_360 = arith.index_cast %add3A_310 : i32 to index
        %swap3A_361 = arith.constant 48 : index
        %swap3A_362 = tpu.vector_load %arg12[%swap3A_360, %swap3A_361] {strides = array<i32>} : memref<64x128xf32, #tpu.memory_space<vmem>>, vector<1x16xf32>,
        %swap3A_363 = vector.shape_cast %swap3A_362 : vector<1x16xf32> to vector<16xf32>
        %swap3A_364 = vector.shape_cast %mul3A_359 : vector<16xf32> to vector<1x16xf32>
        tpu.vector_store %arg12[%swap3A_360, %swap3A_361], %swap3A_364 {strides = array<i32>} : memref<64x128xf32, #tpu.memory_space<vmem>>, vector<1x16xf32>,
        %get3A_365 = arith.index_cast %add3A_310 : i32 to index
        %get3A_366 = arith.constant 64 : index
        %get3A_367 = tpu.vector_load %arg12[%get3A_365, %get3A_366] {strides = array<i32>} : memref<64x128xf32, #tpu.memory_space<vmem>>, vector<1x16xf32>,
        %get3A_368 = vector.shape_cast %get3A_367 : vector<1x16xf32> to vector<16xf32>
        %get3A_369 = arith.index_cast %add3A_310 : i32 to index
        %get3A_370 = arith.constant 64 : index
        %get3A_371 = tpu.vector_load %arg10[%get3A_369, %get3A_370] {strides = array<i32>} : memref<64x128xf32, #tpu.memory_space<vmem>>, vector<1x16xf32>,
        %get3A_372 = vector.shape_cast %get3A_371 : vector<1x16xf32> to vector<16xf32>
        %mul3A_373 = arith.mulf %get3A_368, %get3A_372 : vector<16xf32>
        %swap3A_374 = arith.index_cast %add3A_310 : i32 to index
        %swap3A_375 = arith.constant 64 : index
        %swap3A_376 = tpu.vector_load %arg12[%swap3A_374, %swap3A_375] {strides = array<i32>} : memref<64x128xf32, #tpu.memory_space<vmem>>, vector<1x16xf32>,
        %swap3A_377 = vector.shape_cast %swap3A_376 : vector<1x16xf32> to vector<16xf32>
        %swap3A_378 = vector.shape_cast %mul3A_373 : vector<16xf32> to vector<1x16xf32>
        tpu.vector_store %arg12[%swap3A_374, %swap3A_375], %swap3A_378 {strides = array<i32>} : memref<64x128xf32, #tpu.memory_space<vmem>>, vector<1x16xf32>,
        %get3A_379 = arith.index_cast %add3A_310 : i32 to index
        %get3A_380 = arith.constant 80 : index
        %get3A_381 = tpu.vector_load %arg12[%get3A_379, %get3A_380] {strides = array<i32>} : memref<64x128xf32, #tpu.memory_space<vmem>>, vector<1x16xf32>,
        %get3A_382 = vector.shape_cast %get3A_381 : vector<1x16xf32> to vector<16xf32>
        %get3A_383 = arith.index_cast %add3A_310 : i32 to index
        %get3A_384 = arith.constant 80 : index
        %get3A_385 = tpu.vector_load %arg10[%get3A_383, %get3A_384] {strides = array<i32>} : memref<64x128xf32, #tpu.memory_space<vmem>>, vector<1x16xf32>,
        %get3A_386 = vector.shape_cast %get3A_385 : vector<1x16xf32> to vector<16xf32>
        %mul3A_387 = arith.mulf %get3A_382, %get3A_386 : vector<16xf32>
        %swap3A_388 = arith.index_cast %add3A_310 : i32 to index
        %swap3A_389 = arith.constant 80 : index
        %swap3A_390 = tpu.vector_load %arg12[%swap3A_388, %swap3A_389] {strides = array<i32>} : memref<64x128xf32, #tpu.memory_space<vmem>>, vector<1x16xf32>,
        %swap3A_391 = vector.shape_cast %swap3A_390 : vector<1x16xf32> to vector<16xf32>
        %swap3A_392 = vector.shape_cast %mul3A_387 : vector<16xf32> to vector<1x16xf32>
        tpu.vector_store %arg12[%swap3A_388, %swap3A_389], %swap3A_392 {strides = array<i32>} : memref<64x128xf32, #tpu.memory_space<vmem>>, vector<1x16xf32>,
        %get3A_393 = arith.index_cast %add3A_310 : i32 to index
        %get3A_394 = arith.constant 96 : index
        %get3A_395 = tpu.vector_load %arg12[%get3A_393, %get3A_394] {strides = array<i32>} : memref<64x128xf32, #tpu.memory_space<vmem>>, vector<1x16xf32>,
        %get3A_396 = vector.shape_cast %get3A_395 : vector<1x16xf32> to vector<16xf32>
        %get3A_397 = arith.index_cast %add3A_310 : i32 to index
        %get3A_398 = arith.constant 96 : index
        %get3A_399 = tpu.vector_load %arg10[%get3A_397, %get3A_398] {strides = array<i32>} : memref<64x128xf32, #tpu.memory_space<vmem>>, vector<1x16xf32>,
        %get3A_400 = vector.shape_cast %get3A_399 : vector<1x16xf32> to vector<16xf32>
        %mul3A_401 = arith.mulf %get3A_396, %get3A_400 : vector<16xf32>
        %swap3A_402 = arith.index_cast %add3A_310 : i32 to index
        %swap3A_403 = arith.constant 96 : index
        %swap3A_404 = tpu.vector_load %arg12[%swap3A_402, %swap3A_403] {strides = array<i32>} : memref<64x128xf32, #tpu.memory_space<vmem>>, vector<1x16xf32>,
        %swap3A_405 = vector.shape_cast %swap3A_404 : vector<1x16xf32> to vector<16xf32>
        %swap3A_406 = vector.shape_cast %mul3A_401 : vector<16xf32> to vector<1x16xf32>
        tpu.vector_store %arg12[%swap3A_402, %swap3A_403], %swap3A_406 {strides = array<i32>} : memref<64x128xf32, #tpu.memory_space<vmem>>, vector<1x16xf32>,
        %get3A_407 = arith.index_cast %add3A_310 : i32 to index
        %get3A_408 = arith.constant 112 : index
        %get3A_409 = tpu.vector_load %arg12[%get3A_407, %get3A_408] {strides = array<i32>} : memref<64x128xf32, #tpu.memory_space<vmem>>, vector<1x16xf32>,
        %get3A_410 = vector.shape_cast %get3A_409 : vector<1x16xf32> to vector<16xf32>
        %get3A_411 = arith.index_cast %add3A_310 : i32 to index
        %get3A_412 = arith.constant 112 : index
        %get3A_413 = tpu.vector_load %arg10[%get3A_411, %get3A_412] {strides = array<i32>} : memref<64x128xf32, #tpu.memory_space<vmem>>, vector<1x16xf32>,
        %get3A_414 = vector.shape_cast %get3A_413 : vector<1x16xf32> to vector<16xf32>
        %mul3A_415 = arith.mulf %get3A_410, %get3A_414 : vector<16xf32>
        %swap3A_416 = arith.index_cast %add3A_310 : i32 to index
        %swap3A_417 = arith.constant 112 : index
        %swap3A_418 = tpu.vector_load %arg12[%swap3A_416, %swap3A_417] {strides = array<i32>} : memref<64x128xf32, #tpu.memory_space<vmem>>, vector<1x16xf32>,
        %swap3A_419 = vector.shape_cast %swap3A_418 : vector<1x16xf32> to vector<16xf32>
        %swap3A_420 = vector.shape_cast %mul3A_415 : vector<16xf32> to vector<1x16xf32>
        tpu.vector_store %arg12[%swap3A_416, %swap3A_417], %swap3A_420 {strides = array<i32>} : memref<64x128xf32, #tpu.memory_space<vmem>>, vector<1x16xf32>,
      }
      %scan3A_269 = arith.constant 64 : i32
      %add3A_270 = arith.constant 2 : i32
      %add3A_271 = arith.addi %add3A_221, %add3A_270 : i32
      %lt3A_272 = arith.cmpi slt, %add3A_271, %select_n3A_35 : i32
      %convert_element_type3A_273 = arith.extui %lt3A_272 : i1 to i32
      %cond3A_274 = arith.constant 0 : i32
      %cond3A_275 = arith.cmpi ne, %convert_element_type3A_273, %cond3A_274 : i32
      scf.if %cond3A_275 {
        %add3A_306 = arith.constant 2 : i32
        %add3A_307 = arith.addi %add3A_221, %add3A_306 : i32
        %dma_start3A_308 = arith.constant 0 : i32
        %dma_start3A_309 = tpu.memref_slice %arg7[%add3A_307, %dma_start3A_308] : memref<56x64xi32, #tpu.memory_space<vmem>> -> memref<1x64xi32, #tpu.memory_space<vmem>>
        %dma_start3A_310 = tpu.memref_squeeze %dma_start3A_309 : memref<1x64xi32, #tpu.memory_space<vmem>> -> memref<64xi32, #tpu.memory_space<vmem>>
        %dma_start3A_311 = arith.constant 0 : i32
        %dma_start3A_312 = arith.constant 0 : i32
        %dma_start3A_313 = tpu.memref_slice %arg2[%dma_start3A_311, %dma_start3A_312] : memref<10000x128xf32, #tpu.memory_space<hbm>> -> memref<10000x128xf32, #tpu.memory_space<hbm>>
        tpu.enqueue_indirect_dma source(%dma_start3A_313 : memref<10000x128xf32, #tpu.memory_space<hbm>>) target(%arg10 : memref<64x128xf32, #tpu.memory_space<vmem>>) offsets(%dma_start3A_310 : memref<64xi32, #tpu.memory_space<vmem>>) semaphore(%arg15 : memref<!tpu.dma_semaphore, #tpu.memory_space<semaphore_mem>>)
      } else {
      }
      %dma_start3A_276 = arith.constant 0 : i32
      %dma_start3A_277 = tpu.memref_slice %arg8[%add3A_221, %dma_start3A_276] : memref<56x64xi32, #tpu.memory_space<vmem>> -> memref<1x64xi32, #tpu.memory_space<vmem>>
      %dma_start3A_278 = tpu.memref_squeeze %dma_start3A_277 : memref<1x64xi32, #tpu.memory_space<vmem>> -> memref<64xi32, #tpu.memory_space<vmem>>
      %dma_start3A_279 = arith.constant 0 : i32
      %dma_start3A_280 = arith.constant 0 : i32
      %dma_start3A_281 = tpu.memref_slice %arg13[%dma_start3A_279, %dma_start3A_280] : memref<10240x128xf32, #tpu.memory_space<vmem_shared>> -> memref<10240x128xf32, #tpu.memory_space<vmem_shared>>
      tpu.enqueue_indirect_dma source(%arg12 : memref<64x128xf32, #tpu.memory_space<vmem>>) target(%dma_start3A_281 : memref<10240x128xf32, #tpu.memory_space<vmem_shared>>) offsets(%dma_start3A_278 : memref<64xi32, #tpu.memory_space<vmem>>) semaphore(%arg19 : memref<!tpu.dma_semaphore, #tpu.memory_space<semaphore_mem>>) {add = true}
      %dma_wait3A_282 = arith.constant 0 : i32
      %dma_wait3A_283 = tpu.memref_slice %arg8[%mul3A_219, %dma_wait3A_282] : memref<56x64xi32, #tpu.memory_space<vmem>> -> memref<1x64xi32, #tpu.memory_space<vmem>>
      %dma_wait3A_284 = tpu.memref_squeeze %dma_wait3A_283 : memref<1x64xi32, #tpu.memory_space<vmem>> -> memref<64xi32, #tpu.memory_space<vmem>>
      %dma_wait3A_285 = arith.constant 0 : i32
      %dma_wait3A_286 = arith.constant 0 : i32
      %dma_wait3A_287 = tpu.memref_slice %arg13[%dma_wait3A_285, %dma_wait3A_286] : memref<10240x128xf32, #tpu.memory_space<vmem_shared>> -> memref<10240x128xf32, #tpu.memory_space<vmem_shared>>
      tpu.wait_indirect_dma semaphore(%arg18 : memref<!tpu.dma_semaphore, #tpu.memory_space<semaphore_mem>>) src(%arg11 : memref<64x128xf32, #tpu.memory_space<vmem>>) dst(%dma_wait3A_287 : memref<10240x128xf32, #tpu.memory_space<vmem_shared>>)
      %add3A_288 = arith.constant 2 : i32
      %add3A_289 = arith.addi %mul3A_219, %add3A_288 : i32
      %lt3A_290 = arith.cmpi slt, %add3A_289, %select_n3A_35 : i32
      %convert_element_type3A_291 = arith.extui %lt3A_290 : i1 to i32
      %cond3A_292 = arith.constant 0 : i32
      %cond3A_293 = arith.cmpi ne, %convert_element_type3A_291, %cond3A_292 : i32
      scf.if %cond3A_293 {
        %add3A_306 = arith.constant 2 : i32
        %add3A_307 = arith.addi %mul3A_219, %add3A_306 : i32
        %add3A_308 = arith.addi %multiple_of3A, %add3A_307 : i32
        %mul3A_309 = arith.constant 64 : i32
        %mul3A_310 = arith.muli %add3A_308, %mul3A_309 : i32
        %multiple_of3A_311 = tpu.assume_multiple %mul3A_310, 64 : i32
        %dma_start3A_312 = arith.constant 0 : i32
        %dma_start3A_313 = tpu.memref_slice %arg3[%multiple_of3A_311, %dma_start3A_312] : memref<163840x128xf32, #tpu.memory_space<hbm>> -> memref<64x128xf32, #tpu.memory_space<hbm>>
        %dma_start3A_314 = arith.constant 0 : i32
        %dma_start3A_315 = tpu.memref_slice %arg3[%multiple_of3A_311, %dma_start3A_314] : memref<163840x128xf32, #tpu.memory_space<hbm>> -> memref<64x128xf32, #tpu.memory_space<hbm>>
        tpu.enqueue_dma source(%dma_start3A_315 : memref<64x128xf32, #tpu.memory_space<hbm>>) target(%arg11 : memref<64x128xf32, #tpu.memory_space<vmem>>) target_semaphore(%arg16 : memref<!tpu.dma_semaphore, #tpu.memory_space<semaphore_mem>>)
      } else {
      }
      %dma_wait3A_294 = arith.constant 0 : i32
      %dma_wait3A_295 = tpu.memref_slice %arg8[%add3A_221, %dma_wait3A_294] : memref<56x64xi32, #tpu.memory_space<vmem>> -> memref<1x64xi32, #tpu.memory_space<vmem>>
      %dma_wait3A_296 = tpu.memref_squeeze %dma_wait3A_295 : memref<1x64xi32, #tpu.memory_space<vmem>> -> memref<64xi32, #tpu.memory_space<vmem>>
      %dma_wait3A_297 = arith.constant 0 : i32
      %dma_wait3A_298 = arith.constant 0 : i32
      %dma_wait3A_299 = tpu.memref_slice %arg13[%dma_wait3A_297, %dma_wait3A_298] : memref<10240x128xf32, #tpu.memory_space<vmem_shared>> -> memref<10240x128xf32, #tpu.memory_space<vmem_shared>>
      tpu.wait_indirect_dma semaphore(%arg19 : memref<!tpu.dma_semaphore, #tpu.memory_space<semaphore_mem>>) src(%arg12 : memref<64x128xf32, #tpu.memory_space<vmem>>) dst(%dma_wait3A_299 : memref<10240x128xf32, #tpu.memory_space<vmem_shared>>)
      %add3A_300 = arith.constant 2 : i32
      %add3A_301 = arith.addi %add3A_221, %add3A_300 : i32
      %lt3A_302 = arith.cmpi slt, %add3A_301, %select_n3A_35 : i32
      %convert_element_type3A_303 = arith.extui %lt3A_302 : i1 to i32
      %cond3A_304 = arith.constant 0 : i32
      %cond3A_305 = arith.cmpi ne, %convert_element_type3A_303, %cond3A_304 : i32
      scf.if %cond3A_305 {
        %add3A_306 = arith.constant 2 : i32
        %add3A_307 = arith.addi %add3A_221, %add3A_306 : i32
        %add3A_308 = arith.addi %multiple_of3A, %add3A_307 : i32
        %mul3A_309 = arith.constant 64 : i32
        %mul3A_310 = arith.muli %add3A_308, %mul3A_309 : i32
        %multiple_of3A_311 = tpu.assume_multiple %mul3A_310, 64 : i32
        %dma_start3A_312 = arith.constant 0 : i32
        %dma_start3A_313 = tpu.memref_slice %arg3[%multiple_of3A_311, %dma_start3A_312] : memref<163840x128xf32, #tpu.memory_space<hbm>> -> memref<64x128xf32, #tpu.memory_space<hbm>>
        %dma_start3A_314 = arith.constant 0 : i32
        %dma_start3A_315 = tpu.memref_slice %arg3[%multiple_of3A_311, %dma_start3A_314] : memref<163840x128xf32, #tpu.memory_space<hbm>> -> memref<64x128xf32, #tpu.memory_space<hbm>>
        tpu.enqueue_dma source(%dma_start3A_315 : memref<64x128xf32, #tpu.memory_space<hbm>>) target(%arg12 : memref<64x128xf32, #tpu.memory_space<vmem>>) target_semaphore(%arg17 : memref<!tpu.dma_semaphore, #tpu.memory_space<semaphore_mem>>)
      } else {
      }
    }
    %while3A_119 = arith.constant 1 : i32
    scf.for %while3A_215 = %while3A_117 to %while3A_113 step %while3A_119  : i32 {
      %mul3A_216 = arith.muli %while3A_215, %while3A : i32
      %add3A_217 = arith.addi %while3A_110, %mul3A_216 : i32
      %mul3A_218 = arith.constant 2 : i32
      %mul3A_219 = arith.muli %mul3A_218, %add3A_217 : i32
      %add3A_220 = arith.constant 1 : i32
      %add3A_221 = arith.addi %mul3A_219, %add3A_220 : i32
      %dma_wait3A = arith.constant 0 : i32
      %dma_wait3A_222 = tpu.memref_slice %arg7[%mul3A_219, %dma_wait3A] : memref<56x64xi32, #tpu.memory_space<vmem>> -> memref<1x64xi32, #tpu.memory_space<vmem>>
      %dma_wait3A_223 = tpu.memref_squeeze %dma_wait3A_222 : memref<1x64xi32, #tpu.memory_space<vmem>> -> memref<64xi32, #tpu.memory_space<vmem>>
      %dma_wait3A_224 = arith.constant 0 : i32
      %dma_wait3A_225 = arith.constant 0 : i32
      %dma_wait3A_226 = tpu.memref_slice %arg2[%dma_wait3A_224, %dma_wait3A_225] : memref<10000x128xf32, #tpu.memory_space<hbm>> -> memref<10000x128xf32, #tpu.memory_space<hbm>>
      tpu.wait_indirect_dma semaphore(%arg14 : memref<!tpu.dma_semaphore, #tpu.memory_space<semaphore_mem>>) src(%dma_wait3A_226 : memref<10000x128xf32, #tpu.memory_space<hbm>>) dst(%arg9 : memref<64x128xf32, #tpu.memory_space<vmem>>)
      %add3A_227 = arith.addi %multiple_of3A, %mul3A_219 : i32
      %mul3A_228 = arith.constant 64 : i32
      %mul3A_229 = arith.muli %add3A_227, %mul3A_228 : i32
      %multiple_of3A_230 = tpu.assume_multiple %mul3A_229, 64 : i32
      %dma_wait3A_231 = arith.constant 0 : i32
      %dma_wait3A_232 = tpu.memref_slice %arg3[%multiple_of3A_230, %dma_wait3A_231] : memref<163840x128xf32, #tpu.memory_space<hbm>> -> memref<64x128xf32, #tpu.memory_space<hbm>>
      %dma_wait3A_233 = arith.constant 0 : i32
      %dma_wait3A_234 = tpu.memref_slice %arg3[%multiple_of3A_230, %dma_wait3A_233] : memref<163840x128xf32, #tpu.memory_space<hbm>> -> memref<64x128xf32, #tpu.memory_space<hbm>>
      tpu.wait_dma2 semaphore(%arg16 : memref<!tpu.dma_semaphore, #tpu.memory_space<semaphore_mem>>) src(%dma_wait3A_234 : memref<64x128xf32, #tpu.memory_space<hbm>>) dst(%arg11 : memref<64x128xf32, #tpu.memory_space<vmem>>)
      %scan3A_235 = arith.constant 0 : i32
      %scan3A_236 = arith.constant 64 : i32
      %scan3A_237 = arith.addi %scan3A_235, %scan3A_236 : i32
      %scan3A_238 = arith.constant 1 : i32
      scf.for %scan3A_306 = %scan3A_235 to %scan3A_237 step %scan3A_238  : i32 {
        %mul3A_307 = arith.constant 1 : i32
        %mul3A_308 = arith.muli %scan3A_306, %mul3A_307 : i32
        %add3A_309 = arith.constant 0 : i32
        %add3A_310 = arith.addi %add3A_309, %mul3A_308 : i32
        %get3A = arith.index_cast %add3A_310 : i32 to index
        %get3A_311 = arith.constant 0 : index
        %get3A_312 = tpu.vector_load %arg11[%get3A, %get3A_311] {strides = array<i32>} : memref<64x128xf32, #tpu.memory_space<vmem>>, vector<1x16xf32>,
        %get3A_313 = vector.shape_cast %get3A_312 : vector<1x16xf32> to vector<16xf32>
        %get3A_314 = arith.index_cast %add3A_310 : i32 to index
        %get3A_315 = arith.constant 0 : index
        %get3A_316 = tpu.vector_load %arg9[%get3A_314, %get3A_315] {strides = array<i32>} : memref<64x128xf32, #tpu.memory_space<vmem>>, vector<1x16xf32>,
        %get3A_317 = vector.shape_cast %get3A_316 : vector<1x16xf32> to vector<16xf32>
        %mul3A_318 = arith.mulf %get3A_313, %get3A_317 : vector<16xf32>
        %swap3A = arith.index_cast %add3A_310 : i32 to index
        %swap3A_319 = arith.constant 0 : index
        %swap3A_320 = tpu.vector_load %arg11[%swap3A, %swap3A_319] {strides = array<i32>} : memref<64x128xf32, #tpu.memory_space<vmem>>, vector<1x16xf32>,
        %swap3A_321 = vector.shape_cast %swap3A_320 : vector<1x16xf32> to vector<16xf32>
        %swap3A_322 = vector.shape_cast %mul3A_318 : vector<16xf32> to vector<1x16xf32>
        tpu.vector_store %arg11[%swap3A, %swap3A_319], %swap3A_322 {strides = array<i32>} : memref<64x128xf32, #tpu.memory_space<vmem>>, vector<1x16xf32>,
        %get3A_323 = arith.index_cast %add3A_310 : i32 to index
        %get3A_324 = arith.constant 16 : index
        %get3A_325 = tpu.vector_load %arg11[%get3A_323, %get3A_324] {strides = array<i32>} : memref<64x128xf32, #tpu.memory_space<vmem>>, vector<1x16xf32>,
        %get3A_326 = vector.shape_cast %get3A_325 : vector<1x16xf32> to vector<16xf32>
        %get3A_327 = arith.index_cast %add3A_310 : i32 to index
        %get3A_328 = arith.constant 16 : index
        %get3A_329 = tpu.vector_load %arg9[%get3A_327, %get3A_328] {strides = array<i32>} : memref<64x128xf32, #tpu.memory_space<vmem>>, vector<1x16xf32>,
        %get3A_330 = vector.shape_cast %get3A_329 : vector<1x16xf32> to vector<16xf32>
        %mul3A_331 = arith.mulf %get3A_326, %get3A_330 : vector<16xf32>
        %swap3A_332 = arith.index_cast %add3A_310 : i32 to index
        %swap3A_333 = arith.constant 16 : index
        %swap3A_334 = tpu.vector_load %arg11[%swap3A_332, %swap3A_333] {strides = array<i32>} : memref<64x128xf32, #tpu.memory_space<vmem>>, vector<1x16xf32>,
        %swap3A_335 = vector.shape_cast %swap3A_334 : vector<1x16xf32> to vector<16xf32>
        %swap3A_336 = vector.shape_cast %mul3A_331 : vector<16xf32> to vector<1x16xf32>
        tpu.vector_store %arg11[%swap3A_332, %swap3A_333], %swap3A_336 {strides = array<i32>} : memref<64x128xf32, #tpu.memory_space<vmem>>, vector<1x16xf32>,
        %get3A_337 = arith.index_cast %add3A_310 : i32 to index
        %get3A_338 = arith.constant 32 : index
        %get3A_339 = tpu.vector_load %arg11[%get3A_337, %get3A_338] {strides = array<i32>} : memref<64x128xf32, #tpu.memory_space<vmem>>, vector<1x16xf32>,
        %get3A_340 = vector.shape_cast %get3A_339 : vector<1x16xf32> to vector<16xf32>
        %get3A_341 = arith.index_cast %add3A_310 : i32 to index
        %get3A_342 = arith.constant 32 : index
        %get3A_343 = tpu.vector_load %arg9[%get3A_341, %get3A_342] {strides = array<i32>} : memref<64x128xf32, #tpu.memory_space<vmem>>, vector<1x16xf32>,
        %get3A_344 = vector.shape_cast %get3A_343 : vector<1x16xf32> to vector<16xf32>
        %mul3A_345 = arith.mulf %get3A_340, %get3A_344 : vector<16xf32>
        %swap3A_346 = arith.index_cast %add3A_310 : i32 to index
        %swap3A_347 = arith.constant 32 : index
        %swap3A_348 = tpu.vector_load %arg11[%swap3A_346, %swap3A_347] {strides = array<i32>} : memref<64x128xf32, #tpu.memory_space<vmem>>, vector<1x16xf32>,
        %swap3A_349 = vector.shape_cast %swap3A_348 : vector<1x16xf32> to vector<16xf32>
        %swap3A_350 = vector.shape_cast %mul3A_345 : vector<16xf32> to vector<1x16xf32>
        tpu.vector_store %arg11[%swap3A_346, %swap3A_347], %swap3A_350 {strides = array<i32>} : memref<64x128xf32, #tpu.memory_space<vmem>>, vector<1x16xf32>,
        %get3A_351 = arith.index_cast %add3A_310 : i32 to index
        %get3A_352 = arith.constant 48 : index
        %get3A_353 = tpu.vector_load %arg11[%get3A_351, %get3A_352] {strides = array<i32>} : memref<64x128xf32, #tpu.memory_space<vmem>>, vector<1x16xf32>,
        %get3A_354 = vector.shape_cast %get3A_353 : vector<1x16xf32> to vector<16xf32>
        %get3A_355 = arith.index_cast %add3A_310 : i32 to index
        %get3A_356 = arith.constant 48 : index
        %get3A_357 = tpu.vector_load %arg9[%get3A_355, %get3A_356] {strides = array<i32>} : memref<64x128xf32, #tpu.memory_space<vmem>>, vector<1x16xf32>,
        %get3A_358 = vector.shape_cast %get3A_357 : vector<1x16xf32> to vector<16xf32>
        %mul3A_359 = arith.mulf %get3A_354, %get3A_358 : vector<16xf32>
        %swap3A_360 = arith.index_cast %add3A_310 : i32 to index
        %swap3A_361 = arith.constant 48 : index
        %swap3A_362 = tpu.vector_load %arg11[%swap3A_360, %swap3A_361] {strides = array<i32>} : memref<64x128xf32, #tpu.memory_space<vmem>>, vector<1x16xf32>,
        %swap3A_363 = vector.shape_cast %swap3A_362 : vector<1x16xf32> to vector<16xf32>
        %swap3A_364 = vector.shape_cast %mul3A_359 : vector<16xf32> to vector<1x16xf32>
        tpu.vector_store %arg11[%swap3A_360, %swap3A_361], %swap3A_364 {strides = array<i32>} : memref<64x128xf32, #tpu.memory_space<vmem>>, vector<1x16xf32>,
        %get3A_365 = arith.index_cast %add3A_310 : i32 to index
        %get3A_366 = arith.constant 64 : index
        %get3A_367 = tpu.vector_load %arg11[%get3A_365, %get3A_366] {strides = array<i32>} : memref<64x128xf32, #tpu.memory_space<vmem>>, vector<1x16xf32>,
        %get3A_368 = vector.shape_cast %get3A_367 : vector<1x16xf32> to vector<16xf32>
        %get3A_369 = arith.index_cast %add3A_310 : i32 to index
        %get3A_370 = arith.constant 64 : index
        %get3A_371 = tpu.vector_load %arg9[%get3A_369, %get3A_370] {strides = array<i32>} : memref<64x128xf32, #tpu.memory_space<vmem>>, vector<1x16xf32>,
        %get3A_372 = vector.shape_cast %get3A_371 : vector<1x16xf32> to vector<16xf32>
        %mul3A_373 = arith.mulf %get3A_368, %get3A_372 : vector<16xf32>
        %swap3A_374 = arith.index_cast %add3A_310 : i32 to index
        %swap3A_375 = arith.constant 64 : index
        %swap3A_376 = tpu.vector_load %arg11[%swap3A_374, %swap3A_375] {strides = array<i32>} : memref<64x128xf32, #tpu.memory_space<vmem>>, vector<1x16xf32>,
        %swap3A_377 = vector.shape_cast %swap3A_376 : vector<1x16xf32> to vector<16xf32>
        %swap3A_378 = vector.shape_cast %mul3A_373 : vector<16xf32> to vector<1x16xf32>
        tpu.vector_store %arg11[%swap3A_374, %swap3A_375], %swap3A_378 {strides = array<i32>} : memref<64x128xf32, #tpu.memory_space<vmem>>, vector<1x16xf32>,
        %get3A_379 = arith.index_cast %add3A_310 : i32 to index
        %get3A_380 = arith.constant 80 : index
        %get3A_381 = tpu.vector_load %arg11[%get3A_379, %get3A_380] {strides = array<i32>} : memref<64x128xf32, #tpu.memory_space<vmem>>, vector<1x16xf32>,
        %get3A_382 = vector.shape_cast %get3A_381 : vector<1x16xf32> to vector<16xf32>
        %get3A_383 = arith.index_cast %add3A_310 : i32 to index
        %get3A_384 = arith.constant 80 : index
        %get3A_385 = tpu.vector_load %arg9[%get3A_383, %get3A_384] {strides = array<i32>} : memref<64x128xf32, #tpu.memory_space<vmem>>, vector<1x16xf32>,
        %get3A_386 = vector.shape_cast %get3A_385 : vector<1x16xf32> to vector<16xf32>
        %mul3A_387 = arith.mulf %get3A_382, %get3A_386 : vector<16xf32>
        %swap3A_388 = arith.index_cast %add3A_310 : i32 to index
        %swap3A_389 = arith.constant 80 : index
        %swap3A_390 = tpu.vector_load %arg11[%swap3A_388, %swap3A_389] {strides = array<i32>} : memref<64x128xf32, #tpu.memory_space<vmem>>, vector<1x16xf32>,
        %swap3A_391 = vector.shape_cast %swap3A_390 : vector<1x16xf32> to vector<16xf32>
        %swap3A_392 = vector.shape_cast %mul3A_387 : vector<16xf32> to vector<1x16xf32>
        tpu.vector_store %arg11[%swap3A_388, %swap3A_389], %swap3A_392 {strides = array<i32>} : memref<64x128xf32, #tpu.memory_space<vmem>>, vector<1x16xf32>,
        %get3A_393 = arith.index_cast %add3A_310 : i32 to index
        %get3A_394 = arith.constant 96 : index
        %get3A_395 = tpu.vector_load %arg11[%get3A_393, %get3A_394] {strides = array<i32>} : memref<64x128xf32, #tpu.memory_space<vmem>>, vector<1x16xf32>,
        %get3A_396 = vector.shape_cast %get3A_395 : vector<1x16xf32> to vector<16xf32>
        %get3A_397 = arith.index_cast %add3A_310 : i32 to index
        %get3A_398 = arith.constant 96 : index
        %get3A_399 = tpu.vector_load %arg9[%get3A_397, %get3A_398] {strides = array<i32>} : memref<64x128xf32, #tpu.memory_space<vmem>>, vector<1x16xf32>,
        %get3A_400 = vector.shape_cast %get3A_399 : vector<1x16xf32> to vector<16xf32>
        %mul3A_401 = arith.mulf %get3A_396, %get3A_400 : vector<16xf32>
        %swap3A_402 = arith.index_cast %add3A_310 : i32 to index
        %swap3A_403 = arith.constant 96 : index
        %swap3A_404 = tpu.vector_load %arg11[%swap3A_402, %swap3A_403] {strides = array<i32>} : memref<64x128xf32, #tpu.memory_space<vmem>>, vector<1x16xf32>,
        %swap3A_405 = vector.shape_cast %swap3A_404 : vector<1x16xf32> to vector<16xf32>
        %swap3A_406 = vector.shape_cast %mul3A_401 : vector<16xf32> to vector<1x16xf32>
        tpu.vector_store %arg11[%swap3A_402, %swap3A_403], %swap3A_406 {strides = array<i32>} : memref<64x128xf32, #tpu.memory_space<vmem>>, vector<1x16xf32>,
        %get3A_407 = arith.index_cast %add3A_310 : i32 to index
        %get3A_408 = arith.constant 112 : index
        %get3A_409 = tpu.vector_load %arg11[%get3A_407, %get3A_408] {strides = array<i32>} : memref<64x128xf32, #tpu.memory_space<vmem>>, vector<1x16xf32>,
        %get3A_410 = vector.shape_cast %get3A_409 : vector<1x16xf32> to vector<16xf32>
        %get3A_411 = arith.index_cast %add3A_310 : i32 to index
        %get3A_412 = arith.constant 112 : index
        %get3A_413 = tpu.vector_load %arg9[%get3A_411, %get3A_412] {strides = array<i32>} : memref<64x128xf32, #tpu.memory_space<vmem>>, vector<1x16xf32>,
        %get3A_414 = vector.shape_cast %get3A_413 : vector<1x16xf32> to vector<16xf32>
        %mul3A_415 = arith.mulf %get3A_410, %get3A_414 : vector<16xf32>
        %swap3A_416 = arith.index_cast %add3A_310 : i32 to index
        %swap3A_417 = arith.constant 112 : index
        %swap3A_418 = tpu.vector_load %arg11[%swap3A_416, %swap3A_417] {strides = array<i32>} : memref<64x128xf32, #tpu.memory_space<vmem>>, vector<1x16xf32>,
        %swap3A_419 = vector.shape_cast %swap3A_418 : vector<1x16xf32> to vector<16xf32>
        %swap3A_420 = vector.shape_cast %mul3A_415 : vector<16xf32> to vector<1x16xf32>
        tpu.vector_store %arg11[%swap3A_416, %swap3A_417], %swap3A_420 {strides = array<i32>} : memref<64x128xf32, #tpu.memory_space<vmem>>, vector<1x16xf32>,
      }
      %scan3A_239 = arith.constant 64 : i32
      %add3A_240 = arith.constant 2 : i32
      %add3A_241 = arith.addi %mul3A_219, %add3A_240 : i32
      %lt3A = arith.cmpi slt, %add3A_241, %select_n3A_35 : i32
      %convert_element_type3A_242 = arith.extui %lt3A : i1 to i32
      %cond3A_243 = arith.constant 0 : i32
      %cond3A_244 = arith.cmpi ne, %convert_element_type3A_242, %cond3A_243 : i32
      scf.if %cond3A_244 {
        %add3A_306 = arith.constant 2 : i32
        %add3A_307 = arith.addi %mul3A_219, %add3A_306 : i32
        %dma_start3A_308 = arith.constant 0 : i32
        %dma_start3A_309 = tpu.memref_slice %arg7[%add3A_307, %dma_start3A_308] : memref<56x64xi32, #tpu.memory_space<vmem>> -> memref<1x64xi32, #tpu.memory_space<vmem>>
        %dma_start3A_310 = tpu.memref_squeeze %dma_start3A_309 : memref<1x64xi32, #tpu.memory_space<vmem>> -> memref<64xi32, #tpu.memory_space<vmem>>
        %dma_start3A_311 = arith.constant 0 : i32
        %dma_start3A_312 = arith.constant 0 : i32
        %dma_start3A_313 = tpu.memref_slice %arg2[%dma_start3A_311, %dma_start3A_312] : memref<10000x128xf32, #tpu.memory_space<hbm>> -> memref<10000x128xf32, #tpu.memory_space<hbm>>
        tpu.enqueue_indirect_dma source(%dma_start3A_313 : memref<10000x128xf32, #tpu.memory_space<hbm>>) target(%arg9 : memref<64x128xf32, #tpu.memory_space<vmem>>) offsets(%dma_start3A_310 : memref<64xi32, #tpu.memory_space<vmem>>) semaphore(%arg14 : memref<!tpu.dma_semaphore, #tpu.memory_space<semaphore_mem>>)
      } else {
      }
      %dma_start3A_245 = arith.constant 0 : i32
      %dma_start3A_246 = tpu.memref_slice %arg8[%mul3A_219, %dma_start3A_245] : memref<56x64xi32, #tpu.memory_space<vmem>> -> memref<1x64xi32, #tpu.memory_space<vmem>>
      %dma_start3A_247 = tpu.memref_squeeze %dma_start3A_246 : memref<1x64xi32, #tpu.memory_space<vmem>> -> memref<64xi32, #tpu.memory_space<vmem>>
      %dma_start3A_248 = arith.constant 0 : i32
      %dma_start3A_249 = arith.constant 0 : i32
      %dma_start3A_250 = tpu.memref_slice %arg13[%dma_start3A_248, %dma_start3A_249] : memref<10240x128xf32, #tpu.memory_space<vmem_shared>> -> memref<10240x128xf32, #tpu.memory_space<vmem_shared>>
      tpu.enqueue_indirect_dma source(%arg11 : memref<64x128xf32, #tpu.memory_space<vmem>>) target(%dma_start3A_250 : memref<10240x128xf32, #tpu.memory_space<vmem_shared>>) offsets(%dma_start3A_247 : memref<64xi32, #tpu.memory_space<vmem>>) semaphore(%arg18 : memref<!tpu.dma_semaphore, #tpu.memory_space<semaphore_mem>>) {add = true}
      %dma_wait3A_251 = arith.constant 0 : i32
      %dma_wait3A_252 = tpu.memref_slice %arg7[%add3A_221, %dma_wait3A_251] : memref<56x64xi32, #tpu.memory_space<vmem>> -> memref<1x64xi32, #tpu.memory_space<vmem>>
      %dma_wait3A_253 = tpu.memref_squeeze %dma_wait3A_252 : memref<1x64xi32, #tpu.memory_space<vmem>> -> memref<64xi32, #tpu.memory_space<vmem>>
      %dma_wait3A_254 = arith.constant 0 : i32
      %dma_wait3A_255 = arith.constant 0 : i32
      %dma_wait3A_256 = tpu.memref_slice %arg2[%dma_wait3A_254, %dma_wait3A_255] : memref<10000x128xf32, #tpu.memory_space<hbm>> -> memref<10000x128xf32, #tpu.memory_space<hbm>>
      tpu.wait_indirect_dma semaphore(%arg15 : memref<!tpu.dma_semaphore, #tpu.memory_space<semaphore_mem>>) src(%dma_wait3A_256 : memref<10000x128xf32, #tpu.memory_space<hbm>>) dst(%arg10 : memref<64x128xf32, #tpu.memory_space<vmem>>)
      %add3A_257 = arith.addi %multiple_of3A, %add3A_221 : i32
      %mul3A_258 = arith.constant 64 : i32
      %mul3A_259 = arith.muli %add3A_257, %mul3A_258 : i32
      %multiple_of3A_260 = tpu.assume_multiple %mul3A_259, 64 : i32
      %dma_wait3A_261 = arith.constant 0 : i32
      %dma_wait3A_262 = tpu.memref_slice %arg3[%multiple_of3A_260, %dma_wait3A_261] : memref<163840x128xf32, #tpu.memory_space<hbm>> -> memref<64x128xf32, #tpu.memory_space<hbm>>
      %dma_wait3A_263 = arith.constant 0 : i32
      %dma_wait3A_264 = tpu.memref_slice %arg3[%multiple_of3A_260, %dma_wait3A_263] : memref<163840x128xf32, #tpu.memory_space<hbm>> -> memref<64x128xf32, #tpu.memory_space<hbm>>
      tpu.wait_dma2 semaphore(%arg17 : memref<!tpu.dma_semaphore, #tpu.memory_space<semaphore_mem>>) src(%dma_wait3A_264 : memref<64x128xf32, #tpu.memory_space<hbm>>) dst(%arg12 : memref<64x128xf32, #tpu.memory_space<vmem>>)
      %scan3A_265 = arith.constant 0 : i32
      %scan3A_266 = arith.constant 64 : i32
      %scan3A_267 = arith.addi %scan3A_265, %scan3A_266 : i32
      %scan3A_268 = arith.constant 1 : i32
      scf.for %scan3A_306 = %scan3A_265 to %scan3A_267 step %scan3A_268  : i32 {
        %mul3A_307 = arith.constant 1 : i32
        %mul3A_308 = arith.muli %scan3A_306, %mul3A_307 : i32
        %add3A_309 = arith.constant 0 : i32
        %add3A_310 = arith.addi %add3A_309, %mul3A_308 : i32
        %get3A = arith.index_cast %add3A_310 : i32 to index
        %get3A_311 = arith.constant 0 : index
        %get3A_312 = tpu.vector_load %arg12[%get3A, %get3A_311] {strides = array<i32>} : memref<64x128xf32, #tpu.memory_space<vmem>>, vector<1x16xf32>,
        %get3A_313 = vector.shape_cast %get3A_312 : vector<1x16xf32> to vector<16xf32>
        %get3A_314 = arith.index_cast %add3A_310 : i32 to index
        %get3A_315 = arith.constant 0 : index
        %get3A_316 = tpu.vector_load %arg10[%get3A_314, %get3A_315] {strides = array<i32>} : memref<64x128xf32, #tpu.memory_space<vmem>>, vector<1x16xf32>,
        %get3A_317 = vector.shape_cast %get3A_316 : vector<1x16xf32> to vector<16xf32>
        %mul3A_318 = arith.mulf %get3A_313, %get3A_317 : vector<16xf32>
        %swap3A = arith.index_cast %add3A_310 : i32 to index
        %swap3A_319 = arith.constant 0 : index
        %swap3A_320 = tpu.vector_load %arg12[%swap3A, %swap3A_319] {strides = array<i32>} : memref<64x128xf32, #tpu.memory_space<vmem>>, vector<1x16xf32>,
        %swap3A_321 = vector.shape_cast %swap3A_320 : vector<1x16xf32> to vector<16xf32>
        %swap3A_322 = vector.shape_cast %mul3A_318 : vector<16xf32> to vector<1x16xf32>
        tpu.vector_store %arg12[%swap3A, %swap3A_319], %swap3A_322 {strides = array<i32>} : memref<64x128xf32, #tpu.memory_space<vmem>>, vector<1x16xf32>,
        %get3A_323 = arith.index_cast %add3A_310 : i32 to index
        %get3A_324 = arith.constant 16 : index
        %get3A_325 = tpu.vector_load %arg12[%get3A_323, %get3A_324] {strides = array<i32>} : memref<64x128xf32, #tpu.memory_space<vmem>>, vector<1x16xf32>,
        %get3A_326 = vector.shape_cast %get3A_325 : vector<1x16xf32> to vector<16xf32>
        %get3A_327 = arith.index_cast %add3A_310 : i32 to index
        %get3A_328 = arith.constant 16 : index
        %get3A_329 = tpu.vector_load %arg10[%get3A_327, %get3A_328] {strides = array<i32>} : memref<64x128xf32, #tpu.memory_space<vmem>>, vector<1x16xf32>,
        %get3A_330 = vector.shape_cast %get3A_329 : vector<1x16xf32> to vector<16xf32>
        %mul3A_331 = arith.mulf %get3A_326, %get3A_330 : vector<16xf32>
        %swap3A_332 = arith.index_cast %add3A_310 : i32 to index
        %swap3A_333 = arith.constant 16 : index
        %swap3A_334 = tpu.vector_load %arg12[%swap3A_332, %swap3A_333] {strides = array<i32>} : memref<64x128xf32, #tpu.memory_space<vmem>>, vector<1x16xf32>,
        %swap3A_335 = vector.shape_cast %swap3A_334 : vector<1x16xf32> to vector<16xf32>
        %swap3A_336 = vector.shape_cast %mul3A_331 : vector<16xf32> to vector<1x16xf32>
        tpu.vector_store %arg12[%swap3A_332, %swap3A_333], %swap3A_336 {strides = array<i32>} : memref<64x128xf32, #tpu.memory_space<vmem>>, vector<1x16xf32>,
        %get3A_337 = arith.index_cast %add3A_310 : i32 to index
        %get3A_338 = arith.constant 32 : index
        %get3A_339 = tpu.vector_load %arg12[%get3A_337, %get3A_338] {strides = array<i32>} : memref<64x128xf32, #tpu.memory_space<vmem>>, vector<1x16xf32>,
        %get3A_340 = vector.shape_cast %get3A_339 : vector<1x16xf32> to vector<16xf32>
        %get3A_341 = arith.index_cast %add3A_310 : i32 to index
        %get3A_342 = arith.constant 32 : index
        %get3A_343 = tpu.vector_load %arg10[%get3A_341, %get3A_342] {strides = array<i32>} : memref<64x128xf32, #tpu.memory_space<vmem>>, vector<1x16xf32>,
        %get3A_344 = vector.shape_cast %get3A_343 : vector<1x16xf32> to vector<16xf32>
        %mul3A_345 = arith.mulf %get3A_340, %get3A_344 : vector<16xf32>
        %swap3A_346 = arith.index_cast %add3A_310 : i32 to index
        %swap3A_347 = arith.constant 32 : index
        %swap3A_348 = tpu.vector_load %arg12[%swap3A_346, %swap3A_347] {strides = array<i32>} : memref<64x128xf32, #tpu.memory_space<vmem>>, vector<1x16xf32>,
        %swap3A_349 = vector.shape_cast %swap3A_348 : vector<1x16xf32> to vector<16xf32>
        %swap3A_350 = vector.shape_cast %mul3A_345 : vector<16xf32> to vector<1x16xf32>
        tpu.vector_store %arg12[%swap3A_346, %swap3A_347], %swap3A_350 {strides = array<i32>} : memref<64x128xf32, #tpu.memory_space<vmem>>, vector<1x16xf32>,
        %get3A_351 = arith.index_cast %add3A_310 : i32 to index
        %get3A_352 = arith.constant 48 : index
        %get3A_353 = tpu.vector_load %arg12[%get3A_351, %get3A_352] {strides = array<i32>} : memref<64x128xf32, #tpu.memory_space<vmem>>, vector<1x16xf32>,
        %get3A_354 = vector.shape_cast %get3A_353 : vector<1x16xf32> to vector<16xf32>
        %get3A_355 = arith.index_cast %add3A_310 : i32 to index
        %get3A_356 = arith.constant 48 : index
        %get3A_357 = tpu.vector_load %arg10[%get3A_355, %get3A_356] {strides = array<i32>} : memref<64x128xf32, #tpu.memory_space<vmem>>, vector<1x16xf32>,
        %get3A_358 = vector.shape_cast %get3A_357 : vector<1x16xf32> to vector<16xf32>
        %mul3A_359 = arith.mulf %get3A_354, %get3A_358 : vector<16xf32>
        %swap3A_360 = arith.index_cast %add3A_310 : i32 to index
        %swap3A_361 = arith.constant 48 : index
        %swap3A_362 = tpu.vector_load %arg12[%swap3A_360, %swap3A_361] {strides = array<i32>} : memref<64x128xf32, #tpu.memory_space<vmem>>, vector<1x16xf32>,
        %swap3A_363 = vector.shape_cast %swap3A_362 : vector<1x16xf32> to vector<16xf32>
        %swap3A_364 = vector.shape_cast %mul3A_359 : vector<16xf32> to vector<1x16xf32>
        tpu.vector_store %arg12[%swap3A_360, %swap3A_361], %swap3A_364 {strides = array<i32>} : memref<64x128xf32, #tpu.memory_space<vmem>>, vector<1x16xf32>,
        %get3A_365 = arith.index_cast %add3A_310 : i32 to index
        %get3A_366 = arith.constant 64 : index
        %get3A_367 = tpu.vector_load %arg12[%get3A_365, %get3A_366] {strides = array<i32>} : memref<64x128xf32, #tpu.memory_space<vmem>>, vector<1x16xf32>,
        %get3A_368 = vector.shape_cast %get3A_367 : vector<1x16xf32> to vector<16xf32>
        %get3A_369 = arith.index_cast %add3A_310 : i32 to index
        %get3A_370 = arith.constant 64 : index
        %get3A_371 = tpu.vector_load %arg10[%get3A_369, %get3A_370] {strides = array<i32>} : memref<64x128xf32, #tpu.memory_space<vmem>>, vector<1x16xf32>,
        %get3A_372 = vector.shape_cast %get3A_371 : vector<1x16xf32> to vector<16xf32>
        %mul3A_373 = arith.mulf %get3A_368, %get3A_372 : vector<16xf32>
        %swap3A_374 = arith.index_cast %add3A_310 : i32 to index
        %swap3A_375 = arith.constant 64 : index
        %swap3A_376 = tpu.vector_load %arg12[%swap3A_374, %swap3A_375] {strides = array<i32>} : memref<64x128xf32, #tpu.memory_space<vmem>>, vector<1x16xf32>,
        %swap3A_377 = vector.shape_cast %swap3A_376 : vector<1x16xf32> to vector<16xf32>
        %swap3A_378 = vector.shape_cast %mul3A_373 : vector<16xf32> to vector<1x16xf32>
        tpu.vector_store %arg12[%swap3A_374, %swap3A_375], %swap3A_378 {strides = array<i32>} : memref<64x128xf32, #tpu.memory_space<vmem>>, vector<1x16xf32>,
        %get3A_379 = arith.index_cast %add3A_310 : i32 to index
        %get3A_380 = arith.constant 80 : index
        %get3A_381 = tpu.vector_load %arg12[%get3A_379, %get3A_380] {strides = array<i32>} : memref<64x128xf32, #tpu.memory_space<vmem>>, vector<1x16xf32>,
        %get3A_382 = vector.shape_cast %get3A_381 : vector<1x16xf32> to vector<16xf32>
        %get3A_383 = arith.index_cast %add3A_310 : i32 to index
        %get3A_384 = arith.constant 80 : index
        %get3A_385 = tpu.vector_load %arg10[%get3A_383, %get3A_384] {strides = array<i32>} : memref<64x128xf32, #tpu.memory_space<vmem>>, vector<1x16xf32>,
        %get3A_386 = vector.shape_cast %get3A_385 : vector<1x16xf32> to vector<16xf32>
        %mul3A_387 = arith.mulf %get3A_382, %get3A_386 : vector<16xf32>
        %swap3A_388 = arith.index_cast %add3A_310 : i32 to index
        %swap3A_389 = arith.constant 80 : index
        %swap3A_390 = tpu.vector_load %arg12[%swap3A_388, %swap3A_389] {strides = array<i32>} : memref<64x128xf32, #tpu.memory_space<vmem>>, vector<1x16xf32>,
        %swap3A_391 = vector.shape_cast %swap3A_390 : vector<1x16xf32> to vector<16xf32>
        %swap3A_392 = vector.shape_cast %mul3A_387 : vector<16xf32> to vector<1x16xf32>
        tpu.vector_store %arg12[%swap3A_388, %swap3A_389], %swap3A_392 {strides = array<i32>} : memref<64x128xf32, #tpu.memory_space<vmem>>, vector<1x16xf32>,
        %get3A_393 = arith.index_cast %add3A_310 : i32 to index
        %get3A_394 = arith.constant 96 : index
        %get3A_395 = tpu.vector_load %arg12[%get3A_393, %get3A_394] {strides = array<i32>} : memref<64x128xf32, #tpu.memory_space<vmem>>, vector<1x16xf32>,
        %get3A_396 = vector.shape_cast %get3A_395 : vector<1x16xf32> to vector<16xf32>
        %get3A_397 = arith.index_cast %add3A_310 : i32 to index
        %get3A_398 = arith.constant 96 : index
        %get3A_399 = tpu.vector_load %arg10[%get3A_397, %get3A_398] {strides = array<i32>} : memref<64x128xf32, #tpu.memory_space<vmem>>, vector<1x16xf32>,
        %get3A_400 = vector.shape_cast %get3A_399 : vector<1x16xf32> to vector<16xf32>
        %mul3A_401 = arith.mulf %get3A_396, %get3A_400 : vector<16xf32>
        %swap3A_402 = arith.index_cast %add3A_310 : i32 to index
        %swap3A_403 = arith.constant 96 : index
        %swap3A_404 = tpu.vector_load %arg12[%swap3A_402, %swap3A_403] {strides = array<i32>} : memref<64x128xf32, #tpu.memory_space<vmem>>, vector<1x16xf32>,
        %swap3A_405 = vector.shape_cast %swap3A_404 : vector<1x16xf32> to vector<16xf32>
        %swap3A_406 = vector.shape_cast %mul3A_401 : vector<16xf32> to vector<1x16xf32>
        tpu.vector_store %arg12[%swap3A_402, %swap3A_403], %swap3A_406 {strides = array<i32>} : memref<64x128xf32, #tpu.memory_space<vmem>>, vector<1x16xf32>,
        %get3A_407 = arith.index_cast %add3A_310 : i32 to index
        %get3A_408 = arith.constant 112 : index
        %get3A_409 = tpu.vector_load %arg12[%get3A_407, %get3A_408] {strides = array<i32>} : memref<64x128xf32, #tpu.memory_space<vmem>>, vector<1x16xf32>,
        %get3A_410 = vector.shape_cast %get3A_409 : vector<1x16xf32> to vector<16xf32>
        %get3A_411 = arith.index_cast %add3A_310 : i32 to index
        %get3A_412 = arith.constant 112 : index
        %get3A_413 = tpu.vector_load %arg10[%get3A_411, %get3A_412] {strides = array<i32>} : memref<64x128xf32, #tpu.memory_space<vmem>>, vector<1x16xf32>,
        %get3A_414 = vector.shape_cast %get3A_413 : vector<1x16xf32> to vector<16xf32>
        %mul3A_415 = arith.mulf %get3A_410, %get3A_414 : vector<16xf32>
        %swap3A_416 = arith.index_cast %add3A_310 : i32 to index
        %swap3A_417 = arith.constant 112 : index
        %swap3A_418 = tpu.vector_load %arg12[%swap3A_416, %swap3A_417] {strides = array<i32>} : memref<64x128xf32, #tpu.memory_space<vmem>>, vector<1x16xf32>,
        %swap3A_419 = vector.shape_cast %swap3A_418 : vector<1x16xf32> to vector<16xf32>
        %swap3A_420 = vector.shape_cast %mul3A_415 : vector<16xf32> to vector<1x16xf32>
        tpu.vector_store %arg12[%swap3A_416, %swap3A_417], %swap3A_420 {strides = array<i32>} : memref<64x128xf32, #tpu.memory_space<vmem>>, vector<1x16xf32>,
      }
      %scan3A_269 = arith.constant 64 : i32
      %add3A_270 = arith.constant 2 : i32
      %add3A_271 = arith.addi %add3A_221, %add3A_270 : i32
      %lt3A_272 = arith.cmpi slt, %add3A_271, %select_n3A_35 : i32
      %convert_element_type3A_273 = arith.extui %lt3A_272 : i1 to i32
      %cond3A_274 = arith.constant 0 : i32
      %cond3A_275 = arith.cmpi ne, %convert_element_type3A_273, %cond3A_274 : i32
      scf.if %cond3A_275 {
        %add3A_306 = arith.constant 2 : i32
        %add3A_307 = arith.addi %add3A_221, %add3A_306 : i32
        %dma_start3A_308 = arith.constant 0 : i32
        %dma_start3A_309 = tpu.memref_slice %arg7[%add3A_307, %dma_start3A_308] : memref<56x64xi32, #tpu.memory_space<vmem>> -> memref<1x64xi32, #tpu.memory_space<vmem>>
        %dma_start3A_310 = tpu.memref_squeeze %dma_start3A_309 : memref<1x64xi32, #tpu.memory_space<vmem>> -> memref<64xi32, #tpu.memory_space<vmem>>
        %dma_start3A_311 = arith.constant 0 : i32
        %dma_start3A_312 = arith.constant 0 : i32
        %dma_start3A_313 = tpu.memref_slice %arg2[%dma_start3A_311, %dma_start3A_312] : memref<10000x128xf32, #tpu.memory_space<hbm>> -> memref<10000x128xf32, #tpu.memory_space<hbm>>
        tpu.enqueue_indirect_dma source(%dma_start3A_313 : memref<10000x128xf32, #tpu.memory_space<hbm>>) target(%arg10 : memref<64x128xf32, #tpu.memory_space<vmem>>) offsets(%dma_start3A_310 : memref<64xi32, #tpu.memory_space<vmem>>) semaphore(%arg15 : memref<!tpu.dma_semaphore, #tpu.memory_space<semaphore_mem>>)
      } else {
      }
      %dma_start3A_276 = arith.constant 0 : i32
      %dma_start3A_277 = tpu.memref_slice %arg8[%add3A_221, %dma_start3A_276] : memref<56x64xi32, #tpu.memory_space<vmem>> -> memref<1x64xi32, #tpu.memory_space<vmem>>
      %dma_start3A_278 = tpu.memref_squeeze %dma_start3A_277 : memref<1x64xi32, #tpu.memory_space<vmem>> -> memref<64xi32, #tpu.memory_space<vmem>>
      %dma_start3A_279 = arith.constant 0 : i32
      %dma_start3A_280 = arith.constant 0 : i32
      %dma_start3A_281 = tpu.memref_slice %arg13[%dma_start3A_279, %dma_start3A_280] : memref<10240x128xf32, #tpu.memory_space<vmem_shared>> -> memref<10240x128xf32, #tpu.memory_space<vmem_shared>>
      tpu.enqueue_indirect_dma source(%arg12 : memref<64x128xf32, #tpu.memory_space<vmem>>) target(%dma_start3A_281 : memref<10240x128xf32, #tpu.memory_space<vmem_shared>>) offsets(%dma_start3A_278 : memref<64xi32, #tpu.memory_space<vmem>>) semaphore(%arg19 : memref<!tpu.dma_semaphore, #tpu.memory_space<semaphore_mem>>) {add = true}
      %dma_wait3A_282 = arith.constant 0 : i32
      %dma_wait3A_283 = tpu.memref_slice %arg8[%mul3A_219, %dma_wait3A_282] : memref<56x64xi32, #tpu.memory_space<vmem>> -> memref<1x64xi32, #tpu.memory_space<vmem>>
      %dma_wait3A_284 = tpu.memref_squeeze %dma_wait3A_283 : memref<1x64xi32, #tpu.memory_space<vmem>> -> memref<64xi32, #tpu.memory_space<vmem>>
      %dma_wait3A_285 = arith.constant 0 : i32
      %dma_wait3A_286 = arith.constant 0 : i32
      %dma_wait3A_287 = tpu.memref_slice %arg13[%dma_wait3A_285, %dma_wait3A_286] : memref<10240x128xf32, #tpu.memory_space<vmem_shared>> -> memref<10240x128xf32, #tpu.memory_space<vmem_shared>>
      tpu.wait_indirect_dma semaphore(%arg18 : memref<!tpu.dma_semaphore, #tpu.memory_space<semaphore_mem>>) src(%arg11 : memref<64x128xf32, #tpu.memory_space<vmem>>) dst(%dma_wait3A_287 : memref<10240x128xf32, #tpu.memory_space<vmem_shared>>)
      %add3A_288 = arith.constant 2 : i32
      %add3A_289 = arith.addi %mul3A_219, %add3A_288 : i32
      %lt3A_290 = arith.cmpi slt, %add3A_289, %select_n3A_35 : i32
      %convert_element_type3A_291 = arith.extui %lt3A_290 : i1 to i32
      %cond3A_292 = arith.constant 0 : i32
      %cond3A_293 = arith.cmpi ne, %convert_element_type3A_291, %cond3A_292 : i32
      scf.if %cond3A_293 {
        %add3A_306 = arith.constant 2 : i32
        %add3A_307 = arith.addi %mul3A_219, %add3A_306 : i32
        %add3A_308 = arith.addi %multiple_of3A, %add3A_307 : i32
        %mul3A_309 = arith.constant 64 : i32
        %mul3A_310 = arith.muli %add3A_308, %mul3A_309 : i32
        %multiple_of3A_311 = tpu.assume_multiple %mul3A_310, 64 : i32
        %dma_start3A_312 = arith.constant 0 : i32
        %dma_start3A_313 = tpu.memref_slice %arg3[%multiple_of3A_311, %dma_start3A_312] : memref<163840x128xf32, #tpu.memory_space<hbm>> -> memref<64x128xf32, #tpu.memory_space<hbm>>
        %dma_start3A_314 = arith.constant 0 : i32
        %dma_start3A_315 = tpu.memref_slice %arg3[%multiple_of3A_311, %dma_start3A_314] : memref<163840x128xf32, #tpu.memory_space<hbm>> -> memref<64x128xf32, #tpu.memory_space<hbm>>
        tpu.enqueue_dma source(%dma_start3A_315 : memref<64x128xf32, #tpu.memory_space<hbm>>) target(%arg11 : memref<64x128xf32, #tpu.memory_space<vmem>>) target_semaphore(%arg16 : memref<!tpu.dma_semaphore, #tpu.memory_space<semaphore_mem>>)
      } else {
      }
      %dma_wait3A_294 = arith.constant 0 : i32
      %dma_wait3A_295 = tpu.memref_slice %arg8[%add3A_221, %dma_wait3A_294] : memref<56x64xi32, #tpu.memory_space<vmem>> -> memref<1x64xi32, #tpu.memory_space<vmem>>
      %dma_wait3A_296 = tpu.memref_squeeze %dma_wait3A_295 : memref<1x64xi32, #tpu.memory_space<vmem>> -> memref<64xi32, #tpu.memory_space<vmem>>
      %dma_wait3A_297 = arith.constant 0 : i32
      %dma_wait3A_298 = arith.constant 0 : i32
      %dma_wait3A_299 = tpu.memref_slice %arg13[%dma_wait3A_297, %dma_wait3A_298] : memref<10240x128xf32, #tpu.memory_space<vmem_shared>> -> memref<10240x128xf32, #tpu.memory_space<vmem_shared>>
      tpu.wait_indirect_dma semaphore(%arg19 : memref<!tpu.dma_semaphore, #tpu.memory_space<semaphore_mem>>) src(%arg12 : memref<64x128xf32, #tpu.memory_space<vmem>>) dst(%dma_wait3A_299 : memref<10240x128xf32, #tpu.memory_space<vmem_shared>>)
      %add3A_300 = arith.constant 2 : i32
      %add3A_301 = arith.addi %add3A_221, %add3A_300 : i32
      %lt3A_302 = arith.cmpi slt, %add3A_301, %select_n3A_35 : i32
      %convert_element_type3A_303 = arith.extui %lt3A_302 : i1 to i32
      %cond3A_304 = arith.constant 0 : i32
      %cond3A_305 = arith.cmpi ne, %convert_element_type3A_303, %cond3A_304 : i32
      scf.if %cond3A_305 {
        %add3A_306 = arith.constant 2 : i32
        %add3A_307 = arith.addi %add3A_221, %add3A_306 : i32
        %add3A_308 = arith.addi %multiple_of3A, %add3A_307 : i32
        %mul3A_309 = arith.constant 64 : i32
        %mul3A_310 = arith.muli %add3A_308, %mul3A_309 : i32
        %multiple_of3A_311 = tpu.assume_multiple %mul3A_310, 64 : i32
        %dma_start3A_312 = arith.constant 0 : i32
        %dma_start3A_313 = tpu.memref_slice %arg3[%multiple_of3A_311, %dma_start3A_312] : memref<163840x128xf32, #tpu.memory_space<hbm>> -> memref<64x128xf32, #tpu.memory_space<hbm>>
        %dma_start3A_314 = arith.constant 0 : i32
        %dma_start3A_315 = tpu.memref_slice %arg3[%multiple_of3A_311, %dma_start3A_314] : memref<163840x128xf32, #tpu.memory_space<hbm>> -> memref<64x128xf32, #tpu.memory_space<hbm>>
        tpu.enqueue_dma source(%dma_start3A_315 : memref<64x128xf32, #tpu.memory_space<hbm>>) target(%arg12 : memref<64x128xf32, #tpu.memory_space<vmem>>) target_semaphore(%arg17 : memref<!tpu.dma_semaphore, #tpu.memory_space<semaphore_mem>>)
      } else {
      }
    }
    %mul3A_120 = arith.constant 1 : i32
    %mul3A_121 = arith.muli %mul3A_120, %select_n3A_35 : i32
    %add3A_122 = arith.addi %select_n3A_17, %mul3A_121 : i32
    %multiple_of3A_123 = tpu.assume_multiple %add3A_122, 8 : i32
    %eq3A_124 = arith.constant 0 : i32
    %eq3A_125 = arith.cmpi eq, %arg0, %eq3A_124 : i32
    %convert_element_type3A_126 = arith.extui %eq3A_125 : i1 to i32
    %cond3A_127 = arith.constant 0 : i32
    %cond3A_128 = arith.cmpi ne, %convert_element_type3A_126, %cond3A_127 : i32
    scf.if %cond3A_128 {
      "tpu.region"() ({
        %run_scoped3A = tpu.sem_alloc : memref<!tpu.dma_semaphore, #tpu.memory_space<semaphore_mem>>
        %dma_start3A_215 = arith.constant 0 : i32
        %dma_start3A_216 = arith.constant 0 : i32
        %dma_start3A_217 = tpu.memref_slice %arg7[%dma_start3A_215, %dma_start3A_216] : memref<56x64xi32, #tpu.memory_space<vmem>> -> memref<56x64xi32, #tpu.memory_space<vmem>>
        %dma_start3A_218 = arith.constant 0 : i32
        %dma_start3A_219 = tpu.memref_slice %arg4[%multiple_of3A_123, %dma_start3A_218] : memref<2560x64xi32, #tpu.memory_space<hbm>> -> memref<56x64xi32, #tpu.memory_space<hbm>>
        %dma_start3A_220 = arith.constant 0 : i32
        %dma_start3A_221 = arith.constant 0 : i32
        %dma_start3A_222 = tpu.memref_slice %arg7[%dma_start3A_220, %dma_start3A_221] : memref<56x64xi32, #tpu.memory_space<vmem>> -> memref<56x64xi32, #tpu.memory_space<vmem>>
        %dma_start3A_223 = arith.constant 0 : i32
        %dma_start3A_224 = tpu.memref_slice %arg4[%multiple_of3A_123, %dma_start3A_223] : memref<2560x64xi32, #tpu.memory_space<hbm>> -> memref<56x64xi32, #tpu.memory_space<hbm>>
        tpu.enqueue_dma source(%dma_start3A_224 : memref<56x64xi32, #tpu.memory_space<hbm>>) target(%dma_start3A_222 : memref<56x64xi32, #tpu.memory_space<vmem>>) target_semaphore(%run_scoped3A : memref<!tpu.dma_semaphore, #tpu.memory_space<semaphore_mem>>)
        %dma_wait3A = arith.constant 0 : i32
        %dma_wait3A_225 = arith.constant 0 : i32
        %dma_wait3A_226 = tpu.memref_slice %arg7[%dma_wait3A, %dma_wait3A_225] : memref<56x64xi32, #tpu.memory_space<vmem>> -> memref<56x64xi32, #tpu.memory_space<vmem>>
        %dma_wait3A_227 = arith.constant 0 : i32
        %dma_wait3A_228 = tpu.memref_slice %arg4[%multiple_of3A_123, %dma_wait3A_227] : memref<2560x64xi32, #tpu.memory_space<hbm>> -> memref<56x64xi32, #tpu.memory_space<hbm>>
        %dma_wait3A_229 = arith.constant 0 : i32
        %dma_wait3A_230 = arith.constant 0 : i32
        %dma_wait3A_231 = tpu.memref_slice %arg7[%dma_wait3A_229, %dma_wait3A_230] : memref<56x64xi32, #tpu.memory_space<vmem>> -> memref<56x64xi32, #tpu.memory_space<vmem>>
        %dma_wait3A_232 = arith.constant 0 : i32
        %dma_wait3A_233 = tpu.memref_slice %arg4[%multiple_of3A_123, %dma_wait3A_232] : memref<2560x64xi32, #tpu.memory_space<hbm>> -> memref<56x64xi32, #tpu.memory_space<hbm>>
        tpu.wait_dma2 semaphore(%run_scoped3A : memref<!tpu.dma_semaphore, #tpu.memory_space<semaphore_mem>>) src(%dma_wait3A_233 : memref<56x64xi32, #tpu.memory_space<hbm>>) dst(%dma_wait3A_231 : memref<56x64xi32, #tpu.memory_space<vmem>>)
        tpu.yield
      }) : () -> ()
      "tpu.region"() ({
        %run_scoped3A = tpu.sem_alloc : memref<!tpu.dma_semaphore, #tpu.memory_space<semaphore_mem>>
        %dma_start3A_215 = arith.constant 0 : i32
        %dma_start3A_216 = arith.constant 0 : i32
        %dma_start3A_217 = tpu.memref_slice %arg8[%dma_start3A_215, %dma_start3A_216] : memref<56x64xi32, #tpu.memory_space<vmem>> -> memref<56x64xi32, #tpu.memory_space<vmem>>
        %dma_start3A_218 = arith.constant 0 : i32
        %dma_start3A_219 = tpu.memref_slice %arg5[%multiple_of3A_123, %dma_start3A_218] : memref<2560x64xi32, #tpu.memory_space<hbm>> -> memref<56x64xi32, #tpu.memory_space<hbm>>
        %dma_start3A_220 = arith.constant 0 : i32
        %dma_start3A_221 = arith.constant 0 : i32
        %dma_start3A_222 = tpu.memref_slice %arg8[%dma_start3A_220, %dma_start3A_221] : memref<56x64xi32, #tpu.memory_space<vmem>> -> memref<56x64xi32, #tpu.memory_space<vmem>>
        %dma_start3A_223 = arith.constant 0 : i32
        %dma_start3A_224 = tpu.memref_slice %arg5[%multiple_of3A_123, %dma_start3A_223] : memref<2560x64xi32, #tpu.memory_space<hbm>> -> memref<56x64xi32, #tpu.memory_space<hbm>>
        tpu.enqueue_dma source(%dma_start3A_224 : memref<56x64xi32, #tpu.memory_space<hbm>>) target(%dma_start3A_222 : memref<56x64xi32, #tpu.memory_space<vmem>>) target_semaphore(%run_scoped3A : memref<!tpu.dma_semaphore, #tpu.memory_space<semaphore_mem>>)
        %dma_wait3A = arith.constant 0 : i32
        %dma_wait3A_225 = arith.constant 0 : i32
        %dma_wait3A_226 = tpu.memref_slice %arg8[%dma_wait3A, %dma_wait3A_225] : memref<56x64xi32, #tpu.memory_space<vmem>> -> memref<56x64xi32, #tpu.memory_space<vmem>>
        %dma_wait3A_227 = arith.constant 0 : i32
        %dma_wait3A_228 = tpu.memref_slice %arg5[%multiple_of3A_123, %dma_wait3A_227] : memref<2560x64xi32, #tpu.memory_space<hbm>> -> memref<56x64xi32, #tpu.memory_space<hbm>>
        %dma_wait3A_229 = arith.constant 0 : i32
        %dma_wait3A_230 = arith.constant 0 : i32
        %dma_wait3A_231 = tpu.memref_slice %arg8[%dma_wait3A_229, %dma_wait3A_230] : memref<56x64xi32, #tpu.memory_space<vmem>> -> memref<56x64xi32, #tpu.memory_space<vmem>>
        %dma_wait3A_232 = arith.constant 0 : i32
        %dma_wait3A_233 = tpu.memref_slice %arg5[%multiple_of3A_123, %dma_wait3A_232] : memref<2560x64xi32, #tpu.memory_space<hbm>> -> memref<56x64xi32, #tpu.memory_space<hbm>>
        tpu.wait_dma2 semaphore(%run_scoped3A : memref<!tpu.dma_semaphore, #tpu.memory_space<semaphore_mem>>) src(%dma_wait3A_233 : memref<56x64xi32, #tpu.memory_space<hbm>>) dst(%dma_wait3A_231 : memref<56x64xi32, #tpu.memory_space<vmem>>)
        tpu.yield
      }) : () -> ()
    } else {
    }
    %eq3A_129 = arith.constant 1 : i32
    %eq3A_130 = arith.cmpi eq, %arg0, %eq3A_129 : i32
    %convert_element_type3A_131 = arith.extui %eq3A_130 : i1 to i32
    %cond3A_132 = arith.constant 0 : i32
    %cond3A_133 = arith.cmpi ne, %convert_element_type3A_131, %cond3A_132 : i32
    scf.if %cond3A_133 {
      "tpu.region"() ({
        %run_scoped3A = tpu.sem_alloc : memref<!tpu.dma_semaphore, #tpu.memory_space<semaphore_mem>>
        %dma_start3A_215 = arith.constant 0 : i32
        %dma_start3A_216 = arith.constant 0 : i32
        %dma_start3A_217 = tpu.memref_slice %arg7[%dma_start3A_215, %dma_start3A_216] : memref<56x64xi32, #tpu.memory_space<vmem>> -> memref<24x64xi32, #tpu.memory_space<vmem>>
        %dma_start3A_218 = arith.constant 0 : i32
        %dma_start3A_219 = tpu.memref_slice %arg4[%multiple_of3A_123, %dma_start3A_218] : memref<2560x64xi32, #tpu.memory_space<hbm>> -> memref<24x64xi32, #tpu.memory_space<hbm>>
        %dma_start3A_220 = arith.constant 0 : i32
        %dma_start3A_221 = arith.constant 0 : i32
        %dma_start3A_222 = tpu.memref_slice %arg7[%dma_start3A_220, %dma_start3A_221] : memref<56x64xi32, #tpu.memory_space<vmem>> -> memref<24x64xi32, #tpu.memory_space<vmem>>
        %dma_start3A_223 = arith.constant 0 : i32
        %dma_start3A_224 = tpu.memref_slice %arg4[%multiple_of3A_123, %dma_start3A_223] : memref<2560x64xi32, #tpu.memory_space<hbm>> -> memref<24x64xi32, #tpu.memory_space<hbm>>
        tpu.enqueue_dma source(%dma_start3A_224 : memref<24x64xi32, #tpu.memory_space<hbm>>) target(%dma_start3A_222 : memref<24x64xi32, #tpu.memory_space<vmem>>) target_semaphore(%run_scoped3A : memref<!tpu.dma_semaphore, #tpu.memory_space<semaphore_mem>>)
        %dma_wait3A = arith.constant 0 : i32
        %dma_wait3A_225 = arith.constant 0 : i32
        %dma_wait3A_226 = tpu.memref_slice %arg7[%dma_wait3A, %dma_wait3A_225] : memref<56x64xi32, #tpu.memory_space<vmem>> -> memref<24x64xi32, #tpu.memory_space<vmem>>
        %dma_wait3A_227 = arith.constant 0 : i32
        %dma_wait3A_228 = tpu.memref_slice %arg4[%multiple_of3A_123, %dma_wait3A_227] : memref<2560x64xi32, #tpu.memory_space<hbm>> -> memref<24x64xi32, #tpu.memory_space<hbm>>
        %dma_wait3A_229 = arith.constant 0 : i32
        %dma_wait3A_230 = arith.constant 0 : i32
        %dma_wait3A_231 = tpu.memref_slice %arg7[%dma_wait3A_229, %dma_wait3A_230] : memref<56x64xi32, #tpu.memory_space<vmem>> -> memref<24x64xi32, #tpu.memory_space<vmem>>
        %dma_wait3A_232 = arith.constant 0 : i32
        %dma_wait3A_233 = tpu.memref_slice %arg4[%multiple_of3A_123, %dma_wait3A_232] : memref<2560x64xi32, #tpu.memory_space<hbm>> -> memref<24x64xi32, #tpu.memory_space<hbm>>
        tpu.wait_dma2 semaphore(%run_scoped3A : memref<!tpu.dma_semaphore, #tpu.memory_space<semaphore_mem>>) src(%dma_wait3A_233 : memref<24x64xi32, #tpu.memory_space<hbm>>) dst(%dma_wait3A_231 : memref<24x64xi32, #tpu.memory_space<vmem>>)
        tpu.yield
      }) : () -> ()
      "tpu.region"() ({
        %run_scoped3A = tpu.sem_alloc : memref<!tpu.dma_semaphore, #tpu.memory_space<semaphore_mem>>
        %dma_start3A_215 = arith.constant 0 : i32
        %dma_start3A_216 = arith.constant 0 : i32
        %dma_start3A_217 = tpu.memref_slice %arg8[%dma_start3A_215, %dma_start3A_216] : memref<56x64xi32, #tpu.memory_space<vmem>> -> memref<24x64xi32, #tpu.memory_space<vmem>>
        %dma_start3A_218 = arith.constant 0 : i32
        %dma_start3A_219 = tpu.memref_slice %arg5[%multiple_of3A_123, %dma_start3A_218] : memref<2560x64xi32, #tpu.memory_space<hbm>> -> memref<24x64xi32, #tpu.memory_space<hbm>>
        %dma_start3A_220 = arith.constant 0 : i32
        %dma_start3A_221 = arith.constant 0 : i32
        %dma_start3A_222 = tpu.memref_slice %arg8[%dma_start3A_220, %dma_start3A_221] : memref<56x64xi32, #tpu.memory_space<vmem>> -> memref<24x64xi32, #tpu.memory_space<vmem>>
        %dma_start3A_223 = arith.constant 0 : i32
        %dma_start3A_224 = tpu.memref_slice %arg5[%multiple_of3A_123, %dma_start3A_223] : memref<2560x64xi32, #tpu.memory_space<hbm>> -> memref<24x64xi32, #tpu.memory_space<hbm>>
        tpu.enqueue_dma source(%dma_start3A_224 : memref<24x64xi32, #tpu.memory_space<hbm>>) target(%dma_start3A_222 : memref<24x64xi32, #tpu.memory_space<vmem>>) target_semaphore(%run_scoped3A : memref<!tpu.dma_semaphore, #tpu.memory_space<semaphore_mem>>)
        %dma_wait3A = arith.constant 0 : i32
        %dma_wait3A_225 = arith.constant 0 : i32
        %dma_wait3A_226 = tpu.memref_slice %arg8[%dma_wait3A, %dma_wait3A_225] : memref<56x64xi32, #tpu.memory_space<vmem>> -> memref<24x64xi32, #tpu.memory_space<vmem>>
        %dma_wait3A_227 = arith.constant 0 : i32
        %dma_wait3A_228 = tpu.memref_slice %arg5[%multiple_of3A_123, %dma_wait3A_227] : memref<2560x64xi32, #tpu.memory_space<hbm>> -> memref<24x64xi32, #tpu.memory_space<hbm>>
        %dma_wait3A_229 = arith.constant 0 : i32
        %dma_wait3A_230 = arith.constant 0 : i32
        %dma_wait3A_231 = tpu.memref_slice %arg8[%dma_wait3A_229, %dma_wait3A_230] : memref<56x64xi32, #tpu.memory_space<vmem>> -> memref<24x64xi32, #tpu.memory_space<vmem>>
        %dma_wait3A_232 = arith.constant 0 : i32
        %dma_wait3A_233 = tpu.memref_slice %arg5[%multiple_of3A_123, %dma_wait3A_232] : memref<2560x64xi32, #tpu.memory_space<hbm>> -> memref<24x64xi32, #tpu.memory_space<hbm>>
        tpu.wait_dma2 semaphore(%run_scoped3A : memref<!tpu.dma_semaphore, #tpu.memory_space<semaphore_mem>>) src(%dma_wait3A_233 : memref<24x64xi32, #tpu.memory_space<hbm>>) dst(%dma_wait3A_231 : memref<24x64xi32, #tpu.memory_space<vmem>>)
        tpu.yield
      }) : () -> ()
    } else {
    }
    %dma_start3A_134 = arith.constant 0 : i32
    %dma_start3A_135 = arith.constant 0 : i32
    %dma_start3A_136 = tpu.memref_slice %arg7[%dma_start3A_134, %dma_start3A_135] : memref<56x64xi32, #tpu.memory_space<vmem>> -> memref<1x64xi32, #tpu.memory_space<vmem>>
    %dma_start3A_137 = tpu.memref_squeeze %dma_start3A_136 : memref<1x64xi32, #tpu.memory_space<vmem>> -> memref<64xi32, #tpu.memory_space<vmem>>
    %dma_start3A_138 = arith.constant 0 : i32
    %dma_start3A_139 = arith.constant 0 : i32
    %dma_start3A_140 = tpu.memref_slice %arg2[%dma_start3A_138, %dma_start3A_139] : memref<10000x128xf32, #tpu.memory_space<hbm>> -> memref<10000x128xf32, #tpu.memory_space<hbm>>
    tpu.enqueue_indirect_dma source(%dma_start3A_140 : memref<10000x128xf32, #tpu.memory_space<hbm>>) target(%arg9 : memref<64x128xf32, #tpu.memory_space<vmem>>) offsets(%dma_start3A_137 : memref<64xi32, #tpu.memory_space<vmem>>) semaphore(%arg14 : memref<!tpu.dma_semaphore, #tpu.memory_space<semaphore_mem>>)
    %add3A_141 = arith.constant 0 : i32
    %add3A_142 = arith.addi %multiple_of3A_123, %add3A_141 : i32
    %mul3A_143 = arith.constant 64 : i32
    %mul3A_144 = arith.muli %add3A_142, %mul3A_143 : i32
    %multiple_of3A_145 = tpu.assume_multiple %mul3A_144, 64 : i32
    %dma_start3A_146 = arith.constant 0 : i32
    %dma_start3A_147 = tpu.memref_slice %arg3[%multiple_of3A_145, %dma_start3A_146] : memref<163840x128xf32, #tpu.memory_space<hbm>> -> memref<64x128xf32, #tpu.memory_space<hbm>>
    %dma_start3A_148 = arith.constant 0 : i32
    %dma_start3A_149 = tpu.memref_slice %arg3[%multiple_of3A_145, %dma_start3A_148] : memref<163840x128xf32, #tpu.memory_space<hbm>> -> memref<64x128xf32, #tpu.memory_space<hbm>>
    tpu.enqueue_dma source(%dma_start3A_149 : memref<64x128xf32, #tpu.memory_space<hbm>>) target(%arg11 : memref<64x128xf32, #tpu.memory_space<vmem>>) target_semaphore(%arg16 : memref<!tpu.dma_semaphore, #tpu.memory_space<semaphore_mem>>)
    %dma_start3A_150 = arith.constant 1 : i32
    %dma_start3A_151 = arith.constant 0 : i32
    %dma_start3A_152 = tpu.memref_slice %arg7[%dma_start3A_150, %dma_start3A_151] : memref<56x64xi32, #tpu.memory_space<vmem>> -> memref<1x64xi32, #tpu.memory_space<vmem>>
    %dma_start3A_153 = tpu.memref_squeeze %dma_start3A_152 : memref<1x64xi32, #tpu.memory_space<vmem>> -> memref<64xi32, #tpu.memory_space<vmem>>
    %dma_start3A_154 = arith.constant 0 : i32
    %dma_start3A_155 = arith.constant 0 : i32
    %dma_start3A_156 = tpu.memref_slice %arg2[%dma_start3A_154, %dma_start3A_155] : memref<10000x128xf32, #tpu.memory_space<hbm>> -> memref<10000x128xf32, #tpu.memory_space<hbm>>
    tpu.enqueue_indirect_dma source(%dma_start3A_156 : memref<10000x128xf32, #tpu.memory_space<hbm>>) target(%arg10 : memref<64x128xf32, #tpu.memory_space<vmem>>) offsets(%dma_start3A_153 : memref<64xi32, #tpu.memory_space<vmem>>) semaphore(%arg15 : memref<!tpu.dma_semaphore, #tpu.memory_space<semaphore_mem>>)
    %add3A_157 = arith.constant 1 : i32
    %add3A_158 = arith.addi %multiple_of3A_123, %add3A_157 : i32
    %mul3A_159 = arith.constant 64 : i32
    %mul3A_160 = arith.muli %add3A_158, %mul3A_159 : i32
    %multiple_of3A_161 = tpu.assume_multiple %mul3A_160, 64 : i32
    %dma_start3A_162 = arith.constant 0 : i32
    %dma_start3A_163 = tpu.memref_slice %arg3[%multiple_of3A_161, %dma_start3A_162] : memref<163840x128xf32, #tpu.memory_space<hbm>> -> memref<64x128xf32, #tpu.memory_space<hbm>>
    %dma_start3A_164 = arith.constant 0 : i32
    %dma_start3A_165 = tpu.memref_slice %arg3[%multiple_of3A_161, %dma_start3A_164] : memref<163840x128xf32, #tpu.memory_space<hbm>> -> memref<64x128xf32, #tpu.memory_space<hbm>>
    tpu.enqueue_dma source(%dma_start3A_165 : memref<64x128xf32, #tpu.memory_space<hbm>>) target(%arg12 : memref<64x128xf32, #tpu.memory_space<vmem>>) target_semaphore(%arg17 : memref<!tpu.dma_semaphore, #tpu.memory_space<semaphore_mem>>)
    %jit3A_166 = arith.constant 2 : i32
    %div3A_167 = arith.divsi %select_n3A_35, %jit3A_166 : i32
    %sign3A_168 = arith.constant 0 : i32
    %sign3A_169 = arith.cmpi sgt, %select_n3A_35, %sign3A_168 : i32
    %sign3A_170 = arith.extui %sign3A_169 : i1 to i32
    %sign3A_171 = arith.constant 0 : i32
    %sign3A_172 = arith.cmpi slt, %select_n3A_35, %sign3A_171 : i32
    %sign3A_173 = arith.extui %sign3A_172 : i1 to i32
    %sign3A_174 = arith.subi %sign3A_170, %sign3A_173 : i32
    %sign3A_175 = arith.constant 0 : i32
    %sign3A_176 = arith.cmpi sgt, %jit3A_166, %sign3A_175 : i32
    %sign3A_177 = arith.extui %sign3A_176 : i1 to i32
    %sign3A_178 = arith.constant 0 : i32
    %sign3A_179 = arith.cmpi slt, %jit3A_166, %sign3A_178 : i32
    %sign3A_180 = arith.extui %sign3A_179 : i1 to i32
    %sign3A_181 = arith.subi %sign3A_177, %sign3A_180 : i32
    %ne3A_182 = arith.cmpi ne, %sign3A_174, %sign3A_181 : i32
    %rem3A_183 = arith.remsi %select_n3A_35, %jit3A_166 : i32
    %ne3A_184 = arith.constant 0 : i32
    %ne3A_185 = arith.cmpi ne, %rem3A_183, %ne3A_184 : i32
    %and3A_186 = arith.andi %ne3A_182, %ne3A_185 : i1
    %sub3A_187 = arith.constant 1 : i32
    %sub3A_188 = arith.subi %div3A_167, %sub3A_187 : i32
    %select_n3A_189 = arith.select %and3A_186, %sub3A_188, %div3A_167 : i32
    %sub3A_190 = arith.constant 0 : i32
    %sub3A_191 = arith.subi %select_n3A_189, %sub3A_190 : i32
    %sub3A_192 = arith.constant 1 : i32
    %sub3A_193 = arith.constant 1 : i32
    %sub3A_194 = arith.subi %sub3A_192, %sub3A_193 : i32
    %add3A_195 = arith.addi %sub3A_191, %sub3A_194 : i32
    %div3A_196 = arith.constant 1 : i32
    %div3A_197 = arith.divsi %add3A_195, %div3A_196 : i32
    %while3A_198 = arith.constant 1 : i32
    %while3A_199 = arith.constant 0 : i32
    %while3A_200 = arith.constant 0 : i32
    %while3A_201 = arith.subi %div3A_197, %while3A_200 : i32
    %while3A_202 = arith.addi %while3A_200, %while3A_201 : i32
    %while3A_203 = arith.constant 1 : i32
    %while3A_204 = arith.divsi %while3A_201, %while3A_203 : i32
    %while3A_205 = arith.muli %while3A_204, %while3A_203 : i32
    %while3A_206 = arith.addi %while3A_200, %while3A_205 : i32
    %while3A_207 = arith.constant 1 : i32
    scf.for %while3A_215 = %while3A_200 to %while3A_206 step %while3A_207  : i32 {
      %mul3A_216 = arith.muli %while3A_215, %while3A_198 : i32
      %add3A_217 = arith.addi %while3A_199, %mul3A_216 : i32
      %mul3A_218 = arith.constant 2 : i32
      %mul3A_219 = arith.muli %mul3A_218, %add3A_217 : i32
      %add3A_220 = arith.constant 1 : i32
      %add3A_221 = arith.addi %mul3A_219, %add3A_220 : i32
      %dma_wait3A = arith.constant 0 : i32
      %dma_wait3A_222 = tpu.memref_slice %arg7[%mul3A_219, %dma_wait3A] : memref<56x64xi32, #tpu.memory_space<vmem>> -> memref<1x64xi32, #tpu.memory_space<vmem>>
      %dma_wait3A_223 = tpu.memref_squeeze %dma_wait3A_222 : memref<1x64xi32, #tpu.memory_space<vmem>> -> memref<64xi32, #tpu.memory_space<vmem>>
      %dma_wait3A_224 = arith.constant 0 : i32
      %dma_wait3A_225 = arith.constant 0 : i32
      %dma_wait3A_226 = tpu.memref_slice %arg2[%dma_wait3A_224, %dma_wait3A_225] : memref<10000x128xf32, #tpu.memory_space<hbm>> -> memref<10000x128xf32, #tpu.memory_space<hbm>>
      tpu.wait_indirect_dma semaphore(%arg14 : memref<!tpu.dma_semaphore, #tpu.memory_space<semaphore_mem>>) src(%dma_wait3A_226 : memref<10000x128xf32, #tpu.memory_space<hbm>>) dst(%arg9 : memref<64x128xf32, #tpu.memory_space<vmem>>)
      %add3A_227 = arith.addi %multiple_of3A_123, %mul3A_219 : i32
      %mul3A_228 = arith.constant 64 : i32
      %mul3A_229 = arith.muli %add3A_227, %mul3A_228 : i32
      %multiple_of3A_230 = tpu.assume_multiple %mul3A_229, 64 : i32
      %dma_wait3A_231 = arith.constant 0 : i32
      %dma_wait3A_232 = tpu.memref_slice %arg3[%multiple_of3A_230, %dma_wait3A_231] : memref<163840x128xf32, #tpu.memory_space<hbm>> -> memref<64x128xf32, #tpu.memory_space<hbm>>
      %dma_wait3A_233 = arith.constant 0 : i32
      %dma_wait3A_234 = tpu.memref_slice %arg3[%multiple_of3A_230, %dma_wait3A_233] : memref<163840x128xf32, #tpu.memory_space<hbm>> -> memref<64x128xf32, #tpu.memory_space<hbm>>
      tpu.wait_dma2 semaphore(%arg16 : memref<!tpu.dma_semaphore, #tpu.memory_space<semaphore_mem>>) src(%dma_wait3A_234 : memref<64x128xf32, #tpu.memory_space<hbm>>) dst(%arg11 : memref<64x128xf32, #tpu.memory_space<vmem>>)
      %scan3A_235 = arith.constant 0 : i32
      %scan3A_236 = arith.constant 64 : i32
      %scan3A_237 = arith.addi %scan3A_235, %scan3A_236 : i32
      %scan3A_238 = arith.constant 1 : i32
      scf.for %scan3A_306 = %scan3A_235 to %scan3A_237 step %scan3A_238  : i32 {
        %mul3A_307 = arith.constant 1 : i32
        %mul3A_308 = arith.muli %scan3A_306, %mul3A_307 : i32
        %add3A_309 = arith.constant 0 : i32
        %add3A_310 = arith.addi %add3A_309, %mul3A_308 : i32
        %get3A = arith.index_cast %add3A_310 : i32 to index
        %get3A_311 = arith.constant 0 : index
        %get3A_312 = tpu.vector_load %arg11[%get3A, %get3A_311] {strides = array<i32>} : memref<64x128xf32, #tpu.memory_space<vmem>>, vector<1x16xf32>,
        %get3A_313 = vector.shape_cast %get3A_312 : vector<1x16xf32> to vector<16xf32>
        %get3A_314 = arith.index_cast %add3A_310 : i32 to index
        %get3A_315 = arith.constant 0 : index
        %get3A_316 = tpu.vector_load %arg9[%get3A_314, %get3A_315] {strides = array<i32>} : memref<64x128xf32, #tpu.memory_space<vmem>>, vector<1x16xf32>,
        %get3A_317 = vector.shape_cast %get3A_316 : vector<1x16xf32> to vector<16xf32>
        %mul3A_318 = arith.mulf %get3A_313, %get3A_317 : vector<16xf32>
        %swap3A = arith.index_cast %add3A_310 : i32 to index
        %swap3A_319 = arith.constant 0 : index
        %swap3A_320 = tpu.vector_load %arg11[%swap3A, %swap3A_319] {strides = array<i32>} : memref<64x128xf32, #tpu.memory_space<vmem>>, vector<1x16xf32>,
        %swap3A_321 = vector.shape_cast %swap3A_320 : vector<1x16xf32> to vector<16xf32>
        %swap3A_322 = vector.shape_cast %mul3A_318 : vector<16xf32> to vector<1x16xf32>
        tpu.vector_store %arg11[%swap3A, %swap3A_319], %swap3A_322 {strides = array<i32>} : memref<64x128xf32, #tpu.memory_space<vmem>>, vector<1x16xf32>,
        %get3A_323 = arith.index_cast %add3A_310 : i32 to index
        %get3A_324 = arith.constant 16 : index
        %get3A_325 = tpu.vector_load %arg11[%get3A_323, %get3A_324] {strides = array<i32>} : memref<64x128xf32, #tpu.memory_space<vmem>>, vector<1x16xf32>,
        %get3A_326 = vector.shape_cast %get3A_325 : vector<1x16xf32> to vector<16xf32>
        %get3A_327 = arith.index_cast %add3A_310 : i32 to index
        %get3A_328 = arith.constant 16 : index
        %get3A_329 = tpu.vector_load %arg9[%get3A_327, %get3A_328] {strides = array<i32>} : memref<64x128xf32, #tpu.memory_space<vmem>>, vector<1x16xf32>,
        %get3A_330 = vector.shape_cast %get3A_329 : vector<1x16xf32> to vector<16xf32>
        %mul3A_331 = arith.mulf %get3A_326, %get3A_330 : vector<16xf32>
        %swap3A_332 = arith.index_cast %add3A_310 : i32 to index
        %swap3A_333 = arith.constant 16 : index
        %swap3A_334 = tpu.vector_load %arg11[%swap3A_332, %swap3A_333] {strides = array<i32>} : memref<64x128xf32, #tpu.memory_space<vmem>>, vector<1x16xf32>,
        %swap3A_335 = vector.shape_cast %swap3A_334 : vector<1x16xf32> to vector<16xf32>
        %swap3A_336 = vector.shape_cast %mul3A_331 : vector<16xf32> to vector<1x16xf32>
        tpu.vector_store %arg11[%swap3A_332, %swap3A_333], %swap3A_336 {strides = array<i32>} : memref<64x128xf32, #tpu.memory_space<vmem>>, vector<1x16xf32>,
        %get3A_337 = arith.index_cast %add3A_310 : i32 to index
        %get3A_338 = arith.constant 32 : index
        %get3A_339 = tpu.vector_load %arg11[%get3A_337, %get3A_338] {strides = array<i32>} : memref<64x128xf32, #tpu.memory_space<vmem>>, vector<1x16xf32>,
        %get3A_340 = vector.shape_cast %get3A_339 : vector<1x16xf32> to vector<16xf32>
        %get3A_341 = arith.index_cast %add3A_310 : i32 to index
        %get3A_342 = arith.constant 32 : index
        %get3A_343 = tpu.vector_load %arg9[%get3A_341, %get3A_342] {strides = array<i32>} : memref<64x128xf32, #tpu.memory_space<vmem>>, vector<1x16xf32>,
        %get3A_344 = vector.shape_cast %get3A_343 : vector<1x16xf32> to vector<16xf32>
        %mul3A_345 = arith.mulf %get3A_340, %get3A_344 : vector<16xf32>
        %swap3A_346 = arith.index_cast %add3A_310 : i32 to index
        %swap3A_347 = arith.constant 32 : index
        %swap3A_348 = tpu.vector_load %arg11[%swap3A_346, %swap3A_347] {strides = array<i32>} : memref<64x128xf32, #tpu.memory_space<vmem>>, vector<1x16xf32>,
        %swap3A_349 = vector.shape_cast %swap3A_348 : vector<1x16xf32> to vector<16xf32>
        %swap3A_350 = vector.shape_cast %mul3A_345 : vector<16xf32> to vector<1x16xf32>
        tpu.vector_store %arg11[%swap3A_346, %swap3A_347], %swap3A_350 {strides = array<i32>} : memref<64x128xf32, #tpu.memory_space<vmem>>, vector<1x16xf32>,
        %get3A_351 = arith.index_cast %add3A_310 : i32 to index
        %get3A_352 = arith.constant 48 : index
        %get3A_353 = tpu.vector_load %arg11[%get3A_351, %get3A_352] {strides = array<i32>} : memref<64x128xf32, #tpu.memory_space<vmem>>, vector<1x16xf32>,
        %get3A_354 = vector.shape_cast %get3A_353 : vector<1x16xf32> to vector<16xf32>
        %get3A_355 = arith.index_cast %add3A_310 : i32 to index
        %get3A_356 = arith.constant 48 : index
        %get3A_357 = tpu.vector_load %arg9[%get3A_355, %get3A_356] {strides = array<i32>} : memref<64x128xf32, #tpu.memory_space<vmem>>, vector<1x16xf32>,
        %get3A_358 = vector.shape_cast %get3A_357 : vector<1x16xf32> to vector<16xf32>
        %mul3A_359 = arith.mulf %get3A_354, %get3A_358 : vector<16xf32>
        %swap3A_360 = arith.index_cast %add3A_310 : i32 to index
        %swap3A_361 = arith.constant 48 : index
        %swap3A_362 = tpu.vector_load %arg11[%swap3A_360, %swap3A_361] {strides = array<i32>} : memref<64x128xf32, #tpu.memory_space<vmem>>, vector<1x16xf32>,
        %swap3A_363 = vector.shape_cast %swap3A_362 : vector<1x16xf32> to vector<16xf32>
        %swap3A_364 = vector.shape_cast %mul3A_359 : vector<16xf32> to vector<1x16xf32>
        tpu.vector_store %arg11[%swap3A_360, %swap3A_361], %swap3A_364 {strides = array<i32>} : memref<64x128xf32, #tpu.memory_space<vmem>>, vector<1x16xf32>,
        %get3A_365 = arith.index_cast %add3A_310 : i32 to index
        %get3A_366 = arith.constant 64 : index
        %get3A_367 = tpu.vector_load %arg11[%get3A_365, %get3A_366] {strides = array<i32>} : memref<64x128xf32, #tpu.memory_space<vmem>>, vector<1x16xf32>,
        %get3A_368 = vector.shape_cast %get3A_367 : vector<1x16xf32> to vector<16xf32>
        %get3A_369 = arith.index_cast %add3A_310 : i32 to index
        %get3A_370 = arith.constant 64 : index
        %get3A_371 = tpu.vector_load %arg9[%get3A_369, %get3A_370] {strides = array<i32>} : memref<64x128xf32, #tpu.memory_space<vmem>>, vector<1x16xf32>,
        %get3A_372 = vector.shape_cast %get3A_371 : vector<1x16xf32> to vector<16xf32>
        %mul3A_373 = arith.mulf %get3A_368, %get3A_372 : vector<16xf32>
        %swap3A_374 = arith.index_cast %add3A_310 : i32 to index
        %swap3A_375 = arith.constant 64 : index
        %swap3A_376 = tpu.vector_load %arg11[%swap3A_374, %swap3A_375] {strides = array<i32>} : memref<64x128xf32, #tpu.memory_space<vmem>>, vector<1x16xf32>,
        %swap3A_377 = vector.shape_cast %swap3A_376 : vector<1x16xf32> to vector<16xf32>
        %swap3A_378 = vector.shape_cast %mul3A_373 : vector<16xf32> to vector<1x16xf32>
        tpu.vector_store %arg11[%swap3A_374, %swap3A_375], %swap3A_378 {strides = array<i32>} : memref<64x128xf32, #tpu.memory_space<vmem>>, vector<1x16xf32>,
        %get3A_379 = arith.index_cast %add3A_310 : i32 to index
        %get3A_380 = arith.constant 80 : index
        %get3A_381 = tpu.vector_load %arg11[%get3A_379, %get3A_380] {strides = array<i32>} : memref<64x128xf32, #tpu.memory_space<vmem>>, vector<1x16xf32>,
        %get3A_382 = vector.shape_cast %get3A_381 : vector<1x16xf32> to vector<16xf32>
        %get3A_383 = arith.index_cast %add3A_310 : i32 to index
        %get3A_384 = arith.constant 80 : index
        %get3A_385 = tpu.vector_load %arg9[%get3A_383, %get3A_384] {strides = array<i32>} : memref<64x128xf32, #tpu.memory_space<vmem>>, vector<1x16xf32>,
        %get3A_386 = vector.shape_cast %get3A_385 : vector<1x16xf32> to vector<16xf32>
        %mul3A_387 = arith.mulf %get3A_382, %get3A_386 : vector<16xf32>
        %swap3A_388 = arith.index_cast %add3A_310 : i32 to index
        %swap3A_389 = arith.constant 80 : index
        %swap3A_390 = tpu.vector_load %arg11[%swap3A_388, %swap3A_389] {strides = array<i32>} : memref<64x128xf32, #tpu.memory_space<vmem>>, vector<1x16xf32>,
        %swap3A_391 = vector.shape_cast %swap3A_390 : vector<1x16xf32> to vector<16xf32>
        %swap3A_392 = vector.shape_cast %mul3A_387 : vector<16xf32> to vector<1x16xf32>
        tpu.vector_store %arg11[%swap3A_388, %swap3A_389], %swap3A_392 {strides = array<i32>} : memref<64x128xf32, #tpu.memory_space<vmem>>, vector<1x16xf32>,
        %get3A_393 = arith.index_cast %add3A_310 : i32 to index
        %get3A_394 = arith.constant 96 : index
        %get3A_395 = tpu.vector_load %arg11[%get3A_393, %get3A_394] {strides = array<i32>} : memref<64x128xf32, #tpu.memory_space<vmem>>, vector<1x16xf32>,
        %get3A_396 = vector.shape_cast %get3A_395 : vector<1x16xf32> to vector<16xf32>
        %get3A_397 = arith.index_cast %add3A_310 : i32 to index
        %get3A_398 = arith.constant 96 : index
        %get3A_399 = tpu.vector_load %arg9[%get3A_397, %get3A_398] {strides = array<i32>} : memref<64x128xf32, #tpu.memory_space<vmem>>, vector<1x16xf32>,
        %get3A_400 = vector.shape_cast %get3A_399 : vector<1x16xf32> to vector<16xf32>
        %mul3A_401 = arith.mulf %get3A_396, %get3A_400 : vector<16xf32>
        %swap3A_402 = arith.index_cast %add3A_310 : i32 to index
        %swap3A_403 = arith.constant 96 : index
        %swap3A_404 = tpu.vector_load %arg11[%swap3A_402, %swap3A_403] {strides = array<i32>} : memref<64x128xf32, #tpu.memory_space<vmem>>, vector<1x16xf32>,
        %swap3A_405 = vector.shape_cast %swap3A_404 : vector<1x16xf32> to vector<16xf32>
        %swap3A_406 = vector.shape_cast %mul3A_401 : vector<16xf32> to vector<1x16xf32>
        tpu.vector_store %arg11[%swap3A_402, %swap3A_403], %swap3A_406 {strides = array<i32>} : memref<64x128xf32, #tpu.memory_space<vmem>>, vector<1x16xf32>,
        %get3A_407 = arith.index_cast %add3A_310 : i32 to index
        %get3A_408 = arith.constant 112 : index
        %get3A_409 = tpu.vector_load %arg11[%get3A_407, %get3A_408] {strides = array<i32>} : memref<64x128xf32, #tpu.memory_space<vmem>>, vector<1x16xf32>,
        %get3A_410 = vector.shape_cast %get3A_409 : vector<1x16xf32> to vector<16xf32>
        %get3A_411 = arith.index_cast %add3A_310 : i32 to index
        %get3A_412 = arith.constant 112 : index
        %get3A_413 = tpu.vector_load %arg9[%get3A_411, %get3A_412] {strides = array<i32>} : memref<64x128xf32, #tpu.memory_space<vmem>>, vector<1x16xf32>,
        %get3A_414 = vector.shape_cast %get3A_413 : vector<1x16xf32> to vector<16xf32>
        %mul3A_415 = arith.mulf %get3A_410, %get3A_414 : vector<16xf32>
        %swap3A_416 = arith.index_cast %add3A_310 : i32 to index
        %swap3A_417 = arith.constant 112 : index
        %swap3A_418 = tpu.vector_load %arg11[%swap3A_416, %swap3A_417] {strides = array<i32>} : memref<64x128xf32, #tpu.memory_space<vmem>>, vector<1x16xf32>,
        %swap3A_419 = vector.shape_cast %swap3A_418 : vector<1x16xf32> to vector<16xf32>
        %swap3A_420 = vector.shape_cast %mul3A_415 : vector<16xf32> to vector<1x16xf32>
        tpu.vector_store %arg11[%swap3A_416, %swap3A_417], %swap3A_420 {strides = array<i32>} : memref<64x128xf32, #tpu.memory_space<vmem>>, vector<1x16xf32>,
      }
      %scan3A_239 = arith.constant 64 : i32
      %add3A_240 = arith.constant 2 : i32
      %add3A_241 = arith.addi %mul3A_219, %add3A_240 : i32
      %lt3A = arith.cmpi slt, %add3A_241, %select_n3A_35 : i32
      %convert_element_type3A_242 = arith.extui %lt3A : i1 to i32
      %cond3A_243 = arith.constant 0 : i32
      %cond3A_244 = arith.cmpi ne, %convert_element_type3A_242, %cond3A_243 : i32
      scf.if %cond3A_244 {
        %add3A_306 = arith.constant 2 : i32
        %add3A_307 = arith.addi %mul3A_219, %add3A_306 : i32
        %dma_start3A_308 = arith.constant 0 : i32
        %dma_start3A_309 = tpu.memref_slice %arg7[%add3A_307, %dma_start3A_308] : memref<56x64xi32, #tpu.memory_space<vmem>> -> memref<1x64xi32, #tpu.memory_space<vmem>>
        %dma_start3A_310 = tpu.memref_squeeze %dma_start3A_309 : memref<1x64xi32, #tpu.memory_space<vmem>> -> memref<64xi32, #tpu.memory_space<vmem>>
        %dma_start3A_311 = arith.constant 0 : i32
        %dma_start3A_312 = arith.constant 0 : i32
        %dma_start3A_313 = tpu.memref_slice %arg2[%dma_start3A_311, %dma_start3A_312] : memref<10000x128xf32, #tpu.memory_space<hbm>> -> memref<10000x128xf32, #tpu.memory_space<hbm>>
        tpu.enqueue_indirect_dma source(%dma_start3A_313 : memref<10000x128xf32, #tpu.memory_space<hbm>>) target(%arg9 : memref<64x128xf32, #tpu.memory_space<vmem>>) offsets(%dma_start3A_310 : memref<64xi32, #tpu.memory_space<vmem>>) semaphore(%arg14 : memref<!tpu.dma_semaphore, #tpu.memory_space<semaphore_mem>>)
      } else {
      }
      %dma_start3A_245 = arith.constant 0 : i32
      %dma_start3A_246 = tpu.memref_slice %arg8[%mul3A_219, %dma_start3A_245] : memref<56x64xi32, #tpu.memory_space<vmem>> -> memref<1x64xi32, #tpu.memory_space<vmem>>
      %dma_start3A_247 = tpu.memref_squeeze %dma_start3A_246 : memref<1x64xi32, #tpu.memory_space<vmem>> -> memref<64xi32, #tpu.memory_space<vmem>>
      %dma_start3A_248 = arith.constant 0 : i32
      %dma_start3A_249 = arith.constant 0 : i32
      %dma_start3A_250 = tpu.memref_slice %arg13[%dma_start3A_248, %dma_start3A_249] : memref<10240x128xf32, #tpu.memory_space<vmem_shared>> -> memref<10240x128xf32, #tpu.memory_space<vmem_shared>>
      tpu.enqueue_indirect_dma source(%arg11 : memref<64x128xf32, #tpu.memory_space<vmem>>) target(%dma_start3A_250 : memref<10240x128xf32, #tpu.memory_space<vmem_shared>>) offsets(%dma_start3A_247 : memref<64xi32, #tpu.memory_space<vmem>>) semaphore(%arg18 : memref<!tpu.dma_semaphore, #tpu.memory_space<semaphore_mem>>) {add = true}
      %dma_wait3A_251 = arith.constant 0 : i32
      %dma_wait3A_252 = tpu.memref_slice %arg7[%add3A_221, %dma_wait3A_251] : memref<56x64xi32, #tpu.memory_space<vmem>> -> memref<1x64xi32, #tpu.memory_space<vmem>>
      %dma_wait3A_253 = tpu.memref_squeeze %dma_wait3A_252 : memref<1x64xi32, #tpu.memory_space<vmem>> -> memref<64xi32, #tpu.memory_space<vmem>>
      %dma_wait3A_254 = arith.constant 0 : i32
      %dma_wait3A_255 = arith.constant 0 : i32
      %dma_wait3A_256 = tpu.memref_slice %arg2[%dma_wait3A_254, %dma_wait3A_255] : memref<10000x128xf32, #tpu.memory_space<hbm>> -> memref<10000x128xf32, #tpu.memory_space<hbm>>
      tpu.wait_indirect_dma semaphore(%arg15 : memref<!tpu.dma_semaphore, #tpu.memory_space<semaphore_mem>>) src(%dma_wait3A_256 : memref<10000x128xf32, #tpu.memory_space<hbm>>) dst(%arg10 : memref<64x128xf32, #tpu.memory_space<vmem>>)
      %add3A_257 = arith.addi %multiple_of3A_123, %add3A_221 : i32
      %mul3A_258 = arith.constant 64 : i32
      %mul3A_259 = arith.muli %add3A_257, %mul3A_258 : i32
      %multiple_of3A_260 = tpu.assume_multiple %mul3A_259, 64 : i32
      %dma_wait3A_261 = arith.constant 0 : i32
      %dma_wait3A_262 = tpu.memref_slice %arg3[%multiple_of3A_260, %dma_wait3A_261] : memref<163840x128xf32, #tpu.memory_space<hbm>> -> memref<64x128xf32, #tpu.memory_space<hbm>>
      %dma_wait3A_263 = arith.constant 0 : i32
      %dma_wait3A_264 = tpu.memref_slice %arg3[%multiple_of3A_260, %dma_wait3A_263] : memref<163840x128xf32, #tpu.memory_space<hbm>> -> memref<64x128xf32, #tpu.memory_space<hbm>>
      tpu.wait_dma2 semaphore(%arg17 : memref<!tpu.dma_semaphore, #tpu.memory_space<semaphore_mem>>) src(%dma_wait3A_264 : memref<64x128xf32, #tpu.memory_space<hbm>>) dst(%arg12 : memref<64x128xf32, #tpu.memory_space<vmem>>)
      %scan3A_265 = arith.constant 0 : i32
      %scan3A_266 = arith.constant 64 : i32
      %scan3A_267 = arith.addi %scan3A_265, %scan3A_266 : i32
      %scan3A_268 = arith.constant 1 : i32
      scf.for %scan3A_306 = %scan3A_265 to %scan3A_267 step %scan3A_268  : i32 {
        %mul3A_307 = arith.constant 1 : i32
        %mul3A_308 = arith.muli %scan3A_306, %mul3A_307 : i32
        %add3A_309 = arith.constant 0 : i32
        %add3A_310 = arith.addi %add3A_309, %mul3A_308 : i32
        %get3A = arith.index_cast %add3A_310 : i32 to index
        %get3A_311 = arith.constant 0 : index
        %get3A_312 = tpu.vector_load %arg12[%get3A, %get3A_311] {strides = array<i32>} : memref<64x128xf32, #tpu.memory_space<vmem>>, vector<1x16xf32>,
        %get3A_313 = vector.shape_cast %get3A_312 : vector<1x16xf32> to vector<16xf32>
        %get3A_314 = arith.index_cast %add3A_310 : i32 to index
        %get3A_315 = arith.constant 0 : index
        %get3A_316 = tpu.vector_load %arg10[%get3A_314, %get3A_315] {strides = array<i32>} : memref<64x128xf32, #tpu.memory_space<vmem>>, vector<1x16xf32>,
        %get3A_317 = vector.shape_cast %get3A_316 : vector<1x16xf32> to vector<16xf32>
        %mul3A_318 = arith.mulf %get3A_313, %get3A_317 : vector<16xf32>
        %swap3A = arith.index_cast %add3A_310 : i32 to index
        %swap3A_319 = arith.constant 0 : index
        %swap3A_320 = tpu.vector_load %arg12[%swap3A, %swap3A_319] {strides = array<i32>} : memref<64x128xf32, #tpu.memory_space<vmem>>, vector<1x16xf32>,
        %swap3A_321 = vector.shape_cast %swap3A_320 : vector<1x16xf32> to vector<16xf32>
        %swap3A_322 = vector.shape_cast %mul3A_318 : vector<16xf32> to vector<1x16xf32>
        tpu.vector_store %arg12[%swap3A, %swap3A_319], %swap3A_322 {strides = array<i32>} : memref<64x128xf32, #tpu.memory_space<vmem>>, vector<1x16xf32>,
        %get3A_323 = arith.index_cast %add3A_310 : i32 to index
        %get3A_324 = arith.constant 16 : index
        %get3A_325 = tpu.vector_load %arg12[%get3A_323, %get3A_324] {strides = array<i32>} : memref<64x128xf32, #tpu.memory_space<vmem>>, vector<1x16xf32>,
        %get3A_326 = vector.shape_cast %get3A_325 : vector<1x16xf32> to vector<16xf32>
        %get3A_327 = arith.index_cast %add3A_310 : i32 to index
        %get3A_328 = arith.constant 16 : index
        %get3A_329 = tpu.vector_load %arg10[%get3A_327, %get3A_328] {strides = array<i32>} : memref<64x128xf32, #tpu.memory_space<vmem>>, vector<1x16xf32>,
        %get3A_330 = vector.shape_cast %get3A_329 : vector<1x16xf32> to vector<16xf32>
        %mul3A_331 = arith.mulf %get3A_326, %get3A_330 : vector<16xf32>
        %swap3A_332 = arith.index_cast %add3A_310 : i32 to index
        %swap3A_333 = arith.constant 16 : index
        %swap3A_334 = tpu.vector_load %arg12[%swap3A_332, %swap3A_333] {strides = array<i32>} : memref<64x128xf32, #tpu.memory_space<vmem>>, vector<1x16xf32>,
        %swap3A_335 = vector.shape_cast %swap3A_334 : vector<1x16xf32> to vector<16xf32>
        %swap3A_336 = vector.shape_cast %mul3A_331 : vector<16xf32> to vector<1x16xf32>
        tpu.vector_store %arg12[%swap3A_332, %swap3A_333], %swap3A_336 {strides = array<i32>} : memref<64x128xf32, #tpu.memory_space<vmem>>, vector<1x16xf32>,
        %get3A_337 = arith.index_cast %add3A_310 : i32 to index
        %get3A_338 = arith.constant 32 : index
        %get3A_339 = tpu.vector_load %arg12[%get3A_337, %get3A_338] {strides = array<i32>} : memref<64x128xf32, #tpu.memory_space<vmem>>, vector<1x16xf32>,
        %get3A_340 = vector.shape_cast %get3A_339 : vector<1x16xf32> to vector<16xf32>
        %get3A_341 = arith.index_cast %add3A_310 : i32 to index
        %get3A_342 = arith.constant 32 : index
        %get3A_343 = tpu.vector_load %arg10[%get3A_341, %get3A_342] {strides = array<i32>} : memref<64x128xf32, #tpu.memory_space<vmem>>, vector<1x16xf32>,
        %get3A_344 = vector.shape_cast %get3A_343 : vector<1x16xf32> to vector<16xf32>
        %mul3A_345 = arith.mulf %get3A_340, %get3A_344 : vector<16xf32>
        %swap3A_346 = arith.index_cast %add3A_310 : i32 to index
        %swap3A_347 = arith.constant 32 : index
        %swap3A_348 = tpu.vector_load %arg12[%swap3A_346, %swap3A_347] {strides = array<i32>} : memref<64x128xf32, #tpu.memory_space<vmem>>, vector<1x16xf32>,
        %swap3A_349 = vector.shape_cast %swap3A_348 : vector<1x16xf32> to vector<16xf32>
        %swap3A_350 = vector.shape_cast %mul3A_345 : vector<16xf32> to vector<1x16xf32>
        tpu.vector_store %arg12[%swap3A_346, %swap3A_347], %swap3A_350 {strides = array<i32>} : memref<64x128xf32, #tpu.memory_space<vmem>>, vector<1x16xf32>,
        %get3A_351 = arith.index_cast %add3A_310 : i32 to index
        %get3A_352 = arith.constant 48 : index
        %get3A_353 = tpu.vector_load %arg12[%get3A_351, %get3A_352] {strides = array<i32>} : memref<64x128xf32, #tpu.memory_space<vmem>>, vector<1x16xf32>,
        %get3A_354 = vector.shape_cast %get3A_353 : vector<1x16xf32> to vector<16xf32>
        %get3A_355 = arith.index_cast %add3A_310 : i32 to index
        %get3A_356 = arith.constant 48 : index
        %get3A_357 = tpu.vector_load %arg10[%get3A_355, %get3A_356] {strides = array<i32>} : memref<64x128xf32, #tpu.memory_space<vmem>>, vector<1x16xf32>,
        %get3A_358 = vector.shape_cast %get3A_357 : vector<1x16xf32> to vector<16xf32>
        %mul3A_359 = arith.mulf %get3A_354, %get3A_358 : vector<16xf32>
        %swap3A_360 = arith.index_cast %add3A_310 : i32 to index
        %swap3A_361 = arith.constant 48 : index
        %swap3A_362 = tpu.vector_load %arg12[%swap3A_360, %swap3A_361] {strides = array<i32>} : memref<64x128xf32, #tpu.memory_space<vmem>>, vector<1x16xf32>,
        %swap3A_363 = vector.shape_cast %swap3A_362 : vector<1x16xf32> to vector<16xf32>
        %swap3A_364 = vector.shape_cast %mul3A_359 : vector<16xf32> to vector<1x16xf32>
        tpu.vector_store %arg12[%swap3A_360, %swap3A_361], %swap3A_364 {strides = array<i32>} : memref<64x128xf32, #tpu.memory_space<vmem>>, vector<1x16xf32>,
        %get3A_365 = arith.index_cast %add3A_310 : i32 to index
        %get3A_366 = arith.constant 64 : index
        %get3A_367 = tpu.vector_load %arg12[%get3A_365, %get3A_366] {strides = array<i32>} : memref<64x128xf32, #tpu.memory_space<vmem>>, vector<1x16xf32>,
        %get3A_368 = vector.shape_cast %get3A_367 : vector<1x16xf32> to vector<16xf32>
        %get3A_369 = arith.index_cast %add3A_310 : i32 to index
        %get3A_370 = arith.constant 64 : index
        %get3A_371 = tpu.vector_load %arg10[%get3A_369, %get3A_370] {strides = array<i32>} : memref<64x128xf32, #tpu.memory_space<vmem>>, vector<1x16xf32>,
        %get3A_372 = vector.shape_cast %get3A_371 : vector<1x16xf32> to vector<16xf32>
        %mul3A_373 = arith.mulf %get3A_368, %get3A_372 : vector<16xf32>
        %swap3A_374 = arith.index_cast %add3A_310 : i32 to index
        %swap3A_375 = arith.constant 64 : index
        %swap3A_376 = tpu.vector_load %arg12[%swap3A_374, %swap3A_375] {strides = array<i32>} : memref<64x128xf32, #tpu.memory_space<vmem>>, vector<1x16xf32>,
        %swap3A_377 = vector.shape_cast %swap3A_376 : vector<1x16xf32> to vector<16xf32>
        %swap3A_378 = vector.shape_cast %mul3A_373 : vector<16xf32> to vector<1x16xf32>
        tpu.vector_store %arg12[%swap3A_374, %swap3A_375], %swap3A_378 {strides = array<i32>} : memref<64x128xf32, #tpu.memory_space<vmem>>, vector<1x16xf32>,
        %get3A_379 = arith.index_cast %add3A_310 : i32 to index
        %get3A_380 = arith.constant 80 : index
        %get3A_381 = tpu.vector_load %arg12[%get3A_379, %get3A_380] {strides = array<i32>} : memref<64x128xf32, #tpu.memory_space<vmem>>, vector<1x16xf32>,
        %get3A_382 = vector.shape_cast %get3A_381 : vector<1x16xf32> to vector<16xf32>
        %get3A_383 = arith.index_cast %add3A_310 : i32 to index
        %get3A_384 = arith.constant 80 : index
        %get3A_385 = tpu.vector_load %arg10[%get3A_383, %get3A_384] {strides = array<i32>} : memref<64x128xf32, #tpu.memory_space<vmem>>, vector<1x16xf32>,
        %get3A_386 = vector.shape_cast %get3A_385 : vector<1x16xf32> to vector<16xf32>
        %mul3A_387 = arith.mulf %get3A_382, %get3A_386 : vector<16xf32>
        %swap3A_388 = arith.index_cast %add3A_310 : i32 to index
        %swap3A_389 = arith.constant 80 : index
        %swap3A_390 = tpu.vector_load %arg12[%swap3A_388, %swap3A_389] {strides = array<i32>} : memref<64x128xf32, #tpu.memory_space<vmem>>, vector<1x16xf32>,
        %swap3A_391 = vector.shape_cast %swap3A_390 : vector<1x16xf32> to vector<16xf32>
        %swap3A_392 = vector.shape_cast %mul3A_387 : vector<16xf32> to vector<1x16xf32>
        tpu.vector_store %arg12[%swap3A_388, %swap3A_389], %swap3A_392 {strides = array<i32>} : memref<64x128xf32, #tpu.memory_space<vmem>>, vector<1x16xf32>,
        %get3A_393 = arith.index_cast %add3A_310 : i32 to index
        %get3A_394 = arith.constant 96 : index
        %get3A_395 = tpu.vector_load %arg12[%get3A_393, %get3A_394] {strides = array<i32>} : memref<64x128xf32, #tpu.memory_space<vmem>>, vector<1x16xf32>,
        %get3A_396 = vector.shape_cast %get3A_395 : vector<1x16xf32> to vector<16xf32>
        %get3A_397 = arith.index_cast %add3A_310 : i32 to index
        %get3A_398 = arith.constant 96 : index
        %get3A_399 = tpu.vector_load %arg10[%get3A_397, %get3A_398] {strides = array<i32>} : memref<64x128xf32, #tpu.memory_space<vmem>>, vector<1x16xf32>,
        %get3A_400 = vector.shape_cast %get3A_399 : vector<1x16xf32> to vector<16xf32>
        %mul3A_401 = arith.mulf %get3A_396, %get3A_400 : vector<16xf32>
        %swap3A_402 = arith.index_cast %add3A_310 : i32 to index
        %swap3A_403 = arith.constant 96 : index
        %swap3A_404 = tpu.vector_load %arg12[%swap3A_402, %swap3A_403] {strides = array<i32>} : memref<64x128xf32, #tpu.memory_space<vmem>>, vector<1x16xf32>,
        %swap3A_405 = vector.shape_cast %swap3A_404 : vector<1x16xf32> to vector<16xf32>
        %swap3A_406 = vector.shape_cast %mul3A_401 : vector<16xf32> to vector<1x16xf32>
        tpu.vector_store %arg12[%swap3A_402, %swap3A_403], %swap3A_406 {strides = array<i32>} : memref<64x128xf32, #tpu.memory_space<vmem>>, vector<1x16xf32>,
        %get3A_407 = arith.index_cast %add3A_310 : i32 to index
        %get3A_408 = arith.constant 112 : index
        %get3A_409 = tpu.vector_load %arg12[%get3A_407, %get3A_408] {strides = array<i32>} : memref<64x128xf32, #tpu.memory_space<vmem>>, vector<1x16xf32>,
        %get3A_410 = vector.shape_cast %get3A_409 : vector<1x16xf32> to vector<16xf32>
        %get3A_411 = arith.index_cast %add3A_310 : i32 to index
        %get3A_412 = arith.constant 112 : index
        %get3A_413 = tpu.vector_load %arg10[%get3A_411, %get3A_412] {strides = array<i32>} : memref<64x128xf32, #tpu.memory_space<vmem>>, vector<1x16xf32>,
        %get3A_414 = vector.shape_cast %get3A_413 : vector<1x16xf32> to vector<16xf32>
        %mul3A_415 = arith.mulf %get3A_410, %get3A_414 : vector<16xf32>
        %swap3A_416 = arith.index_cast %add3A_310 : i32 to index
        %swap3A_417 = arith.constant 112 : index
        %swap3A_418 = tpu.vector_load %arg12[%swap3A_416, %swap3A_417] {strides = array<i32>} : memref<64x128xf32, #tpu.memory_space<vmem>>, vector<1x16xf32>,
        %swap3A_419 = vector.shape_cast %swap3A_418 : vector<1x16xf32> to vector<16xf32>
        %swap3A_420 = vector.shape_cast %mul3A_415 : vector<16xf32> to vector<1x16xf32>
        tpu.vector_store %arg12[%swap3A_416, %swap3A_417], %swap3A_420 {strides = array<i32>} : memref<64x128xf32, #tpu.memory_space<vmem>>, vector<1x16xf32>,
      }
      %scan3A_269 = arith.constant 64 : i32
      %add3A_270 = arith.constant 2 : i32
      %add3A_271 = arith.addi %add3A_221, %add3A_270 : i32
      %lt3A_272 = arith.cmpi slt, %add3A_271, %select_n3A_35 : i32
      %convert_element_type3A_273 = arith.extui %lt3A_272 : i1 to i32
      %cond3A_274 = arith.constant 0 : i32
      %cond3A_275 = arith.cmpi ne, %convert_element_type3A_273, %cond3A_274 : i32
      scf.if %cond3A_275 {
        %add3A_306 = arith.constant 2 : i32
        %add3A_307 = arith.addi %add3A_221, %add3A_306 : i32
        %dma_start3A_308 = arith.constant 0 : i32
        %dma_start3A_309 = tpu.memref_slice %arg7[%add3A_307, %dma_start3A_308] : memref<56x64xi32, #tpu.memory_space<vmem>> -> memref<1x64xi32, #tpu.memory_space<vmem>>
        %dma_start3A_310 = tpu.memref_squeeze %dma_start3A_309 : memref<1x64xi32, #tpu.memory_space<vmem>> -> memref<64xi32, #tpu.memory_space<vmem>>
        %dma_start3A_311 = arith.constant 0 : i32
        %dma_start3A_312 = arith.constant 0 : i32
        %dma_start3A_313 = tpu.memref_slice %arg2[%dma_start3A_311, %dma_start3A_312] : memref<10000x128xf32, #tpu.memory_space<hbm>> -> memref<10000x128xf32, #tpu.memory_space<hbm>>
        tpu.enqueue_indirect_dma source(%dma_start3A_313 : memref<10000x128xf32, #tpu.memory_space<hbm>>) target(%arg10 : memref<64x128xf32, #tpu.memory_space<vmem>>) offsets(%dma_start3A_310 : memref<64xi32, #tpu.memory_space<vmem>>) semaphore(%arg15 : memref<!tpu.dma_semaphore, #tpu.memory_space<semaphore_mem>>)
      } else {
      }
      %dma_start3A_276 = arith.constant 0 : i32
      %dma_start3A_277 = tpu.memref_slice %arg8[%add3A_221, %dma_start3A_276] : memref<56x64xi32, #tpu.memory_space<vmem>> -> memref<1x64xi32, #tpu.memory_space<vmem>>
      %dma_start3A_278 = tpu.memref_squeeze %dma_start3A_277 : memref<1x64xi32, #tpu.memory_space<vmem>> -> memref<64xi32, #tpu.memory_space<vmem>>
      %dma_start3A_279 = arith.constant 0 : i32
      %dma_start3A_280 = arith.constant 0 : i32
      %dma_start3A_281 = tpu.memref_slice %arg13[%dma_start3A_279, %dma_start3A_280] : memref<10240x128xf32, #tpu.memory_space<vmem_shared>> -> memref<10240x128xf32, #tpu.memory_space<vmem_shared>>
      tpu.enqueue_indirect_dma source(%arg12 : memref<64x128xf32, #tpu.memory_space<vmem>>) target(%dma_start3A_281 : memref<10240x128xf32, #tpu.memory_space<vmem_shared>>) offsets(%dma_start3A_278 : memref<64xi32, #tpu.memory_space<vmem>>) semaphore(%arg19 : memref<!tpu.dma_semaphore, #tpu.memory_space<semaphore_mem>>) {add = true}
      %dma_wait3A_282 = arith.constant 0 : i32
      %dma_wait3A_283 = tpu.memref_slice %arg8[%mul3A_219, %dma_wait3A_282] : memref<56x64xi32, #tpu.memory_space<vmem>> -> memref<1x64xi32, #tpu.memory_space<vmem>>
      %dma_wait3A_284 = tpu.memref_squeeze %dma_wait3A_283 : memref<1x64xi32, #tpu.memory_space<vmem>> -> memref<64xi32, #tpu.memory_space<vmem>>
      %dma_wait3A_285 = arith.constant 0 : i32
      %dma_wait3A_286 = arith.constant 0 : i32
      %dma_wait3A_287 = tpu.memref_slice %arg13[%dma_wait3A_285, %dma_wait3A_286] : memref<10240x128xf32, #tpu.memory_space<vmem_shared>> -> memref<10240x128xf32, #tpu.memory_space<vmem_shared>>
      tpu.wait_indirect_dma semaphore(%arg18 : memref<!tpu.dma_semaphore, #tpu.memory_space<semaphore_mem>>) src(%arg11 : memref<64x128xf32, #tpu.memory_space<vmem>>) dst(%dma_wait3A_287 : memref<10240x128xf32, #tpu.memory_space<vmem_shared>>)
      %add3A_288 = arith.constant 2 : i32
      %add3A_289 = arith.addi %mul3A_219, %add3A_288 : i32
      %lt3A_290 = arith.cmpi slt, %add3A_289, %select_n3A_35 : i32
      %convert_element_type3A_291 = arith.extui %lt3A_290 : i1 to i32
      %cond3A_292 = arith.constant 0 : i32
      %cond3A_293 = arith.cmpi ne, %convert_element_type3A_291, %cond3A_292 : i32
      scf.if %cond3A_293 {
        %add3A_306 = arith.constant 2 : i32
        %add3A_307 = arith.addi %mul3A_219, %add3A_306 : i32
        %add3A_308 = arith.addi %multiple_of3A_123, %add3A_307 : i32
        %mul3A_309 = arith.constant 64 : i32
        %mul3A_310 = arith.muli %add3A_308, %mul3A_309 : i32
        %multiple_of3A_311 = tpu.assume_multiple %mul3A_310, 64 : i32
        %dma_start3A_312 = arith.constant 0 : i32
        %dma_start3A_313 = tpu.memref_slice %arg3[%multiple_of3A_311, %dma_start3A_312] : memref<163840x128xf32, #tpu.memory_space<hbm>> -> memref<64x128xf32, #tpu.memory_space<hbm>>
        %dma_start3A_314 = arith.constant 0 : i32
        %dma_start3A_315 = tpu.memref_slice %arg3[%multiple_of3A_311, %dma_start3A_314] : memref<163840x128xf32, #tpu.memory_space<hbm>> -> memref<64x128xf32, #tpu.memory_space<hbm>>
        tpu.enqueue_dma source(%dma_start3A_315 : memref<64x128xf32, #tpu.memory_space<hbm>>) target(%arg11 : memref<64x128xf32, #tpu.memory_space<vmem>>) target_semaphore(%arg16 : memref<!tpu.dma_semaphore, #tpu.memory_space<semaphore_mem>>)
      } else {
      }
      %dma_wait3A_294 = arith.constant 0 : i32
      %dma_wait3A_295 = tpu.memref_slice %arg8[%add3A_221, %dma_wait3A_294] : memref<56x64xi32, #tpu.memory_space<vmem>> -> memref<1x64xi32, #tpu.memory_space<vmem>>
      %dma_wait3A_296 = tpu.memref_squeeze %dma_wait3A_295 : memref<1x64xi32, #tpu.memory_space<vmem>> -> memref<64xi32, #tpu.memory_space<vmem>>
      %dma_wait3A_297 = arith.constant 0 : i32
      %dma_wait3A_298 = arith.constant 0 : i32
      %dma_wait3A_299 = tpu.memref_slice %arg13[%dma_wait3A_297, %dma_wait3A_298] : memref<10240x128xf32, #tpu.memory_space<vmem_shared>> -> memref<10240x128xf32, #tpu.memory_space<vmem_shared>>
      tpu.wait_indirect_dma semaphore(%arg19 : memref<!tpu.dma_semaphore, #tpu.memory_space<semaphore_mem>>) src(%arg12 : memref<64x128xf32, #tpu.memory_space<vmem>>) dst(%dma_wait3A_299 : memref<10240x128xf32, #tpu.memory_space<vmem_shared>>)
      %add3A_300 = arith.constant 2 : i32
      %add3A_301 = arith.addi %add3A_221, %add3A_300 : i32
      %lt3A_302 = arith.cmpi slt, %add3A_301, %select_n3A_35 : i32
      %convert_element_type3A_303 = arith.extui %lt3A_302 : i1 to i32
      %cond3A_304 = arith.constant 0 : i32
      %cond3A_305 = arith.cmpi ne, %convert_element_type3A_303, %cond3A_304 : i32
      scf.if %cond3A_305 {
        %add3A_306 = arith.constant 2 : i32
        %add3A_307 = arith.addi %add3A_221, %add3A_306 : i32
        %add3A_308 = arith.addi %multiple_of3A_123, %add3A_307 : i32
        %mul3A_309 = arith.constant 64 : i32
        %mul3A_310 = arith.muli %add3A_308, %mul3A_309 : i32
        %multiple_of3A_311 = tpu.assume_multiple %mul3A_310, 64 : i32
        %dma_start3A_312 = arith.constant 0 : i32
        %dma_start3A_313 = tpu.memref_slice %arg3[%multiple_of3A_311, %dma_start3A_312] : memref<163840x128xf32, #tpu.memory_space<hbm>> -> memref<64x128xf32, #tpu.memory_space<hbm>>
        %dma_start3A_314 = arith.constant 0 : i32
        %dma_start3A_315 = tpu.memref_slice %arg3[%multiple_of3A_311, %dma_start3A_314] : memref<163840x128xf32, #tpu.memory_space<hbm>> -> memref<64x128xf32, #tpu.memory_space<hbm>>
        tpu.enqueue_dma source(%dma_start3A_315 : memref<64x128xf32, #tpu.memory_space<hbm>>) target(%arg12 : memref<64x128xf32, #tpu.memory_space<vmem>>) target_semaphore(%arg17 : memref<!tpu.dma_semaphore, #tpu.memory_space<semaphore_mem>>)
      } else {
      }
    }
    %while3A_208 = arith.constant 1 : i32
    scf.for %while3A_215 = %while3A_206 to %while3A_202 step %while3A_208  : i32 {
      %mul3A_216 = arith.muli %while3A_215, %while3A_198 : i32
      %add3A_217 = arith.addi %while3A_199, %mul3A_216 : i32
      %mul3A_218 = arith.constant 2 : i32
      %mul3A_219 = arith.muli %mul3A_218, %add3A_217 : i32
      %add3A_220 = arith.constant 1 : i32
      %add3A_221 = arith.addi %mul3A_219, %add3A_220 : i32
      %dma_wait3A = arith.constant 0 : i32
      %dma_wait3A_222 = tpu.memref_slice %arg7[%mul3A_219, %dma_wait3A] : memref<56x64xi32, #tpu.memory_space<vmem>> -> memref<1x64xi32, #tpu.memory_space<vmem>>
      %dma_wait3A_223 = tpu.memref_squeeze %dma_wait3A_222 : memref<1x64xi32, #tpu.memory_space<vmem>> -> memref<64xi32, #tpu.memory_space<vmem>>
      %dma_wait3A_224 = arith.constant 0 : i32
      %dma_wait3A_225 = arith.constant 0 : i32
      %dma_wait3A_226 = tpu.memref_slice %arg2[%dma_wait3A_224, %dma_wait3A_225] : memref<10000x128xf32, #tpu.memory_space<hbm>> -> memref<10000x128xf32, #tpu.memory_space<hbm>>
      tpu.wait_indirect_dma semaphore(%arg14 : memref<!tpu.dma_semaphore, #tpu.memory_space<semaphore_mem>>) src(%dma_wait3A_226 : memref<10000x128xf32, #tpu.memory_space<hbm>>) dst(%arg9 : memref<64x128xf32, #tpu.memory_space<vmem>>)
      %add3A_227 = arith.addi %multiple_of3A_123, %mul3A_219 : i32
      %mul3A_228 = arith.constant 64 : i32
      %mul3A_229 = arith.muli %add3A_227, %mul3A_228 : i32
      %multiple_of3A_230 = tpu.assume_multiple %mul3A_229, 64 : i32
      %dma_wait3A_231 = arith.constant 0 : i32
      %dma_wait3A_232 = tpu.memref_slice %arg3[%multiple_of3A_230, %dma_wait3A_231] : memref<163840x128xf32, #tpu.memory_space<hbm>> -> memref<64x128xf32, #tpu.memory_space<hbm>>
      %dma_wait3A_233 = arith.constant 0 : i32
      %dma_wait3A_234 = tpu.memref_slice %arg3[%multiple_of3A_230, %dma_wait3A_233] : memref<163840x128xf32, #tpu.memory_space<hbm>> -> memref<64x128xf32, #tpu.memory_space<hbm>>
      tpu.wait_dma2 semaphore(%arg16 : memref<!tpu.dma_semaphore, #tpu.memory_space<semaphore_mem>>) src(%dma_wait3A_234 : memref<64x128xf32, #tpu.memory_space<hbm>>) dst(%arg11 : memref<64x128xf32, #tpu.memory_space<vmem>>)
      %scan3A_235 = arith.constant 0 : i32
      %scan3A_236 = arith.constant 64 : i32
      %scan3A_237 = arith.addi %scan3A_235, %scan3A_236 : i32
      %scan3A_238 = arith.constant 1 : i32
      scf.for %scan3A_306 = %scan3A_235 to %scan3A_237 step %scan3A_238  : i32 {
        %mul3A_307 = arith.constant 1 : i32
        %mul3A_308 = arith.muli %scan3A_306, %mul3A_307 : i32
        %add3A_309 = arith.constant 0 : i32
        %add3A_310 = arith.addi %add3A_309, %mul3A_308 : i32
        %get3A = arith.index_cast %add3A_310 : i32 to index
        %get3A_311 = arith.constant 0 : index
        %get3A_312 = tpu.vector_load %arg11[%get3A, %get3A_311] {strides = array<i32>} : memref<64x128xf32, #tpu.memory_space<vmem>>, vector<1x16xf32>,
        %get3A_313 = vector.shape_cast %get3A_312 : vector<1x16xf32> to vector<16xf32>
        %get3A_314 = arith.index_cast %add3A_310 : i32 to index
        %get3A_315 = arith.constant 0 : index
        %get3A_316 = tpu.vector_load %arg9[%get3A_314, %get3A_315] {strides = array<i32>} : memref<64x128xf32, #tpu.memory_space<vmem>>, vector<1x16xf32>,
        %get3A_317 = vector.shape_cast %get3A_316 : vector<1x16xf32> to vector<16xf32>
        %mul3A_318 = arith.mulf %get3A_313, %get3A_317 : vector<16xf32>
        %swap3A = arith.index_cast %add3A_310 : i32 to index
        %swap3A_319 = arith.constant 0 : index
        %swap3A_320 = tpu.vector_load %arg11[%swap3A, %swap3A_319] {strides = array<i32>} : memref<64x128xf32, #tpu.memory_space<vmem>>, vector<1x16xf32>,
        %swap3A_321 = vector.shape_cast %swap3A_320 : vector<1x16xf32> to vector<16xf32>
        %swap3A_322 = vector.shape_cast %mul3A_318 : vector<16xf32> to vector<1x16xf32>
        tpu.vector_store %arg11[%swap3A, %swap3A_319], %swap3A_322 {strides = array<i32>} : memref<64x128xf32, #tpu.memory_space<vmem>>, vector<1x16xf32>,
        %get3A_323 = arith.index_cast %add3A_310 : i32 to index
        %get3A_324 = arith.constant 16 : index
        %get3A_325 = tpu.vector_load %arg11[%get3A_323, %get3A_324] {strides = array<i32>} : memref<64x128xf32, #tpu.memory_space<vmem>>, vector<1x16xf32>,
        %get3A_326 = vector.shape_cast %get3A_325 : vector<1x16xf32> to vector<16xf32>
        %get3A_327 = arith.index_cast %add3A_310 : i32 to index
        %get3A_328 = arith.constant 16 : index
        %get3A_329 = tpu.vector_load %arg9[%get3A_327, %get3A_328] {strides = array<i32>} : memref<64x128xf32, #tpu.memory_space<vmem>>, vector<1x16xf32>,
        %get3A_330 = vector.shape_cast %get3A_329 : vector<1x16xf32> to vector<16xf32>
        %mul3A_331 = arith.mulf %get3A_326, %get3A_330 : vector<16xf32>
        %swap3A_332 = arith.index_cast %add3A_310 : i32 to index
        %swap3A_333 = arith.constant 16 : index
        %swap3A_334 = tpu.vector_load %arg11[%swap3A_332, %swap3A_333] {strides = array<i32>} : memref<64x128xf32, #tpu.memory_space<vmem>>, vector<1x16xf32>,
        %swap3A_335 = vector.shape_cast %swap3A_334 : vector<1x16xf32> to vector<16xf32>
        %swap3A_336 = vector.shape_cast %mul3A_331 : vector<16xf32> to vector<1x16xf32>
        tpu.vector_store %arg11[%swap3A_332, %swap3A_333], %swap3A_336 {strides = array<i32>} : memref<64x128xf32, #tpu.memory_space<vmem>>, vector<1x16xf32>,
        %get3A_337 = arith.index_cast %add3A_310 : i32 to index
        %get3A_338 = arith.constant 32 : index
        %get3A_339 = tpu.vector_load %arg11[%get3A_337, %get3A_338] {strides = array<i32>} : memref<64x128xf32, #tpu.memory_space<vmem>>, vector<1x16xf32>,
        %get3A_340 = vector.shape_cast %get3A_339 : vector<1x16xf32> to vector<16xf32>
        %get3A_341 = arith.index_cast %add3A_310 : i32 to index
        %get3A_342 = arith.constant 32 : index
        %get3A_343 = tpu.vector_load %arg9[%get3A_341, %get3A_342] {strides = array<i32>} : memref<64x128xf32, #tpu.memory_space<vmem>>, vector<1x16xf32>,
        %get3A_344 = vector.shape_cast %get3A_343 : vector<1x16xf32> to vector<16xf32>
        %mul3A_345 = arith.mulf %get3A_340, %get3A_344 : vector<16xf32>
        %swap3A_346 = arith.index_cast %add3A_310 : i32 to index
        %swap3A_347 = arith.constant 32 : index
        %swap3A_348 = tpu.vector_load %arg11[%swap3A_346, %swap3A_347] {strides = array<i32>} : memref<64x128xf32, #tpu.memory_space<vmem>>, vector<1x16xf32>,
        %swap3A_349 = vector.shape_cast %swap3A_348 : vector<1x16xf32> to vector<16xf32>
        %swap3A_350 = vector.shape_cast %mul3A_345 : vector<16xf32> to vector<1x16xf32>
        tpu.vector_store %arg11[%swap3A_346, %swap3A_347], %swap3A_350 {strides = array<i32>} : memref<64x128xf32, #tpu.memory_space<vmem>>, vector<1x16xf32>,
        %get3A_351 = arith.index_cast %add3A_310 : i32 to index
        %get3A_352 = arith.constant 48 : index
        %get3A_353 = tpu.vector_load %arg11[%get3A_351, %get3A_352] {strides = array<i32>} : memref<64x128xf32, #tpu.memory_space<vmem>>, vector<1x16xf32>,
        %get3A_354 = vector.shape_cast %get3A_353 : vector<1x16xf32> to vector<16xf32>
        %get3A_355 = arith.index_cast %add3A_310 : i32 to index
        %get3A_356 = arith.constant 48 : index
        %get3A_357 = tpu.vector_load %arg9[%get3A_355, %get3A_356] {strides = array<i32>} : memref<64x128xf32, #tpu.memory_space<vmem>>, vector<1x16xf32>,
        %get3A_358 = vector.shape_cast %get3A_357 : vector<1x16xf32> to vector<16xf32>
        %mul3A_359 = arith.mulf %get3A_354, %get3A_358 : vector<16xf32>
        %swap3A_360 = arith.index_cast %add3A_310 : i32 to index
        %swap3A_361 = arith.constant 48 : index
        %swap3A_362 = tpu.vector_load %arg11[%swap3A_360, %swap3A_361] {strides = array<i32>} : memref<64x128xf32, #tpu.memory_space<vmem>>, vector<1x16xf32>,
        %swap3A_363 = vector.shape_cast %swap3A_362 : vector<1x16xf32> to vector<16xf32>
        %swap3A_364 = vector.shape_cast %mul3A_359 : vector<16xf32> to vector<1x16xf32>
        tpu.vector_store %arg11[%swap3A_360, %swap3A_361], %swap3A_364 {strides = array<i32>} : memref<64x128xf32, #tpu.memory_space<vmem>>, vector<1x16xf32>,
        %get3A_365 = arith.index_cast %add3A_310 : i32 to index
        %get3A_366 = arith.constant 64 : index
        %get3A_367 = tpu.vector_load %arg11[%get3A_365, %get3A_366] {strides = array<i32>} : memref<64x128xf32, #tpu.memory_space<vmem>>, vector<1x16xf32>,
        %get3A_368 = vector.shape_cast %get3A_367 : vector<1x16xf32> to vector<16xf32>
        %get3A_369 = arith.index_cast %add3A_310 : i32 to index
        %get3A_370 = arith.constant 64 : index
        %get3A_371 = tpu.vector_load %arg9[%get3A_369, %get3A_370] {strides = array<i32>} : memref<64x128xf32, #tpu.memory_space<vmem>>, vector<1x16xf32>,
        %get3A_372 = vector.shape_cast %get3A_371 : vector<1x16xf32> to vector<16xf32>
        %mul3A_373 = arith.mulf %get3A_368, %get3A_372 : vector<16xf32>
        %swap3A_374 = arith.index_cast %add3A_310 : i32 to index
        %swap3A_375 = arith.constant 64 : index
        %swap3A_376 = tpu.vector_load %arg11[%swap3A_374, %swap3A_375] {strides = array<i32>} : memref<64x128xf32, #tpu.memory_space<vmem>>, vector<1x16xf32>,
        %swap3A_377 = vector.shape_cast %swap3A_376 : vector<1x16xf32> to vector<16xf32>
        %swap3A_378 = vector.shape_cast %mul3A_373 : vector<16xf32> to vector<1x16xf32>
        tpu.vector_store %arg11[%swap3A_374, %swap3A_375], %swap3A_378 {strides = array<i32>} : memref<64x128xf32, #tpu.memory_space<vmem>>, vector<1x16xf32>,
        %get3A_379 = arith.index_cast %add3A_310 : i32 to index
        %get3A_380 = arith.constant 80 : index
        %get3A_381 = tpu.vector_load %arg11[%get3A_379, %get3A_380] {strides = array<i32>} : memref<64x128xf32, #tpu.memory_space<vmem>>, vector<1x16xf32>,
        %get3A_382 = vector.shape_cast %get3A_381 : vector<1x16xf32> to vector<16xf32>
        %get3A_383 = arith.index_cast %add3A_310 : i32 to index
        %get3A_384 = arith.constant 80 : index
        %get3A_385 = tpu.vector_load %arg9[%get3A_383, %get3A_384] {strides = array<i32>} : memref<64x128xf32, #tpu.memory_space<vmem>>, vector<1x16xf32>,
        %get3A_386 = vector.shape_cast %get3A_385 : vector<1x16xf32> to vector<16xf32>
        %mul3A_387 = arith.mulf %get3A_382, %get3A_386 : vector<16xf32>
        %swap3A_388 = arith.index_cast %add3A_310 : i32 to index
        %swap3A_389 = arith.constant 80 : index
        %swap3A_390 = tpu.vector_load %arg11[%swap3A_388, %swap3A_389] {strides = array<i32>} : memref<64x128xf32, #tpu.memory_space<vmem>>, vector<1x16xf32>,
        %swap3A_391 = vector.shape_cast %swap3A_390 : vector<1x16xf32> to vector<16xf32>
        %swap3A_392 = vector.shape_cast %mul3A_387 : vector<16xf32> to vector<1x16xf32>
        tpu.vector_store %arg11[%swap3A_388, %swap3A_389], %swap3A_392 {strides = array<i32>} : memref<64x128xf32, #tpu.memory_space<vmem>>, vector<1x16xf32>,
        %get3A_393 = arith.index_cast %add3A_310 : i32 to index
        %get3A_394 = arith.constant 96 : index
        %get3A_395 = tpu.vector_load %arg11[%get3A_393, %get3A_394] {strides = array<i32>} : memref<64x128xf32, #tpu.memory_space<vmem>>, vector<1x16xf32>,
        %get3A_396 = vector.shape_cast %get3A_395 : vector<1x16xf32> to vector<16xf32>
        %get3A_397 = arith.index_cast %add3A_310 : i32 to index
        %get3A_398 = arith.constant 96 : index
        %get3A_399 = tpu.vector_load %arg9[%get3A_397, %get3A_398] {strides = array<i32>} : memref<64x128xf32, #tpu.memory_space<vmem>>, vector<1x16xf32>,
        %get3A_400 = vector.shape_cast %get3A_399 : vector<1x16xf32> to vector<16xf32>
        %mul3A_401 = arith.mulf %get3A_396, %get3A_400 : vector<16xf32>
        %swap3A_402 = arith.index_cast %add3A_310 : i32 to index
        %swap3A_403 = arith.constant 96 : index
        %swap3A_404 = tpu.vector_load %arg11[%swap3A_402, %swap3A_403] {strides = array<i32>} : memref<64x128xf32, #tpu.memory_space<vmem>>, vector<1x16xf32>,
        %swap3A_405 = vector.shape_cast %swap3A_404 : vector<1x16xf32> to vector<16xf32>
        %swap3A_406 = vector.shape_cast %mul3A_401 : vector<16xf32> to vector<1x16xf32>
        tpu.vector_store %arg11[%swap3A_402, %swap3A_403], %swap3A_406 {strides = array<i32>} : memref<64x128xf32, #tpu.memory_space<vmem>>, vector<1x16xf32>,
        %get3A_407 = arith.index_cast %add3A_310 : i32 to index
        %get3A_408 = arith.constant 112 : index
        %get3A_409 = tpu.vector_load %arg11[%get3A_407, %get3A_408] {strides = array<i32>} : memref<64x128xf32, #tpu.memory_space<vmem>>, vector<1x16xf32>,
        %get3A_410 = vector.shape_cast %get3A_409 : vector<1x16xf32> to vector<16xf32>
        %get3A_411 = arith.index_cast %add3A_310 : i32 to index
        %get3A_412 = arith.constant 112 : index
        %get3A_413 = tpu.vector_load %arg9[%get3A_411, %get3A_412] {strides = array<i32>} : memref<64x128xf32, #tpu.memory_space<vmem>>, vector<1x16xf32>,
        %get3A_414 = vector.shape_cast %get3A_413 : vector<1x16xf32> to vector<16xf32>
        %mul3A_415 = arith.mulf %get3A_410, %get3A_414 : vector<16xf32>
        %swap3A_416 = arith.index_cast %add3A_310 : i32 to index
        %swap3A_417 = arith.constant 112 : index
        %swap3A_418 = tpu.vector_load %arg11[%swap3A_416, %swap3A_417] {strides = array<i32>} : memref<64x128xf32, #tpu.memory_space<vmem>>, vector<1x16xf32>,
        %swap3A_419 = vector.shape_cast %swap3A_418 : vector<1x16xf32> to vector<16xf32>
        %swap3A_420 = vector.shape_cast %mul3A_415 : vector<16xf32> to vector<1x16xf32>
        tpu.vector_store %arg11[%swap3A_416, %swap3A_417], %swap3A_420 {strides = array<i32>} : memref<64x128xf32, #tpu.memory_space<vmem>>, vector<1x16xf32>,
      }
      %scan3A_239 = arith.constant 64 : i32
      %add3A_240 = arith.constant 2 : i32
      %add3A_241 = arith.addi %mul3A_219, %add3A_240 : i32
      %lt3A = arith.cmpi slt, %add3A_241, %select_n3A_35 : i32
      %convert_element_type3A_242 = arith.extui %lt3A : i1 to i32
      %cond3A_243 = arith.constant 0 : i32
      %cond3A_244 = arith.cmpi ne, %convert_element_type3A_242, %cond3A_243 : i32
      scf.if %cond3A_244 {
        %add3A_306 = arith.constant 2 : i32
        %add3A_307 = arith.addi %mul3A_219, %add3A_306 : i32
        %dma_start3A_308 = arith.constant 0 : i32
        %dma_start3A_309 = tpu.memref_slice %arg7[%add3A_307, %dma_start3A_308] : memref<56x64xi32, #tpu.memory_space<vmem>> -> memref<1x64xi32, #tpu.memory_space<vmem>>
        %dma_start3A_310 = tpu.memref_squeeze %dma_start3A_309 : memref<1x64xi32, #tpu.memory_space<vmem>> -> memref<64xi32, #tpu.memory_space<vmem>>
        %dma_start3A_311 = arith.constant 0 : i32
        %dma_start3A_312 = arith.constant 0 : i32
        %dma_start3A_313 = tpu.memref_slice %arg2[%dma_start3A_311, %dma_start3A_312] : memref<10000x128xf32, #tpu.memory_space<hbm>> -> memref<10000x128xf32, #tpu.memory_space<hbm>>
        tpu.enqueue_indirect_dma source(%dma_start3A_313 : memref<10000x128xf32, #tpu.memory_space<hbm>>) target(%arg9 : memref<64x128xf32, #tpu.memory_space<vmem>>) offsets(%dma_start3A_310 : memref<64xi32, #tpu.memory_space<vmem>>) semaphore(%arg14 : memref<!tpu.dma_semaphore, #tpu.memory_space<semaphore_mem>>)
      } else {
      }
      %dma_start3A_245 = arith.constant 0 : i32
      %dma_start3A_246 = tpu.memref_slice %arg8[%mul3A_219, %dma_start3A_245] : memref<56x64xi32, #tpu.memory_space<vmem>> -> memref<1x64xi32, #tpu.memory_space<vmem>>
      %dma_start3A_247 = tpu.memref_squeeze %dma_start3A_246 : memref<1x64xi32, #tpu.memory_space<vmem>> -> memref<64xi32, #tpu.memory_space<vmem>>
      %dma_start3A_248 = arith.constant 0 : i32
      %dma_start3A_249 = arith.constant 0 : i32
      %dma_start3A_250 = tpu.memref_slice %arg13[%dma_start3A_248, %dma_start3A_249] : memref<10240x128xf32, #tpu.memory_space<vmem_shared>> -> memref<10240x128xf32, #tpu.memory_space<vmem_shared>>
      tpu.enqueue_indirect_dma source(%arg11 : memref<64x128xf32, #tpu.memory_space<vmem>>) target(%dma_start3A_250 : memref<10240x128xf32, #tpu.memory_space<vmem_shared>>) offsets(%dma_start3A_247 : memref<64xi32, #tpu.memory_space<vmem>>) semaphore(%arg18 : memref<!tpu.dma_semaphore, #tpu.memory_space<semaphore_mem>>) {add = true}
      %dma_wait3A_251 = arith.constant 0 : i32
      %dma_wait3A_252 = tpu.memref_slice %arg7[%add3A_221, %dma_wait3A_251] : memref<56x64xi32, #tpu.memory_space<vmem>> -> memref<1x64xi32, #tpu.memory_space<vmem>>
      %dma_wait3A_253 = tpu.memref_squeeze %dma_wait3A_252 : memref<1x64xi32, #tpu.memory_space<vmem>> -> memref<64xi32, #tpu.memory_space<vmem>>
      %dma_wait3A_254 = arith.constant 0 : i32
      %dma_wait3A_255 = arith.constant 0 : i32
      %dma_wait3A_256 = tpu.memref_slice %arg2[%dma_wait3A_254, %dma_wait3A_255] : memref<10000x128xf32, #tpu.memory_space<hbm>> -> memref<10000x128xf32, #tpu.memory_space<hbm>>
      tpu.wait_indirect_dma semaphore(%arg15 : memref<!tpu.dma_semaphore, #tpu.memory_space<semaphore_mem>>) src(%dma_wait3A_256 : memref<10000x128xf32, #tpu.memory_space<hbm>>) dst(%arg10 : memref<64x128xf32, #tpu.memory_space<vmem>>)
      %add3A_257 = arith.addi %multiple_of3A_123, %add3A_221 : i32
      %mul3A_258 = arith.constant 64 : i32
      %mul3A_259 = arith.muli %add3A_257, %mul3A_258 : i32
      %multiple_of3A_260 = tpu.assume_multiple %mul3A_259, 64 : i32
      %dma_wait3A_261 = arith.constant 0 : i32
      %dma_wait3A_262 = tpu.memref_slice %arg3[%multiple_of3A_260, %dma_wait3A_261] : memref<163840x128xf32, #tpu.memory_space<hbm>> -> memref<64x128xf32, #tpu.memory_space<hbm>>
      %dma_wait3A_263 = arith.constant 0 : i32
      %dma_wait3A_264 = tpu.memref_slice %arg3[%multiple_of3A_260, %dma_wait3A_263] : memref<163840x128xf32, #tpu.memory_space<hbm>> -> memref<64x128xf32, #tpu.memory_space<hbm>>
      tpu.wait_dma2 semaphore(%arg17 : memref<!tpu.dma_semaphore, #tpu.memory_space<semaphore_mem>>) src(%dma_wait3A_264 : memref<64x128xf32, #tpu.memory_space<hbm>>) dst(%arg12 : memref<64x128xf32, #tpu.memory_space<vmem>>)
      %scan3A_265 = arith.constant 0 : i32
      %scan3A_266 = arith.constant 64 : i32
      %scan3A_267 = arith.addi %scan3A_265, %scan3A_266 : i32
      %scan3A_268 = arith.constant 1 : i32
      scf.for %scan3A_306 = %scan3A_265 to %scan3A_267 step %scan3A_268  : i32 {
        %mul3A_307 = arith.constant 1 : i32
        %mul3A_308 = arith.muli %scan3A_306, %mul3A_307 : i32
        %add3A_309 = arith.constant 0 : i32
        %add3A_310 = arith.addi %add3A_309, %mul3A_308 : i32
        %get3A = arith.index_cast %add3A_310 : i32 to index
        %get3A_311 = arith.constant 0 : index
        %get3A_312 = tpu.vector_load %arg12[%get3A, %get3A_311] {strides = array<i32>} : memref<64x128xf32, #tpu.memory_space<vmem>>, vector<1x16xf32>,
        %get3A_313 = vector.shape_cast %get3A_312 : vector<1x16xf32> to vector<16xf32>
        %get3A_314 = arith.index_cast %add3A_310 : i32 to index
        %get3A_315 = arith.constant 0 : index
        %get3A_316 = tpu.vector_load %arg10[%get3A_314, %get3A_315] {strides = array<i32>} : memref<64x128xf32, #tpu.memory_space<vmem>>, vector<1x16xf32>,
        %get3A_317 = vector.shape_cast %get3A_316 : vector<1x16xf32> to vector<16xf32>
        %mul3A_318 = arith.mulf %get3A_313, %get3A_317 : vector<16xf32>
        %swap3A = arith.index_cast %add3A_310 : i32 to index
        %swap3A_319 = arith.constant 0 : index
        %swap3A_320 = tpu.vector_load %arg12[%swap3A, %swap3A_319] {strides = array<i32>} : memref<64x128xf32, #tpu.memory_space<vmem>>, vector<1x16xf32>,
        %swap3A_321 = vector.shape_cast %swap3A_320 : vector<1x16xf32> to vector<16xf32>
        %swap3A_322 = vector.shape_cast %mul3A_318 : vector<16xf32> to vector<1x16xf32>
        tpu.vector_store %arg12[%swap3A, %swap3A_319], %swap3A_322 {strides = array<i32>} : memref<64x128xf32, #tpu.memory_space<vmem>>, vector<1x16xf32>,
        %get3A_323 = arith.index_cast %add3A_310 : i32 to index
        %get3A_324 = arith.constant 16 : index
        %get3A_325 = tpu.vector_load %arg12[%get3A_323, %get3A_324] {strides = array<i32>} : memref<64x128xf32, #tpu.memory_space<vmem>>, vector<1x16xf32>,
        %get3A_326 = vector.shape_cast %get3A_325 : vector<1x16xf32> to vector<16xf32>
        %get3A_327 = arith.index_cast %add3A_310 : i32 to index
        %get3A_328 = arith.constant 16 : index
        %get3A_329 = tpu.vector_load %arg10[%get3A_327, %get3A_328] {strides = array<i32>} : memref<64x128xf32, #tpu.memory_space<vmem>>, vector<1x16xf32>,
        %get3A_330 = vector.shape_cast %get3A_329 : vector<1x16xf32> to vector<16xf32>
        %mul3A_331 = arith.mulf %get3A_326, %get3A_330 : vector<16xf32>
        %swap3A_332 = arith.index_cast %add3A_310 : i32 to index
        %swap3A_333 = arith.constant 16 : index
        %swap3A_334 = tpu.vector_load %arg12[%swap3A_332, %swap3A_333] {strides = array<i32>} : memref<64x128xf32, #tpu.memory_space<vmem>>, vector<1x16xf32>,
        %swap3A_335 = vector.shape_cast %swap3A_334 : vector<1x16xf32> to vector<16xf32>
        %swap3A_336 = vector.shape_cast %mul3A_331 : vector<16xf32> to vector<1x16xf32>
        tpu.vector_store %arg12[%swap3A_332, %swap3A_333], %swap3A_336 {strides = array<i32>} : memref<64x128xf32, #tpu.memory_space<vmem>>, vector<1x16xf32>,
        %get3A_337 = arith.index_cast %add3A_310 : i32 to index
        %get3A_338 = arith.constant 32 : index
        %get3A_339 = tpu.vector_load %arg12[%get3A_337, %get3A_338] {strides = array<i32>} : memref<64x128xf32, #tpu.memory_space<vmem>>, vector<1x16xf32>,
        %get3A_340 = vector.shape_cast %get3A_339 : vector<1x16xf32> to vector<16xf32>
        %get3A_341 = arith.index_cast %add3A_310 : i32 to index
        %get3A_342 = arith.constant 32 : index
        %get3A_343 = tpu.vector_load %arg10[%get3A_341, %get3A_342] {strides = array<i32>} : memref<64x128xf32, #tpu.memory_space<vmem>>, vector<1x16xf32>,
        %get3A_344 = vector.shape_cast %get3A_343 : vector<1x16xf32> to vector<16xf32>
        %mul3A_345 = arith.mulf %get3A_340, %get3A_344 : vector<16xf32>
        %swap3A_346 = arith.index_cast %add3A_310 : i32 to index
        %swap3A_347 = arith.constant 32 : index
        %swap3A_348 = tpu.vector_load %arg12[%swap3A_346, %swap3A_347] {strides = array<i32>} : memref<64x128xf32, #tpu.memory_space<vmem>>, vector<1x16xf32>,
        %swap3A_349 = vector.shape_cast %swap3A_348 : vector<1x16xf32> to vector<16xf32>
        %swap3A_350 = vector.shape_cast %mul3A_345 : vector<16xf32> to vector<1x16xf32>
        tpu.vector_store %arg12[%swap3A_346, %swap3A_347], %swap3A_350 {strides = array<i32>} : memref<64x128xf32, #tpu.memory_space<vmem>>, vector<1x16xf32>,
        %get3A_351 = arith.index_cast %add3A_310 : i32 to index
        %get3A_352 = arith.constant 48 : index
        %get3A_353 = tpu.vector_load %arg12[%get3A_351, %get3A_352] {strides = array<i32>} : memref<64x128xf32, #tpu.memory_space<vmem>>, vector<1x16xf32>,
        %get3A_354 = vector.shape_cast %get3A_353 : vector<1x16xf32> to vector<16xf32>
        %get3A_355 = arith.index_cast %add3A_310 : i32 to index
        %get3A_356 = arith.constant 48 : index
        %get3A_357 = tpu.vector_load %arg10[%get3A_355, %get3A_356] {strides = array<i32>} : memref<64x128xf32, #tpu.memory_space<vmem>>, vector<1x16xf32>,
        %get3A_358 = vector.shape_cast %get3A_357 : vector<1x16xf32> to vector<16xf32>
        %mul3A_359 = arith.mulf %get3A_354, %get3A_358 : vector<16xf32>
        %swap3A_360 = arith.index_cast %add3A_310 : i32 to index
        %swap3A_361 = arith.constant 48 : index
        %swap3A_362 = tpu.vector_load %arg12[%swap3A_360, %swap3A_361] {strides = array<i32>} : memref<64x128xf32, #tpu.memory_space<vmem>>, vector<1x16xf32>,
        %swap3A_363 = vector.shape_cast %swap3A_362 : vector<1x16xf32> to vector<16xf32>
        %swap3A_364 = vector.shape_cast %mul3A_359 : vector<16xf32> to vector<1x16xf32>
        tpu.vector_store %arg12[%swap3A_360, %swap3A_361], %swap3A_364 {strides = array<i32>} : memref<64x128xf32, #tpu.memory_space<vmem>>, vector<1x16xf32>,
        %get3A_365 = arith.index_cast %add3A_310 : i32 to index
        %get3A_366 = arith.constant 64 : index
        %get3A_367 = tpu.vector_load %arg12[%get3A_365, %get3A_366] {strides = array<i32>} : memref<64x128xf32, #tpu.memory_space<vmem>>, vector<1x16xf32>,
        %get3A_368 = vector.shape_cast %get3A_367 : vector<1x16xf32> to vector<16xf32>
        %get3A_369 = arith.index_cast %add3A_310 : i32 to index
        %get3A_370 = arith.constant 64 : index
        %get3A_371 = tpu.vector_load %arg10[%get3A_369, %get3A_370] {strides = array<i32>} : memref<64x128xf32, #tpu.memory_space<vmem>>, vector<1x16xf32>,
        %get3A_372 = vector.shape_cast %get3A_371 : vector<1x16xf32> to vector<16xf32>
        %mul3A_373 = arith.mulf %get3A_368, %get3A_372 : vector<16xf32>
        %swap3A_374 = arith.index_cast %add3A_310 : i32 to index
        %swap3A_375 = arith.constant 64 : index
        %swap3A_376 = tpu.vector_load %arg12[%swap3A_374, %swap3A_375] {strides = array<i32>} : memref<64x128xf32, #tpu.memory_space<vmem>>, vector<1x16xf32>,
        %swap3A_377 = vector.shape_cast %swap3A_376 : vector<1x16xf32> to vector<16xf32>
        %swap3A_378 = vector.shape_cast %mul3A_373 : vector<16xf32> to vector<1x16xf32>
        tpu.vector_store %arg12[%swap3A_374, %swap3A_375], %swap3A_378 {strides = array<i32>} : memref<64x128xf32, #tpu.memory_space<vmem>>, vector<1x16xf32>,
        %get3A_379 = arith.index_cast %add3A_310 : i32 to index
        %get3A_380 = arith.constant 80 : index
        %get3A_381 = tpu.vector_load %arg12[%get3A_379, %get3A_380] {strides = array<i32>} : memref<64x128xf32, #tpu.memory_space<vmem>>, vector<1x16xf32>,
        %get3A_382 = vector.shape_cast %get3A_381 : vector<1x16xf32> to vector<16xf32>
        %get3A_383 = arith.index_cast %add3A_310 : i32 to index
        %get3A_384 = arith.constant 80 : index
        %get3A_385 = tpu.vector_load %arg10[%get3A_383, %get3A_384] {strides = array<i32>} : memref<64x128xf32, #tpu.memory_space<vmem>>, vector<1x16xf32>,
        %get3A_386 = vector.shape_cast %get3A_385 : vector<1x16xf32> to vector<16xf32>
        %mul3A_387 = arith.mulf %get3A_382, %get3A_386 : vector<16xf32>
        %swap3A_388 = arith.index_cast %add3A_310 : i32 to index
        %swap3A_389 = arith.constant 80 : index
        %swap3A_390 = tpu.vector_load %arg12[%swap3A_388, %swap3A_389] {strides = array<i32>} : memref<64x128xf32, #tpu.memory_space<vmem>>, vector<1x16xf32>,
        %swap3A_391 = vector.shape_cast %swap3A_390 : vector<1x16xf32> to vector<16xf32>
        %swap3A_392 = vector.shape_cast %mul3A_387 : vector<16xf32> to vector<1x16xf32>
        tpu.vector_store %arg12[%swap3A_388, %swap3A_389], %swap3A_392 {strides = array<i32>} : memref<64x128xf32, #tpu.memory_space<vmem>>, vector<1x16xf32>,
        %get3A_393 = arith.index_cast %add3A_310 : i32 to index
        %get3A_394 = arith.constant 96 : index
        %get3A_395 = tpu.vector_load %arg12[%get3A_393, %get3A_394] {strides = array<i32>} : memref<64x128xf32, #tpu.memory_space<vmem>>, vector<1x16xf32>,
        %get3A_396 = vector.shape_cast %get3A_395 : vector<1x16xf32> to vector<16xf32>
        %get3A_397 = arith.index_cast %add3A_310 : i32 to index
        %get3A_398 = arith.constant 96 : index
        %get3A_399 = tpu.vector_load %arg10[%get3A_397, %get3A_398] {strides = array<i32>} : memref<64x128xf32, #tpu.memory_space<vmem>>, vector<1x16xf32>,
        %get3A_400 = vector.shape_cast %get3A_399 : vector<1x16xf32> to vector<16xf32>
        %mul3A_401 = arith.mulf %get3A_396, %get3A_400 : vector<16xf32>
        %swap3A_402 = arith.index_cast %add3A_310 : i32 to index
        %swap3A_403 = arith.constant 96 : index
        %swap3A_404 = tpu.vector_load %arg12[%swap3A_402, %swap3A_403] {strides = array<i32>} : memref<64x128xf32, #tpu.memory_space<vmem>>, vector<1x16xf32>,
        %swap3A_405 = vector.shape_cast %swap3A_404 : vector<1x16xf32> to vector<16xf32>
        %swap3A_406 = vector.shape_cast %mul3A_401 : vector<16xf32> to vector<1x16xf32>
        tpu.vector_store %arg12[%swap3A_402, %swap3A_403], %swap3A_406 {strides = array<i32>} : memref<64x128xf32, #tpu.memory_space<vmem>>, vector<1x16xf32>,
        %get3A_407 = arith.index_cast %add3A_310 : i32 to index
        %get3A_408 = arith.constant 112 : index
        %get3A_409 = tpu.vector_load %arg12[%get3A_407, %get3A_408] {strides = array<i32>} : memref<64x128xf32, #tpu.memory_space<vmem>>, vector<1x16xf32>,
        %get3A_410 = vector.shape_cast %get3A_409 : vector<1x16xf32> to vector<16xf32>
        %get3A_411 = arith.index_cast %add3A_310 : i32 to index
        %get3A_412 = arith.constant 112 : index
        %get3A_413 = tpu.vector_load %arg10[%get3A_411, %get3A_412] {strides = array<i32>} : memref<64x128xf32, #tpu.memory_space<vmem>>, vector<1x16xf32>,
        %get3A_414 = vector.shape_cast %get3A_413 : vector<1x16xf32> to vector<16xf32>
        %mul3A_415 = arith.mulf %get3A_410, %get3A_414 : vector<16xf32>
        %swap3A_416 = arith.index_cast %add3A_310 : i32 to index
        %swap3A_417 = arith.constant 112 : index
        %swap3A_418 = tpu.vector_load %arg12[%swap3A_416, %swap3A_417] {strides = array<i32>} : memref<64x128xf32, #tpu.memory_space<vmem>>, vector<1x16xf32>,
        %swap3A_419 = vector.shape_cast %swap3A_418 : vector<1x16xf32> to vector<16xf32>
        %swap3A_420 = vector.shape_cast %mul3A_415 : vector<16xf32> to vector<1x16xf32>
        tpu.vector_store %arg12[%swap3A_416, %swap3A_417], %swap3A_420 {strides = array<i32>} : memref<64x128xf32, #tpu.memory_space<vmem>>, vector<1x16xf32>,
      }
      %scan3A_269 = arith.constant 64 : i32
      %add3A_270 = arith.constant 2 : i32
      %add3A_271 = arith.addi %add3A_221, %add3A_270 : i32
      %lt3A_272 = arith.cmpi slt, %add3A_271, %select_n3A_35 : i32
      %convert_element_type3A_273 = arith.extui %lt3A_272 : i1 to i32
      %cond3A_274 = arith.constant 0 : i32
      %cond3A_275 = arith.cmpi ne, %convert_element_type3A_273, %cond3A_274 : i32
      scf.if %cond3A_275 {
        %add3A_306 = arith.constant 2 : i32
        %add3A_307 = arith.addi %add3A_221, %add3A_306 : i32
        %dma_start3A_308 = arith.constant 0 : i32
        %dma_start3A_309 = tpu.memref_slice %arg7[%add3A_307, %dma_start3A_308] : memref<56x64xi32, #tpu.memory_space<vmem>> -> memref<1x64xi32, #tpu.memory_space<vmem>>
        %dma_start3A_310 = tpu.memref_squeeze %dma_start3A_309 : memref<1x64xi32, #tpu.memory_space<vmem>> -> memref<64xi32, #tpu.memory_space<vmem>>
        %dma_start3A_311 = arith.constant 0 : i32
        %dma_start3A_312 = arith.constant 0 : i32
        %dma_start3A_313 = tpu.memref_slice %arg2[%dma_start3A_311, %dma_start3A_312] : memref<10000x128xf32, #tpu.memory_space<hbm>> -> memref<10000x128xf32, #tpu.memory_space<hbm>>
        tpu.enqueue_indirect_dma source(%dma_start3A_313 : memref<10000x128xf32, #tpu.memory_space<hbm>>) target(%arg10 : memref<64x128xf32, #tpu.memory_space<vmem>>) offsets(%dma_start3A_310 : memref<64xi32, #tpu.memory_space<vmem>>) semaphore(%arg15 : memref<!tpu.dma_semaphore, #tpu.memory_space<semaphore_mem>>)
      } else {
      }
      %dma_start3A_276 = arith.constant 0 : i32
      %dma_start3A_277 = tpu.memref_slice %arg8[%add3A_221, %dma_start3A_276] : memref<56x64xi32, #tpu.memory_space<vmem>> -> memref<1x64xi32, #tpu.memory_space<vmem>>
      %dma_start3A_278 = tpu.memref_squeeze %dma_start3A_277 : memref<1x64xi32, #tpu.memory_space<vmem>> -> memref<64xi32, #tpu.memory_space<vmem>>
      %dma_start3A_279 = arith.constant 0 : i32
      %dma_start3A_280 = arith.constant 0 : i32
      %dma_start3A_281 = tpu.memref_slice %arg13[%dma_start3A_279, %dma_start3A_280] : memref<10240x128xf32, #tpu.memory_space<vmem_shared>> -> memref<10240x128xf32, #tpu.memory_space<vmem_shared>>
      tpu.enqueue_indirect_dma source(%arg12 : memref<64x128xf32, #tpu.memory_space<vmem>>) target(%dma_start3A_281 : memref<10240x128xf32, #tpu.memory_space<vmem_shared>>) offsets(%dma_start3A_278 : memref<64xi32, #tpu.memory_space<vmem>>) semaphore(%arg19 : memref<!tpu.dma_semaphore, #tpu.memory_space<semaphore_mem>>) {add = true}
      %dma_wait3A_282 = arith.constant 0 : i32
      %dma_wait3A_283 = tpu.memref_slice %arg8[%mul3A_219, %dma_wait3A_282] : memref<56x64xi32, #tpu.memory_space<vmem>> -> memref<1x64xi32, #tpu.memory_space<vmem>>
      %dma_wait3A_284 = tpu.memref_squeeze %dma_wait3A_283 : memref<1x64xi32, #tpu.memory_space<vmem>> -> memref<64xi32, #tpu.memory_space<vmem>>
      %dma_wait3A_285 = arith.constant 0 : i32
      %dma_wait3A_286 = arith.constant 0 : i32
      %dma_wait3A_287 = tpu.memref_slice %arg13[%dma_wait3A_285, %dma_wait3A_286] : memref<10240x128xf32, #tpu.memory_space<vmem_shared>> -> memref<10240x128xf32, #tpu.memory_space<vmem_shared>>
      tpu.wait_indirect_dma semaphore(%arg18 : memref<!tpu.dma_semaphore, #tpu.memory_space<semaphore_mem>>) src(%arg11 : memref<64x128xf32, #tpu.memory_space<vmem>>) dst(%dma_wait3A_287 : memref<10240x128xf32, #tpu.memory_space<vmem_shared>>)
      %add3A_288 = arith.constant 2 : i32
      %add3A_289 = arith.addi %mul3A_219, %add3A_288 : i32
      %lt3A_290 = arith.cmpi slt, %add3A_289, %select_n3A_35 : i32
      %convert_element_type3A_291 = arith.extui %lt3A_290 : i1 to i32
      %cond3A_292 = arith.constant 0 : i32
      %cond3A_293 = arith.cmpi ne, %convert_element_type3A_291, %cond3A_292 : i32
      scf.if %cond3A_293 {
        %add3A_306 = arith.constant 2 : i32
        %add3A_307 = arith.addi %mul3A_219, %add3A_306 : i32
        %add3A_308 = arith.addi %multiple_of3A_123, %add3A_307 : i32
        %mul3A_309 = arith.constant 64 : i32
        %mul3A_310 = arith.muli %add3A_308, %mul3A_309 : i32
        %multiple_of3A_311 = tpu.assume_multiple %mul3A_310, 64 : i32
        %dma_start3A_312 = arith.constant 0 : i32
        %dma_start3A_313 = tpu.memref_slice %arg3[%multiple_of3A_311, %dma_start3A_312] : memref<163840x128xf32, #tpu.memory_space<hbm>> -> memref<64x128xf32, #tpu.memory_space<hbm>>
        %dma_start3A_314 = arith.constant 0 : i32
        %dma_start3A_315 = tpu.memref_slice %arg3[%multiple_of3A_311, %dma_start3A_314] : memref<163840x128xf32, #tpu.memory_space<hbm>> -> memref<64x128xf32, #tpu.memory_space<hbm>>
        tpu.enqueue_dma source(%dma_start3A_315 : memref<64x128xf32, #tpu.memory_space<hbm>>) target(%arg11 : memref<64x128xf32, #tpu.memory_space<vmem>>) target_semaphore(%arg16 : memref<!tpu.dma_semaphore, #tpu.memory_space<semaphore_mem>>)
      } else {
      }
      %dma_wait3A_294 = arith.constant 0 : i32
      %dma_wait3A_295 = tpu.memref_slice %arg8[%add3A_221, %dma_wait3A_294] : memref<56x64xi32, #tpu.memory_space<vmem>> -> memref<1x64xi32, #tpu.memory_space<vmem>>
      %dma_wait3A_296 = tpu.memref_squeeze %dma_wait3A_295 : memref<1x64xi32, #tpu.memory_space<vmem>> -> memref<64xi32, #tpu.memory_space<vmem>>
      %dma_wait3A_297 = arith.constant 0 : i32
      %dma_wait3A_298 = arith.constant 0 : i32
      %dma_wait3A_299 = tpu.memref_slice %arg13[%dma_wait3A_297, %dma_wait3A_298] : memref<10240x128xf32, #tpu.memory_space<vmem_shared>> -> memref<10240x128xf32, #tpu.memory_space<vmem_shared>>
      tpu.wait_indirect_dma semaphore(%arg19 : memref<!tpu.dma_semaphore, #tpu.memory_space<semaphore_mem>>) src(%arg12 : memref<64x128xf32, #tpu.memory_space<vmem>>) dst(%dma_wait3A_299 : memref<10240x128xf32, #tpu.memory_space<vmem_shared>>)
      %add3A_300 = arith.constant 2 : i32
      %add3A_301 = arith.addi %add3A_221, %add3A_300 : i32
      %lt3A_302 = arith.cmpi slt, %add3A_301, %select_n3A_35 : i32
      %convert_element_type3A_303 = arith.extui %lt3A_302 : i1 to i32
      %cond3A_304 = arith.constant 0 : i32
      %cond3A_305 = arith.cmpi ne, %convert_element_type3A_303, %cond3A_304 : i32
      scf.if %cond3A_305 {
        %add3A_306 = arith.constant 2 : i32
        %add3A_307 = arith.addi %add3A_221, %add3A_306 : i32
        %add3A_308 = arith.addi %multiple_of3A_123, %add3A_307 : i32
        %mul3A_309 = arith.constant 64 : i32
        %mul3A_310 = arith.muli %add3A_308, %mul3A_309 : i32
        %multiple_of3A_311 = tpu.assume_multiple %mul3A_310, 64 : i32
        %dma_start3A_312 = arith.constant 0 : i32
        %dma_start3A_313 = tpu.memref_slice %arg3[%multiple_of3A_311, %dma_start3A_312] : memref<163840x128xf32, #tpu.memory_space<hbm>> -> memref<64x128xf32, #tpu.memory_space<hbm>>
        %dma_start3A_314 = arith.constant 0 : i32
        %dma_start3A_315 = tpu.memref_slice %arg3[%multiple_of3A_311, %dma_start3A_314] : memref<163840x128xf32, #tpu.memory_space<hbm>> -> memref<64x128xf32, #tpu.memory_space<hbm>>
        tpu.enqueue_dma source(%dma_start3A_315 : memref<64x128xf32, #tpu.memory_space<hbm>>) target(%arg12 : memref<64x128xf32, #tpu.memory_space<vmem>>) target_semaphore(%arg17 : memref<!tpu.dma_semaphore, #tpu.memory_space<semaphore_mem>>)
      } else {
      }
    }
    %barrier3A_209 = arith.constant 0 : index
    tpu.barrier barrier_id(%barrier3A_209)
    %scan3A_210 = arith.constant 0 : i32
    %scan3A_211 = arith.constant 10 : i32
    %scan3A_212 = arith.addi %scan3A_210, %scan3A_211 : i32
    %scan3A_213 = arith.constant 1 : i32
    scf.for %scan3A_215 = %scan3A_210 to %scan3A_212 step %scan3A_213  : i32 {
      %mul3A_216 = arith.constant 1 : i32
      %mul3A_217 = arith.muli %scan3A_215, %mul3A_216 : i32
      %add3A_218 = arith.constant 0 : i32
      %add3A_219 = arith.addi %add3A_218, %mul3A_217 : i32
      %mul3A_220 = arith.constant 640 : i32
      %mul3A_221 = arith.muli %arg1, %mul3A_220 : i32
      %mul3A_222 = arith.constant 64 : i32
      %mul3A_223 = arith.muli %add3A_219, %mul3A_222 : i32
      %add3A_224 = arith.addi %mul3A_221, %mul3A_223 : i32
      %mul3A_225 = arith.constant 10240 : i32
      %mul3A_226 = arith.muli %arg0, %mul3A_225 : i32
      %add3A_227 = arith.addi %mul3A_226, %add3A_224 : i32
      "tpu.region"() ({
        %run_scoped3A = tpu.sem_alloc : memref<!tpu.dma_semaphore, #tpu.memory_space<semaphore_mem>>
        %dma_start3A_228 = arith.constant 0 : i32
        %dma_start3A_229 = tpu.memref_slice %arg6[%add3A_227, %dma_start3A_228] : memref<20480x128xf32, #tpu.memory_space<hbm>> -> memref<64x128xf32, #tpu.memory_space<hbm>>
        %dma_start3A_230 = arith.constant 0 : i32
        %dma_start3A_231 = tpu.memref_slice %arg13[%add3A_224, %dma_start3A_230] : memref<10240x128xf32, #tpu.memory_space<vmem_shared>> -> memref<64x128xf32, #tpu.memory_space<vmem_shared>>
        tpu.enqueue_dma source(%dma_start3A_231 : memref<64x128xf32, #tpu.memory_space<vmem_shared>>) target(%dma_start3A_229 : memref<64x128xf32, #tpu.memory_space<hbm>>) target_semaphore(%run_scoped3A : memref<!tpu.dma_semaphore, #tpu.memory_space<semaphore_mem>>)
        %dma_wait3A = arith.constant 0 : i32
        %dma_wait3A_232 = tpu.memref_slice %arg6[%add3A_227, %dma_wait3A] : memref<20480x128xf32, #tpu.memory_space<hbm>> -> memref<64x128xf32, #tpu.memory_space<hbm>>
        %dma_wait3A_233 = arith.constant 0 : i32
        %dma_wait3A_234 = tpu.memref_slice %arg13[%add3A_224, %dma_wait3A_233] : memref<10240x128xf32, #tpu.memory_space<vmem_shared>> -> memref<64x128xf32, #tpu.memory_space<vmem_shared>>
        tpu.wait_dma2 semaphore(%run_scoped3A : memref<!tpu.dma_semaphore, #tpu.memory_space<semaphore_mem>>) src(%dma_wait3A_234 : memref<64x128xf32, #tpu.memory_space<vmem_shared>>) dst(%dma_wait3A_232 : memref<64x128xf32, #tpu.memory_space<hbm>>)
        tpu.yield
      }) : () -> ()
    }
    %scan3A_214 = arith.constant 10 : i32
    return
  }
}

module attributes {stable_mosaic.version = 14 : i64} {
  func.func @_prep_body(%arg0: i32, %arg1: memref<16x1280xf32, #tpu.memory_space<vmem>>, %arg2: memref<4x1280xf32, #tpu.memory_space<vmem>>, %arg3: memref<1x20x64xi32, #tpu.memory_space<vmem>>, %arg4: memref<1x20x64xi32, #tpu.memory_space<vmem>>, %arg5: memref<8x16xf32, #tpu.memory_space<vmem>>, %arg6: memref<8x1xf32, #tpu.memory_space<vmem>>, %arg7: memref<40x128xf32, #tpu.memory_space<vmem>>, %arg8: memref<1280x128xf32, #tpu.memory_space<vmem>>, %arg9: memref<1x20x64xi32, #tpu.memory_space<vmem>>, %arg10: memref<1x20x64xi32, #tpu.memory_space<vmem>>) attributes {dimension_semantics = [#tpu.dimension_semantics<arbitrary>], iteration_bounds = array<i64: 128>, scalar_prefetch = 0 : i64, scratch_operands = 0 : i64, tpu.core_type = #tpu.core_type<tc>, window_params = [{transform_indices = @transform_0, window_bounds = array<i64: 16, 1280>}, {transform_indices = @transform_1, window_bounds = array<i64: 4, 1280>}, {transform_indices = @transform_2, window_bounds = array<i64: 1, 20, 64>}, {transform_indices = @transform_3, window_bounds = array<i64: 1, 20, 64>}, {pipeline_mode = #tpu.pipeline_mode<synchronous>, transform_indices = @transform_4, window_bounds = array<i64: 8, 16>}, {pipeline_mode = #tpu.pipeline_mode<synchronous>, transform_indices = @transform_5, window_bounds = array<i64: 8, 1>}, {pipeline_mode = #tpu.pipeline_mode<synchronous>, transform_indices = @transform_6, window_bounds = array<i64: 40, 128>}, {transform_indices = @transform_7, window_bounds = array<i64: 1280, 128>}, {transform_indices = @transform_8, window_bounds = array<i64: 1, 20, 64>}, {transform_indices = @transform_9, window_bounds = array<i64: 1, 20, 64>}]} {
    %get3A = arith.constant 0 : index
    %get3A_0 = arith.constant 0 : index
    %get3A_1 = vector.load %arg1[%get3A, %get3A_0] : memref<16x1280xf32, #tpu.memory_space<vmem>>, vector<16x1280xf32>
    %get3A_2 = arith.constant 0 : index
    %get3A_3 = arith.constant 0 : index
    %get3A_4 = vector.load %arg5[%get3A_2, %get3A_3] : memref<8x16xf32, #tpu.memory_space<vmem>>, vector<8x16xf32>
    %dot_general3A = arith.constant dense<0.000000e+00> : vector<8x1280xf32>
    %dot_general3A_5 = tpu.matmul %get3A_4, %get3A_1, %dot_general3A {dimension_numbers = #tpu.dot_dimension_numbers<[1], [0], [0], [1], [0, 0, 1, 1], [], []>, transpose_lhs_hint = false} : vector<8x16xf32>, vector<16x1280xf32>, vector<8x1280xf32> -> vector<8x1280xf32>
    %get3A_6 = arith.constant 0 : index
    %get3A_7 = arith.constant 0 : index
    %get3A_8 = vector.load %arg6[%get3A_6, %get3A_7] : memref<8x1xf32, #tpu.memory_space<vmem>>, vector<8x1xf32>
    %add3A = vector.broadcast %get3A_8 : vector<8x1xf32> to vector<8x1280xf32>
    %add3A_9 = arith.addf %dot_general3A_5, %add3A : vector<8x1280xf32>
    %max3A = arith.constant 0.000000e+00 : f32
    %max3A_10 = vector.broadcast %max3A : f32 to vector<8x1280xf32>
    %max3A_11 = arith.maximumf %add3A_9, %max3A_10 : vector<8x1280xf32>
    %abs3A = math.absf %add3A_9 : vector<8x1280xf32>
    %neg3A = arith.constant 0.000000e+00 : f32
    %neg3A_12 = vector.broadcast %neg3A : f32 to vector<8x1280xf32>
    %neg3A_13 = arith.subf %neg3A_12, %abs3A : vector<8x1280xf32>
    %exp3A = math.exp %neg3A_13 : vector<8x1280xf32>
    %add3A_14 = arith.constant 1.000000e+00 : f32
    %add3A_15 = vector.broadcast %add3A_14 : f32 to vector<8x1280xf32>
    %add3A_16 = arith.addf %add3A_15, %exp3A : vector<8x1280xf32>
    %log3A = math.log %add3A_16 : vector<8x1280xf32>
    %add3A_17 = arith.addf %max3A_11, %log3A : vector<8x1280xf32>
    %sub3A = arith.constant 0.693147182 : f32
    %sub3A_18 = vector.broadcast %sub3A : f32 to vector<8x1280xf32>
    %sub3A_19 = arith.subf %add3A_17, %sub3A_18 : vector<8x1280xf32>
    %mul3A = arith.constant 1280 : i32
    %mul3A_20 = arith.muli %arg0, %mul3A : i32
    %iota3A = tpu.iota {dimensions = array<i32: 1>} : vector<1x1280xi32>
    %add3A_21 = vector.broadcast %mul3A_20 : i32 to vector<1x1280xi32>
    %add3A_22 = arith.addi %add3A_21, %iota3A : vector<1x1280xi32>
    %lt3A = arith.constant 160000 : i32
    %lt3A_23 = vector.broadcast %lt3A : i32 to vector<1x1280xi32>
    %lt3A_24 = arith.cmpi slt, %add3A_22, %lt3A_23 : vector<1x1280xi32>
    %get3A_25 = arith.constant 0 : index
    %get3A_26 = arith.constant 0 : index
    %get3A_27 = vector.load %arg2[%get3A_25, %get3A_26] : memref<4x1280xf32, #tpu.memory_space<vmem>>, vector<4x1280xf32>
    %jit3A = arith.constant 0.000000e+00 : f32
    %broadcast_in_dim3A = vector.shape_cast %lt3A_24 : vector<1x1280xi1> to vector<1x1280xi1>
    %broadcast_in_dim3A_28 = vector.broadcast %broadcast_in_dim3A : vector<1x1280xi1> to vector<4x1280xi1>
    %broadcast_in_dim3A_29 = vector.broadcast %jit3A : f32 to vector<4x1280xf32>
    %select_n3A = arith.select %broadcast_in_dim3A_28, %get3A_27, %broadcast_in_dim3A_29 : vector<4x1280xi1>, vector<4x1280xf32>
    %slice3A = vector.extract_strided_slice %select_n3A {offsets = [0, 0], sizes = [1, 1280], strides = [1, 1]} : vector<4x1280xf32> to vector<1x1280xf32>
    %mul3A_30 = vector.broadcast %slice3A : vector<1x1280xf32> to vector<8x1280xf32>
    %mul3A_31 = arith.mulf %mul3A_30, %sub3A_19 : vector<8x1280xf32>
    %slice3A_32 = vector.extract_strided_slice %select_n3A {offsets = [1, 0], sizes = [1, 1280], strides = [1, 1]} : vector<4x1280xf32> to vector<1x1280xf32>
    %mul3A_33 = vector.broadcast %slice3A_32 : vector<1x1280xf32> to vector<8x1280xf32>
    %mul3A_34 = arith.mulf %mul3A_33, %sub3A_19 : vector<8x1280xf32>
    %slice3A_35 = vector.extract_strided_slice %select_n3A {offsets = [2, 0], sizes = [1, 1280], strides = [1, 1]} : vector<4x1280xf32> to vector<1x1280xf32>
    %mul3A_36 = vector.broadcast %slice3A_35 : vector<1x1280xf32> to vector<8x1280xf32>
    %mul3A_37 = arith.mulf %mul3A_36, %sub3A_19 : vector<8x1280xf32>
    %slice3A_38 = vector.extract_strided_slice %select_n3A {offsets = [3, 0], sizes = [1, 1280], strides = [1, 1]} : vector<4x1280xf32> to vector<1x1280xf32>
    %mul3A_39 = vector.broadcast %slice3A_38 : vector<1x1280xf32> to vector<8x1280xf32>
    %mul3A_40 = arith.mulf %mul3A_39, %sub3A_19 : vector<8x1280xf32>
    %broadcast_in_dim3A_41 = arith.constant 0.000000e+00 : f32
    %broadcast_in_dim3A_42 = vector.broadcast %broadcast_in_dim3A_41 : f32 to vector<4x1280xf32>
    %concatenate3A = tpu.concatenate %mul3A_31, %mul3A_34, %mul3A_37, %mul3A_40, %select_n3A, %broadcast_in_dim3A_42 in 0 : vector<8x1280xf32>, vector<8x1280xf32>, vector<8x1280xf32>, vector<8x1280xf32>, vector<4x1280xf32>, vector<4x1280xf32> -> vector<40x1280xf32>
    %transpose3A = tpu.transpose %concatenate3A, [1, 0] : vector<40x1280xf32> -> vector<1280x40xf32>
    %get3A_43 = arith.constant 0 : index
    %get3A_44 = arith.constant 0 : index
    %get3A_45 = vector.load %arg7[%get3A_43, %get3A_44] : memref<40x128xf32, #tpu.memory_space<vmem>>, vector<40x128xf32>
    %dot_general3A_46 = arith.constant dense<0.000000e+00> : vector<1280x128xf32>
    %dot_general3A_47 = tpu.matmul %transpose3A, %get3A_45, %dot_general3A_46 {dimension_numbers = #tpu.dot_dimension_numbers<[1], [0], [0], [1], [0, 0, 1, 1], [], []>, transpose_lhs_hint = false} : vector<1280x40xf32>, vector<40x128xf32>, vector<1280x128xf32> -> vector<1280x128xf32>
    %swap3A = arith.constant 0 : index
    %swap3A_48 = arith.constant 0 : index
    %swap3A_49 = vector.load %arg8[%swap3A, %swap3A_48] : memref<1280x128xf32, #tpu.memory_space<vmem>>, vector<1280x128xf32>
    tpu.vector_store %arg8[%swap3A, %swap3A_48], %dot_general3A_47 {strides = array<i32>} : memref<1280x128xf32, #tpu.memory_space<vmem>>, vector<1280x128xf32>,
    %mul3A_50 = arith.constant 20 : i32
    %mul3A_51 = arith.muli %arg0, %mul3A_50 : i32
    %iota3A_52 = tpu.iota {dimensions = array<i32: 1>} : vector<1x20x1xi32>
    %add3A_53 = vector.broadcast %mul3A_51 : i32 to vector<1x20x1xi32>
    %add3A_54 = arith.addi %add3A_53, %iota3A_52 : vector<1x20x1xi32>
    %lt3A_55 = arith.constant 2500 : i32
    %lt3A_56 = vector.broadcast %lt3A_55 : i32 to vector<1x20x1xi32>
    %lt3A_57 = arith.cmpi slt, %add3A_54, %lt3A_56 : vector<1x20x1xi32>
    %get3A_58 = arith.constant 0 : index
    %get3A_59 = arith.constant 0 : index
    %get3A_60 = arith.constant 0 : index
    %get3A_61 = vector.load %arg3[%get3A_58, %get3A_59, %get3A_60] : memref<1x20x64xi32, #tpu.memory_space<vmem>>, vector<1x20x64xi32>
    %jit3A_62 = arith.constant 0 : i32
    %broadcast_in_dim3A_63 = vector.shape_cast %lt3A_57 : vector<1x20x1xi1> to vector<1x20x1xi1>
    %broadcast_in_dim3A_64 = vector.broadcast %broadcast_in_dim3A_63 : vector<1x20x1xi1> to vector<1x20x64xi1>
    %broadcast_in_dim3A_65 = vector.broadcast %jit3A_62 : i32 to vector<1x20x64xi32>
    %select_n3A_66 = arith.select %broadcast_in_dim3A_64, %get3A_61, %broadcast_in_dim3A_65 : vector<1x20x64xi1>, vector<1x20x64xi32>
    %swap3A_67 = arith.constant 0 : index
    %swap3A_68 = arith.constant 0 : index
    %swap3A_69 = arith.constant 0 : index
    %swap3A_70 = vector.load %arg9[%swap3A_67, %swap3A_68, %swap3A_69] : memref<1x20x64xi32, #tpu.memory_space<vmem>>, vector<1x20x64xi32>
    tpu.vector_store %arg9[%swap3A_67, %swap3A_68, %swap3A_69], %select_n3A_66 {strides = array<i32>} : memref<1x20x64xi32, #tpu.memory_space<vmem>>, vector<1x20x64xi32>,
    %get3A_71 = arith.constant 0 : index
    %get3A_72 = arith.constant 0 : index
    %get3A_73 = arith.constant 0 : index
    %get3A_74 = vector.load %arg4[%get3A_71, %get3A_72, %get3A_73] : memref<1x20x64xi32, #tpu.memory_space<vmem>>, vector<1x20x64xi32>
    %jit3A_75 = arith.constant 0 : i32
    %broadcast_in_dim3A_76 = vector.shape_cast %lt3A_57 : vector<1x20x1xi1> to vector<1x20x1xi1>
    %broadcast_in_dim3A_77 = vector.broadcast %broadcast_in_dim3A_76 : vector<1x20x1xi1> to vector<1x20x64xi1>
    %broadcast_in_dim3A_78 = vector.broadcast %jit3A_75 : i32 to vector<1x20x64xi32>
    %select_n3A_79 = arith.select %broadcast_in_dim3A_77, %get3A_74, %broadcast_in_dim3A_78 : vector<1x20x64xi1>, vector<1x20x64xi32>
    %swap3A_80 = arith.constant 0 : index
    %swap3A_81 = arith.constant 0 : index
    %swap3A_82 = arith.constant 0 : index
    %swap3A_83 = vector.load %arg10[%swap3A_80, %swap3A_81, %swap3A_82] : memref<1x20x64xi32, #tpu.memory_space<vmem>>, vector<1x20x64xi32>
    tpu.vector_store %arg10[%swap3A_80, %swap3A_81, %swap3A_82], %select_n3A_79 {strides = array<i32>} : memref<1x20x64xi32, #tpu.memory_space<vmem>>, vector<1x20x64xi32>,
    return
  }
  func.func @transform_0(%arg0: i32) -> (i32, i32) {
    %min3A = arith.constant 124 : i32
    %min3A_0 = arith.minsi %arg0, %min3A : i32
    %c0_i32 = arith.constant 0 : i32
    %c0_i32_1 = arith.constant 0 : i32
    return %c0_i32, %min3A_0 : i32, i32
  }
  func.func @transform_1(%arg0: i32) -> (i32, i32) {
    %min3A = arith.constant 124 : i32
    %min3A_0 = arith.minsi %arg0, %min3A : i32
    %c0_i32 = arith.constant 0 : i32
    %c0_i32_1 = arith.constant 0 : i32
    return %c0_i32, %min3A_0 : i32, i32
  }
  func.func @transform_2(%arg0: i32) -> (i32, i32, i32) {
    %min3A = arith.constant 124 : i32
    %min3A_0 = arith.minsi %arg0, %min3A : i32
    %c0_i32 = arith.constant 0 : i32
    %c0_i32_1 = arith.constant 0 : i32
    %c0_i32_2 = arith.constant 0 : i32
    return %min3A_0, %c0_i32, %c0_i32_1 : i32, i32, i32
  }
  func.func @transform_3(%arg0: i32) -> (i32, i32, i32) {
    %min3A = arith.constant 124 : i32
    %min3A_0 = arith.minsi %arg0, %min3A : i32
    %c0_i32 = arith.constant 0 : i32
    %c0_i32_1 = arith.constant 0 : i32
    %c0_i32_2 = arith.constant 0 : i32
    return %min3A_0, %c0_i32, %c0_i32_1 : i32, i32, i32
  }
  func.func @transform_4(%arg0: i32) -> (i32, i32) {
    %c0_i32 = arith.constant 0 : i32
    %c0_i32_0 = arith.constant 0 : i32
    %c0_i32_1 = arith.constant 0 : i32
    return %c0_i32, %c0_i32_0 : i32, i32
  }
  func.func @transform_5(%arg0: i32) -> (i32, i32) {
    %c0_i32 = arith.constant 0 : i32
    %c0_i32_0 = arith.constant 0 : i32
    %c0_i32_1 = arith.constant 0 : i32
    return %c0_i32, %c0_i32_0 : i32, i32
  }
  func.func @transform_6(%arg0: i32) -> (i32, i32) {
    %c0_i32 = arith.constant 0 : i32
    %c0_i32_0 = arith.constant 0 : i32
    %c0_i32_1 = arith.constant 0 : i32
    return %c0_i32, %c0_i32_0 : i32, i32
  }
  func.func @transform_7(%arg0: i32) -> (i32, i32) {
    %c0_i32 = arith.constant 0 : i32
    %c0_i32_0 = arith.constant 0 : i32
    return %arg0, %c0_i32 : i32, i32
  }
  func.func @transform_8(%arg0: i32) -> (i32, i32, i32) {
    %c0_i32 = arith.constant 0 : i32
    %c0_i32_0 = arith.constant 0 : i32
    %c0_i32_1 = arith.constant 0 : i32
    return %arg0, %c0_i32, %c0_i32_0 : i32, i32, i32
  }
  func.func @transform_9(%arg0: i32) -> (i32, i32, i32) {
    %c0_i32 = arith.constant 0 : i32
    %c0_i32_0 = arith.constant 0 : i32
    %c0_i32_1 = arith.constant 0 : i32
    return %arg0, %c0_i32, %c0_i32_0 : i32, i32, i32
  }
}

module attributes {stable_mosaic.version = 14 : i64} {
  func.func @_h_body(%arg0: i32, %arg1: memref<2000x128xf32, #tpu.memory_space<vmem>>, %arg2: memref<128x128xf32, #tpu.memory_space<vmem>>, %arg3: memref<2000x128xf32, #tpu.memory_space<vmem>>) attributes {dimension_semantics = [#tpu.dimension_semantics<arbitrary>], iteration_bounds = array<i64: 5>, scalar_prefetch = 0 : i64, scratch_operands = 0 : i64, tpu.core_type = #tpu.core_type<tc>, window_params = [{transform_indices = @transform_0, window_bounds = array<i64: 2000, 128>}, {pipeline_mode = #tpu.pipeline_mode<synchronous>, transform_indices = @transform_1, window_bounds = array<i64: 128, 128>}, {transform_indices = @transform_2, window_bounds = array<i64: 2000, 128>}]} {
    %get3A = arith.constant 0 : index
    %get3A_0 = arith.constant 0 : index
    %get3A_1 = vector.load %arg1[%get3A, %get3A_0] : memref<2000x128xf32, #tpu.memory_space<vmem>>, vector<2000x128xf32>
    %get3A_2 = arith.constant 0 : index
    %get3A_3 = arith.constant 0 : index
    %get3A_4 = vector.load %arg2[%get3A_2, %get3A_3] : memref<128x128xf32, #tpu.memory_space<vmem>>, vector<128x128xf32>
    %dot_general3A = arith.constant dense<0.000000e+00> : vector<2000x128xf32>
    %dot_general3A_5 = tpu.matmul %get3A_1, %get3A_4, %dot_general3A {dimension_numbers = #tpu.dot_dimension_numbers<[1], [0], [0], [1], [0, 0, 1, 1], [], []>, precision = #tpu.contract_precision<fp32>, transpose_lhs_hint = false} : vector<2000x128xf32>, vector<128x128xf32>, vector<2000x128xf32> -> vector<2000x128xf32>
    %swap3A = arith.constant 0 : index
    %swap3A_6 = arith.constant 0 : index
    %swap3A_7 = vector.load %arg3[%swap3A, %swap3A_6] : memref<2000x128xf32, #tpu.memory_space<vmem>>, vector<2000x128xf32>
    tpu.vector_store %arg3[%swap3A, %swap3A_6], %dot_general3A_5 {strides = array<i32>} : memref<2000x128xf32, #tpu.memory_space<vmem>>, vector<2000x128xf32>,
    return
  }
  func.func @transform_0(%arg0: i32) -> (i32, i32) {
    %c0_i32 = arith.constant 0 : i32
    %c0_i32_0 = arith.constant 0 : i32
    return %arg0, %c0_i32 : i32, i32
  }
  func.func @transform_1(%arg0: i32) -> (i32, i32) {
    %c0_i32 = arith.constant 0 : i32
    %c0_i32_0 = arith.constant 0 : i32
    %c0_i32_1 = arith.constant 0 : i32
    return %c0_i32, %c0_i32_0 : i32, i32
  }
  func.func @transform_2(%arg0: i32) -> (i32, i32) {
    %c0_i32 = arith.constant 0 : i32
    %c0_i32_0 = arith.constant 0 : i32
    return %arg0, %c0_i32 : i32, i32
  }
}

module attributes {stable_mosaic.version = 14 : i64} {
  func.func @_scon_body(%arg0: i32, %arg1: memref<2000x128xf32, #tpu.memory_space<vmem>>, %arg2: memref<2000x16xf32, #tpu.memory_space<vmem>>, %arg3: memref<16x128x128xf32, #tpu.memory_space<vmem>>, %arg4: memref<2000x128xf32, #tpu.memory_space<vmem>>) attributes {dimension_semantics = [#tpu.dimension_semantics<arbitrary>], iteration_bounds = array<i64: 5>, scalar_prefetch = 0 : i64, scratch_operands = 0 : i64, tpu.core_type = #tpu.core_type<tc>, window_params = [{transform_indices = @transform_0, window_bounds = array<i64: 2000, 128>}, {transform_indices = @transform_1, window_bounds = array<i64: 2000, 16>}, {pipeline_mode = #tpu.pipeline_mode<synchronous>, transform_indices = @transform_2, window_bounds = array<i64: 16, 128, 128>}, {transform_indices = @transform_3, window_bounds = array<i64: 2000, 128>}]} {
    %get3A = arith.constant 0 : index
    %get3A_0 = arith.constant 0 : index
    %get3A_1 = vector.load %arg1[%get3A, %get3A_0] : memref<2000x128xf32, #tpu.memory_space<vmem>>, vector<2000x128xf32>
    %get3A_2 = arith.constant 0 : index
    %get3A_3 = arith.constant 0 : index
    %get3A_4 = vector.load %arg2[%get3A_2, %get3A_3] : memref<2000x16xf32, #tpu.memory_space<vmem>>, vector<2000x16xf32>
    %slice3A = vector.extract_strided_slice %get3A_4 {offsets = [0, 0], sizes = [2000, 1], strides = [1, 1]} : vector<2000x16xf32> to vector<2000x1xf32>
    %get3A_5 = arith.constant 0 : index
    %get3A_6 = arith.constant 0 : index
    %get3A_7 = arith.constant 0 : index
    %get3A_8 = vector.load %arg3[%get3A_5, %get3A_6, %get3A_7] : memref<16x128x128xf32, #tpu.memory_space<vmem>>, vector<1x128x128xf32>
    %get3A_9 = vector.shape_cast %get3A_8 : vector<1x128x128xf32> to vector<128x128xf32>
    %dot_general3A = arith.constant dense<0.000000e+00> : vector<2000x128xf32>
    %dot_general3A_10 = tpu.matmul %get3A_1, %get3A_9, %dot_general3A {dimension_numbers = #tpu.dot_dimension_numbers<[1], [0], [0], [1], [0, 0, 1, 1], [], []>, transpose_lhs_hint = false} : vector<2000x128xf32>, vector<128x128xf32>, vector<2000x128xf32> -> vector<2000x128xf32>
    %mul3A = vector.broadcast %slice3A : vector<2000x1xf32> to vector<2000x128xf32>
    %mul3A_11 = arith.mulf %mul3A, %dot_general3A_10 : vector<2000x128xf32>
    %slice3A_12 = vector.extract_strided_slice %get3A_4 {offsets = [0, 1], sizes = [2000, 1], strides = [1, 1]} : vector<2000x16xf32> to vector<2000x1xf32>
    %get3A_13 = arith.constant 1 : index
    %get3A_14 = arith.constant 0 : index
    %get3A_15 = arith.constant 0 : index
    %get3A_16 = vector.load %arg3[%get3A_13, %get3A_14, %get3A_15] : memref<16x128x128xf32, #tpu.memory_space<vmem>>, vector<1x128x128xf32>
    %get3A_17 = vector.shape_cast %get3A_16 : vector<1x128x128xf32> to vector<128x128xf32>
    %dot_general3A_18 = arith.constant dense<0.000000e+00> : vector<2000x128xf32>
    %dot_general3A_19 = tpu.matmul %get3A_1, %get3A_17, %dot_general3A_18 {dimension_numbers = #tpu.dot_dimension_numbers<[1], [0], [0], [1], [0, 0, 1, 1], [], []>, transpose_lhs_hint = false} : vector<2000x128xf32>, vector<128x128xf32>, vector<2000x128xf32> -> vector<2000x128xf32>
    %mul3A_20 = vector.broadcast %slice3A_12 : vector<2000x1xf32> to vector<2000x128xf32>
    %mul3A_21 = arith.mulf %mul3A_20, %dot_general3A_19 : vector<2000x128xf32>
    %add3A = arith.addf %mul3A_11, %mul3A_21 : vector<2000x128xf32>
    %slice3A_22 = vector.extract_strided_slice %get3A_4 {offsets = [0, 2], sizes = [2000, 1], strides = [1, 1]} : vector<2000x16xf32> to vector<2000x1xf32>
    %get3A_23 = arith.constant 2 : index
    %get3A_24 = arith.constant 0 : index
    %get3A_25 = arith.constant 0 : index
    %get3A_26 = vector.load %arg3[%get3A_23, %get3A_24, %get3A_25] : memref<16x128x128xf32, #tpu.memory_space<vmem>>, vector<1x128x128xf32>
    %get3A_27 = vector.shape_cast %get3A_26 : vector<1x128x128xf32> to vector<128x128xf32>
    %dot_general3A_28 = arith.constant dense<0.000000e+00> : vector<2000x128xf32>
    %dot_general3A_29 = tpu.matmul %get3A_1, %get3A_27, %dot_general3A_28 {dimension_numbers = #tpu.dot_dimension_numbers<[1], [0], [0], [1], [0, 0, 1, 1], [], []>, transpose_lhs_hint = false} : vector<2000x128xf32>, vector<128x128xf32>, vector<2000x128xf32> -> vector<2000x128xf32>
    %mul3A_30 = vector.broadcast %slice3A_22 : vector<2000x1xf32> to vector<2000x128xf32>
    %mul3A_31 = arith.mulf %mul3A_30, %dot_general3A_29 : vector<2000x128xf32>
    %add3A_32 = arith.addf %add3A, %mul3A_31 : vector<2000x128xf32>
    %slice3A_33 = vector.extract_strided_slice %get3A_4 {offsets = [0, 3], sizes = [2000, 1], strides = [1, 1]} : vector<2000x16xf32> to vector<2000x1xf32>
    %get3A_34 = arith.constant 3 : index
    %get3A_35 = arith.constant 0 : index
    %get3A_36 = arith.constant 0 : index
    %get3A_37 = vector.load %arg3[%get3A_34, %get3A_35, %get3A_36] : memref<16x128x128xf32, #tpu.memory_space<vmem>>, vector<1x128x128xf32>
    %get3A_38 = vector.shape_cast %get3A_37 : vector<1x128x128xf32> to vector<128x128xf32>
    %dot_general3A_39 = arith.constant dense<0.000000e+00> : vector<2000x128xf32>
    %dot_general3A_40 = tpu.matmul %get3A_1, %get3A_38, %dot_general3A_39 {dimension_numbers = #tpu.dot_dimension_numbers<[1], [0], [0], [1], [0, 0, 1, 1], [], []>, transpose_lhs_hint = false} : vector<2000x128xf32>, vector<128x128xf32>, vector<2000x128xf32> -> vector<2000x128xf32>
    %mul3A_41 = vector.broadcast %slice3A_33 : vector<2000x1xf32> to vector<2000x128xf32>
    %mul3A_42 = arith.mulf %mul3A_41, %dot_general3A_40 : vector<2000x128xf32>
    %add3A_43 = arith.addf %add3A_32, %mul3A_42 : vector<2000x128xf32>
    %slice3A_44 = vector.extract_strided_slice %get3A_4 {offsets = [0, 4], sizes = [2000, 1], strides = [1, 1]} : vector<2000x16xf32> to vector<2000x1xf32>
    %get3A_45 = arith.constant 4 : index
    %get3A_46 = arith.constant 0 : index
    %get3A_47 = arith.constant 0 : index
    %get3A_48 = vector.load %arg3[%get3A_45, %get3A_46, %get3A_47] : memref<16x128x128xf32, #tpu.memory_space<vmem>>, vector<1x128x128xf32>
    %get3A_49 = vector.shape_cast %get3A_48 : vector<1x128x128xf32> to vector<128x128xf32>
    %dot_general3A_50 = arith.constant dense<0.000000e+00> : vector<2000x128xf32>
    %dot_general3A_51 = tpu.matmul %get3A_1, %get3A_49, %dot_general3A_50 {dimension_numbers = #tpu.dot_dimension_numbers<[1], [0], [0], [1], [0, 0, 1, 1], [], []>, transpose_lhs_hint = false} : vector<2000x128xf32>, vector<128x128xf32>, vector<2000x128xf32> -> vector<2000x128xf32>
    %mul3A_52 = vector.broadcast %slice3A_44 : vector<2000x1xf32> to vector<2000x128xf32>
    %mul3A_53 = arith.mulf %mul3A_52, %dot_general3A_51 : vector<2000x128xf32>
    %add3A_54 = arith.addf %add3A_43, %mul3A_53 : vector<2000x128xf32>
    %slice3A_55 = vector.extract_strided_slice %get3A_4 {offsets = [0, 5], sizes = [2000, 1], strides = [1, 1]} : vector<2000x16xf32> to vector<2000x1xf32>
    %get3A_56 = arith.constant 5 : index
    %get3A_57 = arith.constant 0 : index
    %get3A_58 = arith.constant 0 : index
    %get3A_59 = vector.load %arg3[%get3A_56, %get3A_57, %get3A_58] : memref<16x128x128xf32, #tpu.memory_space<vmem>>, vector<1x128x128xf32>
    %get3A_60 = vector.shape_cast %get3A_59 : vector<1x128x128xf32> to vector<128x128xf32>
    %dot_general3A_61 = arith.constant dense<0.000000e+00> : vector<2000x128xf32>
    %dot_general3A_62 = tpu.matmul %get3A_1, %get3A_60, %dot_general3A_61 {dimension_numbers = #tpu.dot_dimension_numbers<[1], [0], [0], [1], [0, 0, 1, 1], [], []>, transpose_lhs_hint = false} : vector<2000x128xf32>, vector<128x128xf32>, vector<2000x128xf32> -> vector<2000x128xf32>
    %mul3A_63 = vector.broadcast %slice3A_55 : vector<2000x1xf32> to vector<2000x128xf32>
    %mul3A_64 = arith.mulf %mul3A_63, %dot_general3A_62 : vector<2000x128xf32>
    %add3A_65 = arith.addf %add3A_54, %mul3A_64 : vector<2000x128xf32>
    %slice3A_66 = vector.extract_strided_slice %get3A_4 {offsets = [0, 6], sizes = [2000, 1], strides = [1, 1]} : vector<2000x16xf32> to vector<2000x1xf32>
    %get3A_67 = arith.constant 6 : index
    %get3A_68 = arith.constant 0 : index
    %get3A_69 = arith.constant 0 : index
    %get3A_70 = vector.load %arg3[%get3A_67, %get3A_68, %get3A_69] : memref<16x128x128xf32, #tpu.memory_space<vmem>>, vector<1x128x128xf32>
    %get3A_71 = vector.shape_cast %get3A_70 : vector<1x128x128xf32> to vector<128x128xf32>
    %dot_general3A_72 = arith.constant dense<0.000000e+00> : vector<2000x128xf32>
    %dot_general3A_73 = tpu.matmul %get3A_1, %get3A_71, %dot_general3A_72 {dimension_numbers = #tpu.dot_dimension_numbers<[1], [0], [0], [1], [0, 0, 1, 1], [], []>, transpose_lhs_hint = false} : vector<2000x128xf32>, vector<128x128xf32>, vector<2000x128xf32> -> vector<2000x128xf32>
    %mul3A_74 = vector.broadcast %slice3A_66 : vector<2000x1xf32> to vector<2000x128xf32>
    %mul3A_75 = arith.mulf %mul3A_74, %dot_general3A_73 : vector<2000x128xf32>
    %add3A_76 = arith.addf %add3A_65, %mul3A_75 : vector<2000x128xf32>
    %slice3A_77 = vector.extract_strided_slice %get3A_4 {offsets = [0, 7], sizes = [2000, 1], strides = [1, 1]} : vector<2000x16xf32> to vector<2000x1xf32>
    %get3A_78 = arith.constant 7 : index
    %get3A_79 = arith.constant 0 : index
    %get3A_80 = arith.constant 0 : index
    %get3A_81 = vector.load %arg3[%get3A_78, %get3A_79, %get3A_80] : memref<16x128x128xf32, #tpu.memory_space<vmem>>, vector<1x128x128xf32>
    %get3A_82 = vector.shape_cast %get3A_81 : vector<1x128x128xf32> to vector<128x128xf32>
    %dot_general3A_83 = arith.constant dense<0.000000e+00> : vector<2000x128xf32>
    %dot_general3A_84 = tpu.matmul %get3A_1, %get3A_82, %dot_general3A_83 {dimension_numbers = #tpu.dot_dimension_numbers<[1], [0], [0], [1], [0, 0, 1, 1], [], []>, transpose_lhs_hint = false} : vector<2000x128xf32>, vector<128x128xf32>, vector<2000x128xf32> -> vector<2000x128xf32>
    %mul3A_85 = vector.broadcast %slice3A_77 : vector<2000x1xf32> to vector<2000x128xf32>
    %mul3A_86 = arith.mulf %mul3A_85, %dot_general3A_84 : vector<2000x128xf32>
    %add3A_87 = arith.addf %add3A_76, %mul3A_86 : vector<2000x128xf32>
    %slice3A_88 = vector.extract_strided_slice %get3A_4 {offsets = [0, 8], sizes = [2000, 1], strides = [1, 1]} : vector<2000x16xf32> to vector<2000x1xf32>
    %get3A_89 = arith.constant 8 : index
    %get3A_90 = arith.constant 0 : index
    %get3A_91 = arith.constant 0 : index
    %get3A_92 = vector.load %arg3[%get3A_89, %get3A_90, %get3A_91] : memref<16x128x128xf32, #tpu.memory_space<vmem>>, vector<1x128x128xf32>
    %get3A_93 = vector.shape_cast %get3A_92 : vector<1x128x128xf32> to vector<128x128xf32>
    %dot_general3A_94 = arith.constant dense<0.000000e+00> : vector<2000x128xf32>
    %dot_general3A_95 = tpu.matmul %get3A_1, %get3A_93, %dot_general3A_94 {dimension_numbers = #tpu.dot_dimension_numbers<[1], [0], [0], [1], [0, 0, 1, 1], [], []>, transpose_lhs_hint = false} : vector<2000x128xf32>, vector<128x128xf32>, vector<2000x128xf32> -> vector<2000x128xf32>
    %mul3A_96 = vector.broadcast %slice3A_88 : vector<2000x1xf32> to vector<2000x128xf32>
    %mul3A_97 = arith.mulf %mul3A_96, %dot_general3A_95 : vector<2000x128xf32>
    %add3A_98 = arith.addf %add3A_87, %mul3A_97 : vector<2000x128xf32>
    %slice3A_99 = vector.extract_strided_slice %get3A_4 {offsets = [0, 9], sizes = [2000, 1], strides = [1, 1]} : vector<2000x16xf32> to vector<2000x1xf32>
    %get3A_100 = arith.constant 9 : index
    %get3A_101 = arith.constant 0 : index
    %get3A_102 = arith.constant 0 : index
    %get3A_103 = vector.load %arg3[%get3A_100, %get3A_101, %get3A_102] : memref<16x128x128xf32, #tpu.memory_space<vmem>>, vector<1x128x128xf32>
    %get3A_104 = vector.shape_cast %get3A_103 : vector<1x128x128xf32> to vector<128x128xf32>
    %dot_general3A_105 = arith.constant dense<0.000000e+00> : vector<2000x128xf32>
    %dot_general3A_106 = tpu.matmul %get3A_1, %get3A_104, %dot_general3A_105 {dimension_numbers = #tpu.dot_dimension_numbers<[1], [0], [0], [1], [0, 0, 1, 1], [], []>, transpose_lhs_hint = false} : vector<2000x128xf32>, vector<128x128xf32>, vector<2000x128xf32> -> vector<2000x128xf32>
    %mul3A_107 = vector.broadcast %slice3A_99 : vector<2000x1xf32> to vector<2000x128xf32>
    %mul3A_108 = arith.mulf %mul3A_107, %dot_general3A_106 : vector<2000x128xf32>
    %add3A_109 = arith.addf %add3A_98, %mul3A_108 : vector<2000x128xf32>
    %slice3A_110 = vector.extract_strided_slice %get3A_4 {offsets = [0, 10], sizes = [2000, 1], strides = [1, 1]} : vector<2000x16xf32> to vector<2000x1xf32>
    %get3A_111 = arith.constant 10 : index
    %get3A_112 = arith.constant 0 : index
    %get3A_113 = arith.constant 0 : index
    %get3A_114 = vector.load %arg3[%get3A_111, %get3A_112, %get3A_113] : memref<16x128x128xf32, #tpu.memory_space<vmem>>, vector<1x128x128xf32>
    %get3A_115 = vector.shape_cast %get3A_114 : vector<1x128x128xf32> to vector<128x128xf32>
    %dot_general3A_116 = arith.constant dense<0.000000e+00> : vector<2000x128xf32>
    %dot_general3A_117 = tpu.matmul %get3A_1, %get3A_115, %dot_general3A_116 {dimension_numbers = #tpu.dot_dimension_numbers<[1], [0], [0], [1], [0, 0, 1, 1], [], []>, transpose_lhs_hint = false} : vector<2000x128xf32>, vector<128x128xf32>, vector<2000x128xf32> -> vector<2000x128xf32>
    %mul3A_118 = vector.broadcast %slice3A_110 : vector<2000x1xf32> to vector<2000x128xf32>
    %mul3A_119 = arith.mulf %mul3A_118, %dot_general3A_117 : vector<2000x128xf32>
    %add3A_120 = arith.addf %add3A_109, %mul3A_119 : vector<2000x128xf32>
    %slice3A_121 = vector.extract_strided_slice %get3A_4 {offsets = [0, 11], sizes = [2000, 1], strides = [1, 1]} : vector<2000x16xf32> to vector<2000x1xf32>
    %get3A_122 = arith.constant 11 : index
    %get3A_123 = arith.constant 0 : index
    %get3A_124 = arith.constant 0 : index
    %get3A_125 = vector.load %arg3[%get3A_122, %get3A_123, %get3A_124] : memref<16x128x128xf32, #tpu.memory_space<vmem>>, vector<1x128x128xf32>
    %get3A_126 = vector.shape_cast %get3A_125 : vector<1x128x128xf32> to vector<128x128xf32>
    %dot_general3A_127 = arith.constant dense<0.000000e+00> : vector<2000x128xf32>
    %dot_general3A_128 = tpu.matmul %get3A_1, %get3A_126, %dot_general3A_127 {dimension_numbers = #tpu.dot_dimension_numbers<[1], [0], [0], [1], [0, 0, 1, 1], [], []>, transpose_lhs_hint = false} : vector<2000x128xf32>, vector<128x128xf32>, vector<2000x128xf32> -> vector<2000x128xf32>
    %mul3A_129 = vector.broadcast %slice3A_121 : vector<2000x1xf32> to vector<2000x128xf32>
    %mul3A_130 = arith.mulf %mul3A_129, %dot_general3A_128 : vector<2000x128xf32>
    %add3A_131 = arith.addf %add3A_120, %mul3A_130 : vector<2000x128xf32>
    %slice3A_132 = vector.extract_strided_slice %get3A_4 {offsets = [0, 12], sizes = [2000, 1], strides = [1, 1]} : vector<2000x16xf32> to vector<2000x1xf32>
    %get3A_133 = arith.constant 12 : index
    %get3A_134 = arith.constant 0 : index
    %get3A_135 = arith.constant 0 : index
    %get3A_136 = vector.load %arg3[%get3A_133, %get3A_134, %get3A_135] : memref<16x128x128xf32, #tpu.memory_space<vmem>>, vector<1x128x128xf32>
    %get3A_137 = vector.shape_cast %get3A_136 : vector<1x128x128xf32> to vector<128x128xf32>
    %dot_general3A_138 = arith.constant dense<0.000000e+00> : vector<2000x128xf32>
    %dot_general3A_139 = tpu.matmul %get3A_1, %get3A_137, %dot_general3A_138 {dimension_numbers = #tpu.dot_dimension_numbers<[1], [0], [0], [1], [0, 0, 1, 1], [], []>, transpose_lhs_hint = false} : vector<2000x128xf32>, vector<128x128xf32>, vector<2000x128xf32> -> vector<2000x128xf32>
    %mul3A_140 = vector.broadcast %slice3A_132 : vector<2000x1xf32> to vector<2000x128xf32>
    %mul3A_141 = arith.mulf %mul3A_140, %dot_general3A_139 : vector<2000x128xf32>
    %add3A_142 = arith.addf %add3A_131, %mul3A_141 : vector<2000x128xf32>
    %slice3A_143 = vector.extract_strided_slice %get3A_4 {offsets = [0, 13], sizes = [2000, 1], strides = [1, 1]} : vector<2000x16xf32> to vector<2000x1xf32>
    %get3A_144 = arith.constant 13 : index
    %get3A_145 = arith.constant 0 : index
    %get3A_146 = arith.constant 0 : index
    %get3A_147 = vector.load %arg3[%get3A_144, %get3A_145, %get3A_146] : memref<16x128x128xf32, #tpu.memory_space<vmem>>, vector<1x128x128xf32>
    %get3A_148 = vector.shape_cast %get3A_147 : vector<1x128x128xf32> to vector<128x128xf32>
    %dot_general3A_149 = arith.constant dense<0.000000e+00> : vector<2000x128xf32>
    %dot_general3A_150 = tpu.matmul %get3A_1, %get3A_148, %dot_general3A_149 {dimension_numbers = #tpu.dot_dimension_numbers<[1], [0], [0], [1], [0, 0, 1, 1], [], []>, transpose_lhs_hint = false} : vector<2000x128xf32>, vector<128x128xf32>, vector<2000x128xf32> -> vector<2000x128xf32>
    %mul3A_151 = vector.broadcast %slice3A_143 : vector<2000x1xf32> to vector<2000x128xf32>
    %mul3A_152 = arith.mulf %mul3A_151, %dot_general3A_150 : vector<2000x128xf32>
    %add3A_153 = arith.addf %add3A_142, %mul3A_152 : vector<2000x128xf32>
    %slice3A_154 = vector.extract_strided_slice %get3A_4 {offsets = [0, 14], sizes = [2000, 1], strides = [1, 1]} : vector<2000x16xf32> to vector<2000x1xf32>
    %get3A_155 = arith.constant 14 : index
    %get3A_156 = arith.constant 0 : index
    %get3A_157 = arith.constant 0 : index
    %get3A_158 = vector.load %arg3[%get3A_155, %get3A_156, %get3A_157] : memref<16x128x128xf32, #tpu.memory_space<vmem>>, vector<1x128x128xf32>
    %get3A_159 = vector.shape_cast %get3A_158 : vector<1x128x128xf32> to vector<128x128xf32>
    %dot_general3A_160 = arith.constant dense<0.000000e+00> : vector<2000x128xf32>
    %dot_general3A_161 = tpu.matmul %get3A_1, %get3A_159, %dot_general3A_160 {dimension_numbers = #tpu.dot_dimension_numbers<[1], [0], [0], [1], [0, 0, 1, 1], [], []>, transpose_lhs_hint = false} : vector<2000x128xf32>, vector<128x128xf32>, vector<2000x128xf32> -> vector<2000x128xf32>
    %mul3A_162 = vector.broadcast %slice3A_154 : vector<2000x1xf32> to vector<2000x128xf32>
    %mul3A_163 = arith.mulf %mul3A_162, %dot_general3A_161 : vector<2000x128xf32>
    %add3A_164 = arith.addf %add3A_153, %mul3A_163 : vector<2000x128xf32>
    %slice3A_165 = vector.extract_strided_slice %get3A_4 {offsets = [0, 15], sizes = [2000, 1], strides = [1, 1]} : vector<2000x16xf32> to vector<2000x1xf32>
    %get3A_166 = arith.constant 15 : index
    %get3A_167 = arith.constant 0 : index
    %get3A_168 = arith.constant 0 : index
    %get3A_169 = vector.load %arg3[%get3A_166, %get3A_167, %get3A_168] : memref<16x128x128xf32, #tpu.memory_space<vmem>>, vector<1x128x128xf32>
    %get3A_170 = vector.shape_cast %get3A_169 : vector<1x128x128xf32> to vector<128x128xf32>
    %dot_general3A_171 = arith.constant dense<0.000000e+00> : vector<2000x128xf32>
    %dot_general3A_172 = tpu.matmul %get3A_1, %get3A_170, %dot_general3A_171 {dimension_numbers = #tpu.dot_dimension_numbers<[1], [0], [0], [1], [0, 0, 1, 1], [], []>, transpose_lhs_hint = false} : vector<2000x128xf32>, vector<128x128xf32>, vector<2000x128xf32> -> vector<2000x128xf32>
    %mul3A_173 = vector.broadcast %slice3A_165 : vector<2000x1xf32> to vector<2000x128xf32>
    %mul3A_174 = arith.mulf %mul3A_173, %dot_general3A_172 : vector<2000x128xf32>
    %add3A_175 = arith.addf %add3A_164, %mul3A_174 : vector<2000x128xf32>
    %swap3A = arith.constant 0 : index
    %swap3A_176 = arith.constant 0 : index
    %swap3A_177 = vector.load %arg4[%swap3A, %swap3A_176] : memref<2000x128xf32, #tpu.memory_space<vmem>>, vector<2000x128xf32>
    tpu.vector_store %arg4[%swap3A, %swap3A_176], %add3A_175 {strides = array<i32>} : memref<2000x128xf32, #tpu.memory_space<vmem>>, vector<2000x128xf32>,
    return
  }
  func.func @transform_0(%arg0: i32) -> (i32, i32) {
    %c0_i32 = arith.constant 0 : i32
    %c0_i32_0 = arith.constant 0 : i32
    return %arg0, %c0_i32 : i32, i32
  }
  func.func @transform_1(%arg0: i32) -> (i32, i32) {
    %c0_i32 = arith.constant 0 : i32
    %c0_i32_0 = arith.constant 0 : i32
    return %arg0, %c0_i32 : i32, i32
  }
  func.func @transform_2(%arg0: i32) -> (i32, i32, i32) {
    %c0_i32 = arith.constant 0 : i32
    %c0_i32_0 = arith.constant 0 : i32
    %c0_i32_1 = arith.constant 0 : i32
    %c0_i32_2 = arith.constant 0 : i32
    return %c0_i32, %c0_i32_0, %c0_i32_1 : i32, i32, i32
  }
  func.func @transform_3(%arg0: i32) -> (i32, i32) {
    %c0_i32 = arith.constant 0 : i32
    %c0_i32_0 = arith.constant 0 : i32
    return %arg0, %c0_i32 : i32, i32
  }
}

module attributes {stable_mosaic.version = 14 : i64} {
  func.func @_fin_body(%arg0: i32, %arg1: memref<2000x128xf32, #tpu.memory_space<vmem>>, %arg2: memref<2000x128xf32, #tpu.memory_space<vmem>>, %arg3: memref<2000x128xf32, #tpu.memory_space<vmem>>, %arg4: memref<2000x128xf32, #tpu.memory_space<vmem>>, %arg5: memref<128x128xf32, #tpu.memory_space<vmem>>, %arg6: memref<2000x128xf32, #tpu.memory_space<vmem>>) attributes {dimension_semantics = [#tpu.dimension_semantics<arbitrary>], iteration_bounds = array<i64: 5>, scalar_prefetch = 0 : i64, scratch_operands = 0 : i64, tpu.core_type = #tpu.core_type<tc>, window_params = [{transform_indices = @transform_0, window_bounds = array<i64: 2000, 128>}, {transform_indices = @transform_1, window_bounds = array<i64: 2000, 128>}, {transform_indices = @transform_2, window_bounds = array<i64: 2000, 128>}, {transform_indices = @transform_3, window_bounds = array<i64: 2000, 128>}, {pipeline_mode = #tpu.pipeline_mode<synchronous>, transform_indices = @transform_4, window_bounds = array<i64: 128, 128>}, {transform_indices = @transform_5, window_bounds = array<i64: 2000, 128>}]} {
    %get3A = arith.constant 0 : index
    %get3A_0 = arith.constant 0 : index
    %get3A_1 = vector.load %arg1[%get3A, %get3A_0] : memref<2000x128xf32, #tpu.memory_space<vmem>>, vector<2000x128xf32>
    %get3A_2 = arith.constant 0 : index
    %get3A_3 = arith.constant 0 : index
    %get3A_4 = vector.load %arg2[%get3A_2, %get3A_3] : memref<2000x128xf32, #tpu.memory_space<vmem>>, vector<2000x128xf32>
    %add3A = arith.addf %get3A_1, %get3A_4 : vector<2000x128xf32>
    %get3A_5 = arith.constant 0 : index
    %get3A_6 = arith.constant 0 : index
    %get3A_7 = vector.load %arg5[%get3A_5, %get3A_6] : memref<128x128xf32, #tpu.memory_space<vmem>>, vector<128x128xf32>
    %dot_general3A = arith.constant dense<0.000000e+00> : vector<2000x128xf32>
    %dot_general3A_8 = tpu.matmul %add3A, %get3A_7, %dot_general3A {dimension_numbers = #tpu.dot_dimension_numbers<[1], [0], [0], [1], [0, 0, 1, 1], [], []>, precision = #tpu.contract_precision<fp32>, transpose_lhs_hint = false} : vector<2000x128xf32>, vector<128x128xf32>, vector<2000x128xf32> -> vector<2000x128xf32>
    %get3A_9 = arith.constant 0 : index
    %get3A_10 = arith.constant 0 : index
    %get3A_11 = vector.load %arg3[%get3A_9, %get3A_10] : memref<2000x128xf32, #tpu.memory_space<vmem>>, vector<2000x128xf32>
    %add3A_12 = arith.addf %dot_general3A_8, %get3A_11 : vector<2000x128xf32>
    %max3A = arith.constant 0.000000e+00 : f32
    %max3A_13 = vector.broadcast %max3A : f32 to vector<2000x128xf32>
    %max3A_14 = arith.maximumf %add3A_12, %max3A_13 : vector<2000x128xf32>
    %abs3A = math.absf %add3A_12 : vector<2000x128xf32>
    %neg3A = arith.constant 0.000000e+00 : f32
    %neg3A_15 = vector.broadcast %neg3A : f32 to vector<2000x128xf32>
    %neg3A_16 = arith.subf %neg3A_15, %abs3A : vector<2000x128xf32>
    %exp3A = math.exp %neg3A_16 : vector<2000x128xf32>
    %add3A_17 = arith.constant 1.000000e+00 : f32
    %add3A_18 = vector.broadcast %add3A_17 : f32 to vector<2000x128xf32>
    %add3A_19 = arith.addf %add3A_18, %exp3A : vector<2000x128xf32>
    %log3A = math.log %add3A_19 : vector<2000x128xf32>
    %add3A_20 = arith.addf %max3A_14, %log3A : vector<2000x128xf32>
    %sub3A = arith.constant 0.693147182 : f32
    %sub3A_21 = vector.broadcast %sub3A : f32 to vector<2000x128xf32>
    %sub3A_22 = arith.subf %add3A_20, %sub3A_21 : vector<2000x128xf32>
    %get3A_23 = arith.constant 0 : index
    %get3A_24 = arith.constant 0 : index
    %get3A_25 = vector.load %arg4[%get3A_23, %get3A_24] : memref<2000x128xf32, #tpu.memory_space<vmem>>, vector<2000x128xf32>
    %add3A_26 = arith.addf %sub3A_22, %get3A_25 : vector<2000x128xf32>
    %swap3A = arith.constant 0 : index
    %swap3A_27 = arith.constant 0 : index
    %swap3A_28 = vector.load %arg6[%swap3A, %swap3A_27] : memref<2000x128xf32, #tpu.memory_space<vmem>>, vector<2000x128xf32>
    tpu.vector_store %arg6[%swap3A, %swap3A_27], %add3A_26 {strides = array<i32>} : memref<2000x128xf32, #tpu.memory_space<vmem>>, vector<2000x128xf32>,
    return
  }
  func.func @transform_0(%arg0: i32) -> (i32, i32) {
    %c0_i32 = arith.constant 0 : i32
    %c0_i32_0 = arith.constant 0 : i32
    return %arg0, %c0_i32 : i32, i32
  }
  func.func @transform_1(%arg0: i32) -> (i32, i32) {
    %c0_i32 = arith.constant 0 : i32
    %c0_i32_0 = arith.constant 0 : i32
    return %arg0, %c0_i32 : i32, i32
  }
  func.func @transform_2(%arg0: i32) -> (i32, i32) {
    %c0_i32 = arith.constant 0 : i32
    %c0_i32_0 = arith.constant 0 : i32
    return %arg0, %c0_i32 : i32, i32
  }
  func.func @transform_3(%arg0: i32) -> (i32, i32) {
    %c0_i32 = arith.constant 0 : i32
    %c0_i32_0 = arith.constant 0 : i32
    return %arg0, %c0_i32 : i32, i32
  }
  func.func @transform_4(%arg0: i32) -> (i32, i32) {
    %c0_i32 = arith.constant 0 : i32
    %c0_i32_0 = arith.constant 0 : i32
    %c0_i32_1 = arith.constant 0 : i32
    return %c0_i32, %c0_i32_0 : i32, i32
  }
  func.func @transform_5(%arg0: i32) -> (i32, i32) {
    %c0_i32 = arith.constant 0 : i32
    %c0_i32_0 = arith.constant 0 : i32
    return %arg0, %c0_i32 : i32, i32
  }
}

</mosaic_0001>

<sc_bundles>
// kernel: kernel.7.cloned.1.call-start
scs
__scs_entry_jumppad:
0x0: {  	(pc) =	sbr.rel $0x88, $3  }
0x1: {  	(tag) =	ssettag $0x0;
	lr =	simm.s32 $0x1  }
0x2: {  	[smem:$0x3F95] =	sst lr;
	_ =	strace $0xD0000000  }
0x3: {  	_ = 	snop  }
0x4: {  	_ = 	snop  }
0x5: {  	_ = 	snop  }
0x6: {  	_ = 	snop  }
0x7: {  	_ = 	snop  }
__scs_overlays_trampoline_lowered:
0x8: {  	[smem:$0x3FA4] =	sst s0  }
0x9: {  	[smem:$0x3FA5] =	sst s1  }
0xa: {  	[smem:$0x3FA6] =	sst s2  }
0xb: {  	[smem:$0x3FA7] =	sst s3  }
0xc: {  	[smem:$0x3FA8] =	sst s4  }
0xd: {  	[smem:$0x3FA9] =	sst s5  }
0xe: {  	[smem:$0x3FAA] =	sst s6  }
0xf: {  	[smem:$0x3FAB] =	sst s7  }
0x10: {  	[smem:$0x3FAC] =	sst s8  }
0x11: {  	[smem:$0x3FAD] =	sst s9;
	s0 =	simm.s32 @!p0 $0x0  }
0x12: {  	s1 =	sld [smem:$0x3F93];
	s0 =	simm.s32 @p0 $0x1  }
0x13: {  	[smem:$0x3FAE] =	sst s0;
	s0 =	simm.s32 @!p1 $0x0  }
0x14: {  	s2 =	sld [smem:$0x3F92];
	s0 =	simm.s32 @p1 $0x1  }
0x15: {  	[smem:$0x3FAF] =	sst s0;
	s0 =	simm.s32 @!p2 $0x0  }
0x16: {  	s3 =	sld [smem:$0x3FDB];
	s0 =	simm.s32 @p2 $0x1  }
0x17: {  	s4 =	simm.s32 $0x1BF5;
	[smem:$0x3FB1] =	sst s0  }
0x18: {  	s0 =	sld [smem:$0x3F94];
	_ =	swait.ge [sflag:s4], $0x0  }
0x19: {  	s7 =	sld [smem:$0x3F95]  }
0x1a: {  	s8 =	sadd.s32 $0xFFFFE003, lr  }
0x1b: {  	s9 =	sadd.s32 $0xFFFFFEF7, lr;
	s5 =	simm.s32 $0xFFFFFFFF;
	p2 =	slt.u32 s8, $0xFFFFF086  }
0x1c: {  	p1 =	slt.u32 s9, $0xF7A;
	s5 =	simm.s32 @!p2 $0x0  }
0x1d: {  	s5 =	simm.s32 @p1 $0x1;
	p0 =	seq.s32 s7, s2  }
0x1e: {  	s7 =	smul.u32 @!p0 $0xF7A, s2;
	p2 =	seq.s32 @!p0 s5, $0x0  }
0x1f: {  	s9 =	smul.u32 $0xF7A, s1;
	s8 =	simm.s32 @!p0 $0x1BF5;
	p2 =	por !p2, p0  }
0x20: {  	[sflag:s8] =	ssyncset.s32 @!p0 $0xFFFFF086;
	s6 =	sadd.s32 @!p0 s3, s7;
	s7 =	simm.s32 @!p0 $0x108  }
0x21: {  	s3 =	sadd.s32 s3, s9;
	s6 =	sadd.s32 @!p0 $0x88, s6;
	s7 =	simm.s32 @p2 $0x1082  }
0x22: {  	[simem:s7], [sflag:s8] =	dma.local @!p0 [hbm:s6], $0xF7A  }
0x23: {  	s9 =	sor.u32 $0xD0000000, s2;
	s6 =	simm.s32 $0x108;
	_ =	swait.ge @!p0 [sflag:s8], $0x0  }
0x24: {  	s3 =	sadd.s32 $0x88, s3;
	s6 =	simm.s32 @!p1 $0x1082;
	[sflag:s4] =	ssyncset.s32 $0xFFFFF086  }
0x25: {  	[simem:s6], [sflag:s4] =	dma.local [hbm:s3], $0xF7A  }
0x26: {  	[smem:$0x3F95] =	sst s1;
	(tag) =	ssettag s2;
	_ =	strace s9  }
0x27: {  	s1 =	sld [smem:$0x3FA5]  }
0x28: {  	s2 =	sld [smem:$0x3FA6]  }
0x29: {  	s4 =	sld [smem:$0x3FA8]  }
0x2a: {  	p0 =	seq.s32 s5, $0x0;
	s5 =	sld [smem:$0x3FA9]  }
0x2b: {  	s6 =	sld [smem:$0x3FAA]  }
0x2c: {  	s7 =	sld [smem:$0x3FAB]  }
0x2d: {  	s3 =	simm.s32 $0x108;
	s8 =	sld [smem:$0x3FAC]  }
0x2e: {  	s3 =	simm.s32 @!p0 $0x1082;
	s9 =	sld [smem:$0x3FAD]  }
0x2f: {  	lr =	sadd.s32 s0, s3;
	s0 =	sld [smem:$0x3FA4]  }
0x30: {  	s3 =	sld [smem:$0x3FA7]  }
0x31: {  	[smem:$0x3FB0] =	sst s10  }
0x32: {  	s10 =	sld [smem:$0x3FAE];
	_ =	sdelay $0x3  }
0x33: {  	p0 =	seq.s32 s10, $0x1;
	s10 =	sld [smem:$0x3FB0];
	_ =	sdelay $0x3  }
0x34: {  	[smem:$0x3FB0] =	sst s10  }
0x35: {  	s10 =	sld [smem:$0x3FAF];
	_ =	sdelay $0x3  }
0x36: {  	p1 =	seq.s32 s10, $0x1;
	s10 =	sld [smem:$0x3FB0];
	_ =	sdelay $0x3  }
0x37: {  	[smem:$0x3FB0] =	sst s10  }
0x38: {  	s10 =	sld [smem:$0x3FB1]  }
0x39: {  	_ = 	snop;
	(pc) =	sbr.ind lr, $3  }
0x3a: {  	_ = 	snop  }
0x3b: {  	_ = 	snop  }
0x3c: {  	p2 =	seq.s32 s10, $0x1;
	s10 =	sld [smem:$0x3FB0]  }
0x3d: {  	_ =	shalt  }
0x3e: {  	_ =	shalt  }
0x3f: {  	_ =	shalt  }
0x40: {  	_ =	shalt  }
0x41: {  	_ =	shalt  }
0x42: {  	_ =	shalt  }
0x43: {  	_ =	shalt  }
0x44: {  	_ =	shalt  }
0x45: {  	_ =	shalt  }
0x46: {  	_ =	shalt  }
0x47: {  	_ =	shalt  }
0x48: {  	_ =	shalt  }
0x49: {  	_ =	shalt  }
0x4a: {  	_ =	shalt  }
0x4b: {  	_ =	shalt  }
0x4c: {  	_ =	shalt  }
0x4d: {  	_ =	shalt  }
0x4e: {  	_ =	shalt  }
0x4f: {  	_ =	shalt  }
0x50: {  	_ =	shalt  }
0x51: {  	_ =	shalt  }
0x52: {  	_ =	shalt  }
0x53: {  	_ =	shalt  }
0x54: {  	_ =	shalt  }
0x55: {  	_ =	shalt  }
0x56: {  	_ =	shalt  }
0x57: {  	_ =	shalt  }
0x58: {  	_ =	shalt  }
0x59: {  	_ =	shalt  }
0x5a: {  	_ =	shalt  }
0x5b: {  	_ =	shalt  }
0x5c: {  	_ =	shalt  }
0x5d: {  	_ =	shalt  }
0x5e: {  	_ =	shalt  }
0x5f: {  	_ =	shalt  }
0x60: {  	_ =	shalt  }
0x61: {  	_ =	shalt  }
0x62: {  	_ =	shalt  }
0x63: {  	_ =	shalt  }
0x64: {  	_ =	shalt  }
0x65: {  	_ =	shalt  }
0x66: {  	_ =	shalt  }
0x67: {  	_ =	shalt  }
0x68: {  	_ =	shalt  }
0x69: {  	_ =	shalt  }
0x6a: {  	_ =	shalt  }
0x6b: {  	_ =	shalt  }
0x6c: {  	_ =	shalt  }
0x6d: {  	_ =	shalt  }
0x6e: {  	_ =	shalt  }
0x6f: {  	_ =	shalt  }
0x70: {  	_ =	shalt  }
0x71: {  	_ =	shalt  }
0x72: {  	_ =	shalt  }
0x73: {  	_ =	shalt  }
0x74: {  	_ =	shalt  }
0x75: {  	_ =	shalt  }
0x76: {  	_ =	shalt  }
0x77: {  	_ =	shalt  }
0x78: {  	_ =	shalt  }
0x79: {  	_ =	shalt  }
0x7a: {  	_ =	shalt  }
0x7b: {  	_ =	shalt  }
0x7c: {  	_ =	shalt  }
0x7d: {  	_ =	shalt  }
0x7e: {  	_ =	shalt  }
0x7f: {  	_ =	shalt  }
0x80: {  	_ =	shalt  }
0x81: {  	_ =	shalt  }
0x82: {  	_ =	shalt  }
0x83: {  	_ =	shalt  }
0x84: {  	_ =	shalt  }
0x85: {  	_ =	shalt  }
0x86: {  	_ =	shalt  }
0x87: {  	_ =	shalt  }
.Lfunc_end0:
.L_simem_size_0:
called_computation_lowered:
.L_overlay_start_0:
0x88: {  	s2 =	sld [smem:$0x3FD9]  }
0x89: {  	s3 =	sld [smem:$0x3FFE];
	_ =	sdelay $0x1  }
0x8a: {  	s1 =	srdreg.scid  }
0x8b: {  	s0 =	sand.u32 $0x1, s1  }
0x8c: {  	s17 =	sshll.u32 s0, $0xA;
	s2 =	sadd.s32 s3, s2  }
0x8d: {  	s2 =	sadd.s32 s2, s17  }
0x8e: {  	[smem:$0x3FBC] =	sst s2  }
0x8f: {  	_ = 	snop  }
0x90: {  	s2 =	sld [smem:$0x3FD0];
	(tm) =	ssettm $0x1  }
0x91: {  	s18 =	sld [smem:$0x3FFB];
	_ =	sdelay $0x3  }
0x92: {  	_ =	strace s18  }
0x93: {  	s3 =	sld [smem:$0x3FFC];
	_ =	sdelay $0x3  }
0x94: {  	_ =	strace s3  }
0x95: {  	s3 =	sld [smem:$0x3FFD];
	_ =	sdelay $0x3  }
0x96: {  	_ =	strace s3  }
0x97: {  	_ =	strace $0x8FFFFFFF  }
0x98: {  	s19 =	sld [smem:$0x3FDB];
	_ =	sdelay $0x1  }
0x99: {  	s4 =	simm.s32 $_scs_section_size  }
0x9a: {  	s5 =	simm.s32 $_size__tile_overlayer_lowered;
	s6 =	simm.s32 $_tile_overlayer_lowered  }
0x9b: {  	s22 =	simm.s32 $0x1BFF;
	s21 =	sshll.u32 s6, $0x1;
	s3 =	sadd.s32 s4, s19  }
0x9c: {  	s7 =	simm.s32 $0x0;
	s20 =	sshll.u32 s5, $0x1;
	s5 =	sadd.s32 s21, s3  }
0x9d: {  	[timem:s7], [sflag:s22] =	dma.local [hbm:s5], s20  }
0x9e: {  	_ =	swait.ge [sflag:s22], s20  }
0x9f: {  	s4 =	ssub.s32 $0x0, s20;
	[sflag:s22] =	ssyncset.done $0x0  }
0xa0: {  	[sflag:s22] =	ssyncadd.s32 s4;
	_ =	sdelay $0x1  }
0xa1: {  	s23 =	simm.s32 $0x1B8B  }
0xa2: {  	_ =	swait.ge [sflag:s23], $0x1  }
0xa3: {  	[sflag:s23] =	ssyncset.done $0x0  }
0xa4: {  	s25 =	simm.s32 $0x1B8E;
	s24 =	sld [smem:$0x3FFE];
	[sflag:s23] =	ssyncadd.s32 $0xFFFFFFFF  }
0xa5: {  	s26 =	simm.s32 $execute0_lowered;
	[smem:$0x3FD2] =	sst s25  }
0xa6: {  	s5 =	sshll.u32 s26, $0x1;
	_ =	strace $0x80000046;
	[dreg:$0x1] =	wrdreg $0xFFFFFFFF  }
0xa7: {  	s28 =	simm.s32 $_size_execute0_lowered;
	s3 =	sadd.s32 s3, s5;
	[dreg:$0x0] =	wrdreg $0x0  }
0xa8: {  	s5 =	sshll.u32 s28, $0x1;
	[dreg:$0x2] =	wrdreg s3  }
0xa9: {  	[dreg:$0x3] =	wrdreg s5  }
0xaa: {  	[dreg:$0x4] =	wrdreg $0xC0  }
0xab: {  	_ =	task [dreg:s7], $0x5FFFF  }
0xac: {  	[dreg:$0x1] =	wrdreg $0xFFFFFFFF  }
0xad: {  	[dreg:$0x0] =	wrdreg $0x60  }
0xae: {  	[dreg:$0x2] =	wrdreg s2  }
0xaf: {  	[dreg:$0x3] =	wrdreg s24  }
0xb0: {  	[dreg:$0x4] =	wrdreg $0xB8000  }
0xb1: {  	[dreg:$0x5] =	wrdreg $0x9  }
0xb2: {  	_ =	task.clear_ibuf [dreg:s7], $0x6FFFF;
	_ =	strace $0x90000046  }
0xb3: {  	s29 =	simm.s32 $0x9;
	_ =	strace $0x80000048  }
0xb4: {  	_ =	swait.ge [sflag:s29], $0x1  }
0xb5: {  	[sflag:s29] =	ssyncadd.s32 $0xFFFFFFFF  }
0xb6: {  	_ =	strace $0x90000048  }
0xb7: {  	_ =	sfence  }
0xb8: {  	s30 =	sld [smem:$0x0];
	_ =	sdelay $0x2  }
0xb9: {  	s31 =	sshll.u32 s1, $0xD;
	s1 =	sshrl.u32 s1, $0x2  }
0xba: {  	s3 =	sand.u32 $0x4000, s31;
	s1 =	sadd.s32 s1, s30  }
0xbb: {  	s0 =	sor.u32 s3, s0;
	s1 =	sshll.u32 s1, $0x11  }
0xbc: {  	s0 =	sor.u32 s1, s0  }
0xbd: {  	s0 =	sadd.s32 $0x8F2B, s0  }
0xbe: {  	[sflag:s0] =	ssyncadd.remote.s32 $0x1  }
0xbf: {  	_ =	sfence.sel $0xFFFF  }
0xc0: {  	[dreg:$0x0] =	wrdreg $0xFFFFFFFF;
	(pc) =	sbr.abs _section_cstart, $3  }
0xc1: {  	[dreg:$0x1] =	wrdreg $0xFFFFFFFF  }
0xc2: {  	_ =	task.clear_ibuf [dreg:s7], $0x2FFFF;
	_ =	strace $0x9FFFFFFF  }
0xc3: {  	(tm) =	ssettm $0x7FFFFFFF  }
tec
execute0_lowered:
.L_overlay_start_1:
0x0: {  	(tag) =	ssettag $0x1  }
0x1: {  	s0 =	rddreg [dreg:$0x1];
	s1 =	simm.s32 $0x0  }
0x2: {  	s2 =	srdreg.scid;
	s19 =	stileid.u32;
	s30 =	simm.s32 $0x3800  }
0x3: {  	s31 =	simm.s32 $0x7;
	s5 =	smul.u32 $0x30, s19;
	s6 =	sadd.s32 $0x281E00, s0  }
0x4: {  	[smem:$0x7FF] =	sst s1;
	s8 =	sadd.s32 $0x28BE00, s0;
	s9 =	smul.u32 $0x70, s19  }
0x5: {  	s4 =	sand.u32 $0x1, s2;
	s11 =	smul.u32 $0x700, s19;
	s12 =	sadd.s32 $0x295E00, s0  }
0x6: {  	s28 =	sadd.s32 $0x1E00, s0;
	s0 =	sadd.s32 $0x2200, s0;
	s3 =	ssub.s32 $0x2, s4  }
0x7: {  	p1 =	seq.s32 s4, $0x0;
	s7 =	sshrl.u32 s3, $0x1;
	s2 =	sadd.s32 $0x700, s5  }
0x8: {  	s24 =	sadd.s32 s6, s11;
	s25 =	sadd.s32 s8, s11;
	s11 =	smul.u32 $0x2800, s4  }
0x9: {  	s10 =	sshll.u32 s2, $0x4;
	s3 =	ssub.s32 s3, s7;
	[dreg:$0x6] =	wrdreg s24  }
0xa: {  	s2 =	smov.u32 @p1 s9;
	[dreg:$0x7] =	wrdreg s25;
	s7 =	sadd.s32 $0x718, s5  }
0xb: {  	s5 =	smul.u32 $0x280, s19;
	s9 =	sadd.s32 $0x38, s9;
	s22 =	sadd.s32 s6, s10  }
0xc: {  	s23 =	sadd.s32 s8, s10;
	s26 =	sshll.u32 s7, $0x4;
	[dreg:$0x4] =	wrdreg s22  }
0xd: {  	s7 =	smov.u32 @p1 s9;
	[dreg:$0x5] =	wrdreg s23;
	s13 =	sadd.s32 s6, s26  }
0xe: {  	s9 =	sshll.u32 s9, $0x4;
	s10 =	sadd.s32 s8, s26;
	[dreg:$0x8] =	wrdreg s13  }
0xf: {  	p0 =	sne.s32 s4, $0x0;
	s6 =	sadd.s32 s6, s9;
	[dreg:$0x9] =	wrdreg s10  }
0x10: {  	s14 =	sadd.s32 s11, s5;
	s8 =	sadd.s32 s8, s9;
	[dreg:$0xa] =	wrdreg s6  }
0x11: {  	s9 =	sadd.s32 $0x80, s5;
	[dreg:$0xb] =	wrdreg s8;
	s6 =	sshll.u32 s14, $0x4  }
0x12: {  	s8 =	sor.u32 $0x40, s5;
	s16 =	sadd.s32 s11, s9;
	s13 =	sadd.s32 $0xC0, s5  }
0x13: {  	s10 =	sadd.s32 $0x100, s5;
	s14 =	sadd.s32 $0x140, s5;
	s6 =	sadd.s32 s12, s6  }
0x14: {  	s15 =	sadd.s32 s11, s8;
	s17 =	sshll.u32 s16, $0x4;
	s18 =	sadd.s32 s11, s13  }
0x15: {  	s21 =	sadd.s32 s11, s10;
	s16 =	sadd.s32 $0x180, s5;
	s13 =	sshll.u32 s13, $0x7  }
0x16: {  	[dreg:$0xc] =	wrdreg s6;
	s6 =	sshll.u32 s15, $0x4;
	s20 =	sshll.u32 s18, $0x4  }
0x17: {  	s15 =	sadd.s32 s11, s14;
	s23 =	sadd.s32 s11, s16;
	s6 =	sadd.s32 s12, s6  }
0x18: {  	s22 =	sshll.u32 s15, $0x4;
	s24 =	sshll.u32 s23, $0x4;
	s15 =	sadd.s32 $0x1C0, s5  }
0x19: {  	s23 =	sshll.u32 s7, $0xA;
	[dreg:$0xd] =	wrdreg s6;
	s6 =	sadd.s32 s12, s17  }
0x1a: {  	s25 =	sadd.s32 s11, s15;
	s17 =	sadd.s32 $0x200, s5;
	s5 =	sadd.s32 $0x240, s5  }
0x1b: {  	[dreg:$0xe] =	wrdreg s6;
	s6 =	sadd.s32 s12, s20;
	s18 =	sadd.s32 s11, s17  }
0x1c: {  	s11 =	sadd.s32 s11, s5;
	s20 =	sshll.u32 s2, $0xA;
	s5 =	sshll.u32 s5, $0x7  }
0x1d: {  	[dreg:$0xf] =	wrdreg s6;
	s6 =	sshll.u32 s21, $0x4;
	s26 =	sshll.u32 s18, $0x4  }
0x1e: {  	s11 =	sshll.u32 s11, $0x4;
	s18 =	smul.u32 $0x50000, s19;
	s6 =	sadd.s32 s12, s6  }
0x1f: {  	s21 =	sadd.s32 s28, s20;
	s4 =	sadd.s32 s20, s0;
	[dreg:$0x10] =	wrdreg s6  }
0x20: {  	s0 =	sadd.s32 s23, s0;
	s6 =	sadd.s32 s12, s22;
	s22 =	rddreg [dreg:$0x0]  }
0x21: {  	s20 =	sshll.u32 s16, $0x7;
	s19 =	sshrl.u32 s18, $0x2;
	[dreg:$0x11] =	wrdreg s6  }
0x22: {  	s18 =	sshll.u32 s10, $0x7;
	s6 =	sadd.s32 s12, s24;
	s24 =	rddreg [dreg:$0x2]  }
0x23: {  	[dreg:$0x12] =	wrdreg s6;
	s6 =	sshll.u32 s25, $0x4;
	s25 =	simm.s32 $0x38  }
0x24: {  	s5 =	sadd.s32 s5, s24;
	s6 =	sadd.s32 s12, s6;
	s25 =	simm.s32 @!p1 $0x18  }
0x25: {  	[dreg:$0x13] =	wrdreg s6;
	s6 =	sadd.s32 s12, s26;
	s26 =	sadd.s32 s19, s24  }
0x26: {  	s19 =	sshll.u32 s14, $0x7;
	[dreg:$0x14] =	wrdreg s6;
	s6 =	sadd.s32 s12, s11  }
0x27: {  	s11 =	sshll.u32 s8, $0x7;
	s12 =	sshll.u32 s9, $0x7;
	s8 =	sadd.s32 s19, s24  }
0x28: {  	s9 =	sadd.s32 s20, s24;
	s19 =	sadd.s32 $0x4000, s26;
	[dreg:$0x15] =	wrdreg s6  }
0x29: {  	s20 =	sadd.s32 $0x6000, s26;
	_ =	strace $0x80000047;
	[dreg:$0x16] =	wrdreg s21  }
0x2a: {  	s29 =	sadd.s32 $0x12000, s26;
	s6 =	smax.u32 s3, $0x1;
	[dreg:$0x17] =	wrdreg s4  }
0x2b: {  	s3 =	sadd.s32 s12, s24;
	s14 =	sshrl.u32 s9, $0x3;
	[dreg:$0x18] =	wrdreg s0  }
0x2c: {  	s9 =	simm.s32 $0x2;
	s4 =	sadd.s32 s28, s23;
	[dreg:$0x1a] =	wrdreg s6  }
0x2d: {  	s0 =	sadd.s32 s11, s24;
	s6 =	sadd.s32 s18, s24;
	[smem:$0x7F5] =	sst s14  }
0x2e: {  	s21 =	sshll.u32 s15, $0x7;
	s23 =	sshll.u32 s17, $0x7;
	[smem:$0x7FA] =	sst s19  }
0x2f: {  	s3 =	sshrl.u32 s3, $0x3;
	s17 =	sshrl.u32 s5, $0x3;
	[smem:$0x7FB] =	sst s20  }
0x30: {  	s18 =	sadd.s32 $0x2000, s26;
	s19 =	sadd.s32 $0xC000, s26;
	[dreg:$0x19] =	wrdreg s4  }
0x31: {  	s20 =	sadd.s32 $0xE000, s26;
	s5 =	simm.s32 $0x9800;
	[dreg:$0x1c] =	wrdreg s3  }
0x32: {  	s4 =	sadd.s32 s13, s24;
	s10 =	sadd.s32 s21, s24;
	[smem:$0x7F8] =	sst s17  }
0x33: {  	s11 =	sadd.s32 s23, s24;
	s0 =	sshrl.u32 s0, $0x3;
	[smem:$0x7F9] =	sst s18  }
0x34: {  	s12 =	sshrl.u32 s6, $0x3;
	s13 =	sshrl.u32 s8, $0x3;
	[dreg:$0x1b] =	wrdreg s0  }
0x35: {  	s21 =	sadd.s32 $0x8000, s26;
	s23 =	sadd.s32 $0xA000, s26;
	[dreg:$0x1e] =	wrdreg s12  }
0x36: {  	s6 =	simm.s32 $0x1;
	s8 =	simm.s32 $0x3;
	[dreg:$0x1f] =	wrdreg s13  }
0x37: {  	s4 =	sshrl.u32 s4, $0x3;
	s15 =	sshrl.u32 s10, $0x3;
	[smem:$0x7FC] =	sst s21  }
0x38: {  	s16 =	sshrl.u32 s11, $0x3;
	s13 =	sshrl.u32 s25, $0x1;
	[smem:$0x7FD] =	sst s23  }
0x39: {  	s23 =	sadd.s32 $0x10000, s26;
	s21 =	simm.s32 $0x40;
	[dreg:$0x1d] =	wrdreg s4  }
0x3a: {  	s0 =	simm.s32 $0x7800;
	s10 =	simm.s32 $0x4;
	[smem:$0x7F6] =	sst s15  }
0x3b: {  	v0 =	vimm.f32 $0.0e+00;
	s11 =	simm.s32 $0x5;
	s12 =	simm.s32 $0x6;
	[smem:$0x7F7] =	sst s16  }
.LBB2_1:
0x3c: {  	s3 =	simm.s32 $0x0;
	s4 =	simm.s32 $0x200  }
.LBB2_2:
0x3d: {  	p1 =	sne.s32 s4, $0x7E00;
	[tilespmem:s3+$0x3870] =	vst v0  }
0x3e: {  	[tilespmem:s3+$0x3800] =	vst v0  }
0x3f: {  	[tilespmem:s3+$0x3810] =	vst v0  }
.Ltmp0:
0x40: {  	[tilespmem:s3+$0x3820] =	vst v0;
	(pc) =	sbr.rel @p1 .LBB2_2-.Ltmp0, $4  }
0x41: {  	[tilespmem:s3+$0x3830] =	vst v0  }
0x42: {  	[tilespmem:s3+$0x3840] =	vst v0  }
0x43: {  	[tilespmem:s3+$0x3850] =	vst v0  }
0x44: {  	[tilespmem:s3+$0x3860] =	vst v0;
	s3 =	sshra.s32 s4, $0x2;
	s4 =	sadd.s32 $0x200, s4  }
0x45: {  	[tilespmem:s3+$0x3870] =	vst v0  }
0x46: {  	[tilespmem:s3+$0x3800] =	vst v0  }
0x47: {  	[tilespmem:s3+$0x3810] =	vst v0  }
0x48: {  	[tilespmem:s3+$0x3820] =	vst v0  }
0x49: {  	[tilespmem:s3+$0x3830] =	vst v0  }
0x4a: {  	[tilespmem:s3+$0x3840] =	vst v0  }
0x4b: {  	[tilespmem:s3+$0x3850] =	vst v0  }
0x4c: {  	[tilespmem:s3+$0x3860] =	vst v0  }
0x4d: {  	[spmem:s26] =	stream.linear.scatter [tilespmem:s30], [sflag:$0x7], $0x2000, $0x38;
	[tilespmem:$0x1F800] =	vst v63  }
0x4e: {  	_ =	swait.ge [sflag:s31], $0x2000  }
0x4f: {  	s16 =	sld [smem:$0x7F9]  }
0x50: {  	[sflag:s31] =	ssyncset.done $0x0  }
0x51: {  	[sflag:s31] =	ssyncadd.s32 $0xFFFFE000  }
0x52: {  	[spmem:s16] =	stream.linear.scatter [tilespmem:s30], [sflag:$0x7], $0x2000, $0x38;
	[tilespmem:$0x1F800] =	vst v63  }
0x53: {  	_ =	swait.ge [sflag:s31], $0x2000  }
0x54: {  	s17 =	sld [smem:$0x7FA]  }
0x55: {  	[sflag:s31] =	ssyncset.done $0x0  }
0x56: {  	[sflag:s31] =	ssyncadd.s32 $0xFFFFE000  }
0x57: {  	[spmem:s17] =	stream.linear.scatter [tilespmem:s30], [sflag:$0x7], $0x2000, $0x38;
	[tilespmem:$0x1F800] =	vst v63  }
0x58: {  	_ =	swait.ge [sflag:s31], $0x2000  }
0x59: {  	s18 =	sld [smem:$0x7FB]  }
0x5a: {  	[sflag:s31] =	ssyncset.done $0x0  }
0x5b: {  	[sflag:s31] =	ssyncadd.s32 $0xFFFFE000  }
0x5c: {  	[spmem:s18] =	stream.linear.scatter [tilespmem:s30], [sflag:$0x7], $0x2000, $0x38;
	[tilespmem:$0x1F800] =	vst v63  }
0x5d: {  	_ =	swait.ge [sflag:s31], $0x2000  }
0x5e: {  	s4 =	sld [smem:$0x7FC]  }
0x5f: {  	[sflag:s31] =	ssyncset.done $0x0  }
0x60: {  	[sflag:s31] =	ssyncadd.s32 $0xFFFFE000  }
0x61: {  	[spmem:s4] =	stream.linear.scatter [tilespmem:s30], [sflag:$0x7], $0x2000, $0x38;
	[tilespmem:$0x1F800] =	vst v63  }
0x62: {  	_ =	swait.ge [sflag:s31], $0x2000  }
0x63: {  	s14 =	sld [smem:$0x7FD]  }
0x64: {  	[sflag:s31] =	ssyncset.done $0x0  }
0x65: {  	[sflag:s31] =	ssyncadd.s32 $0xFFFFE000  }
0x66: {  	[spmem:s14] =	stream.linear.scatter [tilespmem:s30], [sflag:$0x7], $0x2000, $0x38;
	[tilespmem:$0x1F800] =	vst v63  }
0x67: {  	_ =	swait.ge [sflag:s31], $0x2000  }
0x68: {  	[sflag:s31] =	ssyncset.done $0x0  }
0x69: {  	[sflag:s31] =	ssyncadd.s32 $0xFFFFE000  }
0x6a: {  	[spmem:s19] =	stream.linear.scatter [tilespmem:s30], [sflag:$0x7], $0x2000, $0x38;
	[tilespmem:$0x1F800] =	vst v63  }
0x6b: {  	_ =	swait.ge [sflag:s31], $0x2000  }
0x6c: {  	[sflag:s31] =	ssyncset.done $0x0  }
0x6d: {  	[sflag:s31] =	ssyncadd.s32 $0xFFFFE000  }
0x6e: {  	[spmem:s20] =	stream.linear.scatter [tilespmem:s30], [sflag:$0x7], $0x2000, $0x38;
	[tilespmem:$0x1F800] =	vst v63  }
0x6f: {  	_ =	swait.ge [sflag:s31], $0x2000  }
0x70: {  	[sflag:s31] =	ssyncset.done $0x0  }
0x71: {  	[sflag:s31] =	ssyncadd.s32 $0xFFFFE000  }
0x72: {  	[spmem:s23] =	stream.linear.scatter [tilespmem:s30], [sflag:$0x7], $0x2000, $0x38;
	[tilespmem:$0x1F800] =	vst v63  }
0x73: {  	_ =	swait.ge [sflag:s31], $0x2000  }
0x74: {  	[sflag:s31] =	ssyncset.done $0x0  }
0x75: {  	[sflag:s31] =	ssyncadd.s32 $0xFFFFE000  }
0x76: {  	[spmem:s29] =	stream.linear.scatter [tilespmem:s30], [sflag:$0x7], $0x2000, $0x38;
	[tilespmem:$0x1F800] =	vst v63  }
0x77: {  	_ =	swait.ge [sflag:s31], $0x2000  }
0x78: {  	[sflag:s31] =	ssyncset.done $0x0  }
0x79: {  	[sflag:s31] =	ssyncadd.s32 $0xFFFFE000  }
0x7a: {  	[bflag:$0x0] =	sbarrier.arrive $0xFFFF  }
0x7b: {  	s3 =	simm.s32 @p0 $0x0;
	s4 =	rddreg [dreg:$0x4]  }
0x7c: {  	[tilespmem:s3], [sflag:$0x7] =	stream.linear.gather @p0 [hbm4b:s4+s3], $0xC00, $0x38;
	[tilespmem:$0x1F800] =	vst v63  }
0x7d: {  	s4 =	simm.s32 @p0 $0x7  }
0x7e: {  	_ =	swait.ge @p0 [sflag:s4], $0xC00  }
0x7f: {  	[sflag:s4] =	ssyncset.done @p0 $0x0  }
0x80: {  	s14 =	simm.s32 @p0 $0x1C00;
	s15 =	rddreg [dreg:$0x5];
	[sflag:s4] =	ssyncadd.s32 @p0 $0xFFFFF400  }
0x81: {  	[tilespmem:s14], [sflag:$0x7] =	stream.linear.gather @p0 [hbm4b:s15+s3], $0xC00, $0x38;
	[tilespmem:$0x1F800] =	vst v63  }
0x82: {  	_ =	swait.ge @p0 [sflag:s4], $0xC00  }
0x83: {  	[sflag:s4] =	ssyncset.done @p0 $0x0  }
0x84: {  	s3 =	simm.s32 @!p0 $0x0;
	[sflag:s4] =	ssyncadd.s32 @p0 $0xFFFFF400;
	s4 =	rddreg [dreg:$0x6]  }
0x85: {  	[tilespmem:s3], [sflag:$0x7] =	stream.linear.gather @!p0 [hbm4b:s4+s3], $0x1C00, $0x38;
	[tilespmem:$0x1F800] =	vst v63  }
0x86: {  	s4 =	simm.s32 @!p0 $0x7  }
0x87: {  	_ =	swait.ge @!p0 [sflag:s4], $0x1C00  }
0x88: {  	[sflag:s4] =	ssyncset.done @!p0 $0x0  }
0x89: {  	s14 =	simm.s32 @!p0 $0x1C00;
	s15 =	rddreg [dreg:$0x7];
	[sflag:s4] =	ssyncadd.s32 @!p0 $0xFFFFE400  }
0x8a: {  	[tilespmem:s14], [sflag:$0x7] =	stream.linear.gather @!p0 [hbm4b:s15+s3], $0x1C00, $0x38;
	[tilespmem:$0x1F800] =	vst v63  }
0x8b: {  	_ =	swait.ge @!p0 [sflag:s4], $0x1C00  }
0x8c: {  	[sflag:s4] =	ssyncset.done @!p0 $0x0  }
0x8d: {  	s14 =	simm.s32 $0x0;
	[sflag:s4] =	ssyncadd.s32 @!p0 $0xFFFFE400  }
0x8e: {  	[tilespmem:s30], [sflag:$0x1] =	stream.indirect.gather [hbm4b:s22+s21], $0x80, s14, s21, $0xb8;
	[tilespmem:$0x1F800] =	vst v63  }
0x8f: {  	s15 =	rddreg [dreg:$0x16]  }
0x90: {  	[tilespmem:s0], [sflag:$0x3] =	stream.linear.gather [hbm4b:s15+s14], $0x2000, $0x38;
	[tilespmem:$0x1F800] =	vst v63  }
0x91: {  	s16 =	simm.s32 $0x80;
	s17 =	simm.s32 $0x5800  }
0x92: {  	[tilespmem:s17], [sflag:$0x2] =	stream.indirect.gather [hbm4b:s22+s21], $0x80, s16, s21, $0xb8;
	[tilespmem:$0x1F800] =	vst v63  }
0x93: {  	s18 =	rddreg [dreg:$0x17]  }
0x94: {  	[tilespmem:s5], [sflag:$0x4] =	stream.linear.gather [hbm4b:s18+s14], $0x2000, $0x38;
	[tilespmem:$0x1F800] =	vst v63  }
.LBB2_4:
0x95: {  	_ =	swait.ge [sflag:s6], $0x2000  }
0x96: {  	[sflag:s6] =	ssyncset.done $0x0  }
0x97: {  	[sflag:s6] =	ssyncadd.s32 $0xFFFFE000  }
0x98: {  	_ =	swait.ge [sflag:s8], $0x2000  }
0x99: {  	[sflag:s8] =	ssyncset.done $0x0  }
0x9a: {  	s3 =	simm.s32 $0x0;
	[sflag:s8] =	ssyncadd.s32 $0xFFFFE000  }
0x9b: {  	v7 =	vld [tilespmem:s3+$0x3800]  }
0x9c: {  	v12 =	vld [tilespmem:s3+$0x3810]  }
0x9d: {  	v6 =	vld [tilespmem:s3+$0x3820]  }
0x9e: {  	v5 =	vld [tilespmem:s3+$0x3830]  }
0x9f: {  	v4 =	vld [tilespmem:s3+$0x3840]  }
0xa0: {  	v3 =	vld [tilespmem:s3+$0x3850]  }
0xa1: {  	v2 =	vld [tilespmem:s3+$0x3860]  }
0xa2: {  	v1 =	vld [tilespmem:s3+$0x3870]  }
0xa3: {  	v13 =	vld [tilespmem:s3+$0x7800]  }
0xa4: {  	v14 =	vld [tilespmem:s3+$0x7810]  }
0xa5: {  	v11 =	vld [tilespmem:s3+$0x7820]  }
0xa6: {  	v10 =	vld [tilespmem:s3+$0x7830]  }
0xa7: {  	v9 =	vld [tilespmem:s3+$0x7840]  }
0xa8: {  	v8 =	vld [tilespmem:s3+$0x7850];
	v13 =	vmul.f32 v7, v13  }
0xa9: {  	s15 =	simm.s32 $0x200;
	v12 =	vmul.f32 v12, v14;
	v7 =	vld [tilespmem:s3+$0x7860]  }
.LBB2_5:
0xaa: {  	s4 =	sshra.s32 s15, $0x2;
	p1 =	sne.s32 s15, $0x7E00;
	[tilespmem:s3+$0x7800] =	vst v13;
	v6 =	vmul.f32 v6, v11;
	v11 =	vld [tilespmem:s3+$0x7870]  }
0xab: {  	v13 =	vld [tilespmem:s4+$0x3800];
	[tilespmem:s3+$0x7810] =	vst v12;
	v5 =	vmul.f32 v5, v10  }
0xac: {  	v12 =	vld [tilespmem:s4+$0x3810];
	[tilespmem:s3+$0x7820] =	vst v6;
	v4 =	vmul.f32 v4, v9  }
0xad: {  	v6 =	vld [tilespmem:s4+$0x3820];
	[tilespmem:s3+$0x7830] =	vst v5;
	v3 =	vmul.f32 v3, v8  }
0xae: {  	v5 =	vld [tilespmem:s4+$0x3830];
	[tilespmem:s3+$0x7840] =	vst v4;
	v2 =	vmul.f32 v2, v7  }
0xaf: {  	v4 =	vld [tilespmem:s4+$0x3840];
	[tilespmem:s3+$0x7850] =	vst v3;
	v1 =	vmul.f32 v1, v11  }
0xb0: {  	v3 =	vld [tilespmem:s4+$0x3850];
	[tilespmem:s3+$0x7860] =	vst v2  }
0xb1: {  	v2 =	vld [tilespmem:s4+$0x3860];
	[tilespmem:s3+$0x7870] =	vst v1;
	s3 =	smov.u32 s4  }
0xb2: {  	v1 =	vld [tilespmem:s3+$0x3870]  }
0xb3: {  	v7 =	vld [tilespmem:s3+$0x7800]  }
0xb4: {  	v14 =	vld [tilespmem:s3+$0x7810]  }
.Ltmp1:
0xb5: {  	v11 =	vld [tilespmem:s3+$0x7820];
	(pc) =	sbr.rel @p1 .LBB2_5-.Ltmp1, $4  }
0xb6: {  	v10 =	vld [tilespmem:s3+$0x7830]  }
0xb7: {  	v9 =	vld [tilespmem:s3+$0x7840]  }
0xb8: {  	v13 =	vmul.f32 v13, v7;
	v8 =	vld [tilespmem:s3+$0x7850]  }
0xb9: {  	s15 =	sadd.s32 $0x200, s15;
	v12 =	vmul.f32 v12, v14;
	v7 =	vld [tilespmem:s3+$0x7860]  }
0xba: {  	[tilespmem:s3+$0x7800] =	vst v13;
	v6 =	vmul.f32 v6, v11;
	v11 =	vld [tilespmem:s3+$0x7870]  }
0xbb: {  	[tilespmem:s3+$0x7810] =	vst v12;
	v5 =	vmul.f32 v5, v10  }
0xbc: {  	[tilespmem:s3+$0x7820] =	vst v6;
	v4 =	vmul.f32 v4, v9  }
0xbd: {  	s16 =	sshll.u32 s14, $0x1;
	[tilespmem:s3+$0x7830] =	vst v5;
	v3 =	vmul.f32 v3, v8  }
0xbe: {  	s15 =	sadd.s32 $0x2, s16;
	[tilespmem:s3+$0x7840] =	vst v4;
	v2 =	vmul.f32 v2, v7  }
0xbf: {  	p1 =	sge.u32 s15, s25;
	[tilespmem:s3+$0x7850] =	vst v3;
	v1 =	vmul.f32 v1, v11  }
0xc0: {  	s4 =	sshll.u32 @!p1 s15, $0x7;
	[tilespmem:s3+$0x7860] =	vst v2  }
0xc1: {  	s17 =	simm.s32 @!p1 $0x3800;
	[tilespmem:s3+$0x7870] =	vst v1;
	s3 =	sand.u32 @!p1 $0x3FFFFF80, s4;
	s4 =	simm.s32 @!p1 $0x40  }
0xc2: {  	[tilespmem:s17], [sflag:$0x1] =	stream.indirect.gather @!p1 [hbm4b:s22+s4], $0x80, s3, s4, $0xb8;
	[tilespmem:$0x1F800] =	vst v63  }
0xc3: {  	s17 =	sshll.u32 s14, $0xA  }
0xc4: {  	s3 =	sshra.s32 s17, $0x2  }
0xc5: {  	s18 =	sadd.s32 $0x1C00, s3  }
0xc6: {  	[spmem:s24] =	stream.indirect.scatter.add.f32 [tilespmem:s0], [sflag:$0x5], $0x80, s18, s21, $0xb8;
	[tilespmem:$0x1F800] =	vst v63  }
0xc7: {  	_ =	swait.ge [sflag:s9], $0x2000  }
0xc8: {  	[sflag:s9] =	ssyncset.done $0x0  }
0xc9: {  	[sflag:s9] =	ssyncadd.s32 $0xFFFFE000  }
0xca: {  	_ =	swait.ge [sflag:s10], $0x2000  }
0xcb: {  	[sflag:s10] =	ssyncset.done $0x0  }
0xcc: {  	s17 =	simm.s32 $0x0;
	[sflag:s10] =	ssyncadd.s32 $0xFFFFE000  }
0xcd: {  	v8 =	vld [tilespmem:s17+$0x5800]  }
0xce: {  	v12 =	vld [tilespmem:s17+$0x5810]  }
0xcf: {  	v6 =	vld [tilespmem:s17+$0x5820]  }
0xd0: {  	v5 =	vld [tilespmem:s17+$0x5830]  }
0xd1: {  	v4 =	vld [tilespmem:s17+$0x5840]  }
0xd2: {  	v3 =	vld [tilespmem:s17+$0x5850]  }
0xd3: {  	v2 =	vld [tilespmem:s17+$0x5860]  }
0xd4: {  	v1 =	vld [tilespmem:s17+$0x5870]  }
0xd5: {  	v13 =	vld [tilespmem:s17+$0x9800]  }
0xd6: {  	v14 =	vld [tilespmem:s17+$0x9810]  }
0xd7: {  	v11 =	vld [tilespmem:s17+$0x9820]  }
0xd8: {  	v10 =	vld [tilespmem:s17+$0x9830]  }
0xd9: {  	v9 =	vld [tilespmem:s17+$0x9840]  }
0xda: {  	v7 =	vld [tilespmem:s17+$0x9850];
	v13 =	vmul.f32 v8, v13  }
0xdb: {  	s4 =	simm.s32 $0x200;
	v12 =	vmul.f32 v12, v14;
	v8 =	vld [tilespmem:s17+$0x9860]  }
.LBB2_7:
0xdc: {  	s18 =	sshra.s32 s4, $0x2;
	p2 =	sne.s32 s4, $0x7E00;
	[tilespmem:s17+$0x9800] =	vst v13;
	v6 =	vmul.f32 v6, v11;
	v11 =	vld [tilespmem:s17+$0x9870]  }
0xdd: {  	v13 =	vld [tilespmem:s18+$0x5800];
	[tilespmem:s17+$0x9810] =	vst v12;
	v5 =	vmul.f32 v5, v10  }
0xde: {  	v12 =	vld [tilespmem:s18+$0x5810];
	[tilespmem:s17+$0x9820] =	vst v6;
	v4 =	vmul.f32 v4, v9  }
0xdf: {  	v6 =	vld [tilespmem:s18+$0x5820];
	[tilespmem:s17+$0x9830] =	vst v5;
	v3 =	vmul.f32 v3, v7  }
0xe0: {  	v5 =	vld [tilespmem:s18+$0x5830];
	[tilespmem:s17+$0x9840] =	vst v4;
	v2 =	vmul.f32 v2, v8  }
0xe1: {  	v4 =	vld [tilespmem:s18+$0x5840];
	[tilespmem:s17+$0x9850] =	vst v3;
	v1 =	vmul.f32 v1, v11  }
0xe2: {  	v3 =	vld [tilespmem:s18+$0x5850];
	[tilespmem:s17+$0x9860] =	vst v2  }
0xe3: {  	v2 =	vld [tilespmem:s18+$0x5860];
	[tilespmem:s17+$0x9870] =	vst v1;
	s17 =	smov.u32 s18  }
0xe4: {  	v1 =	vld [tilespmem:s17+$0x5870]  }
0xe5: {  	v7 =	vld [tilespmem:s17+$0x9800]  }
0xe6: {  	v8 =	vld [tilespmem:s17+$0x9810]  }
.Ltmp2:
0xe7: {  	v11 =	vld [tilespmem:s17+$0x9820];
	(pc) =	sbr.rel @p2 .LBB2_7-.Ltmp2, $4  }
0xe8: {  	v10 =	vld [tilespmem:s17+$0x9830]  }
0xe9: {  	v9 =	vld [tilespmem:s17+$0x9840]  }
0xea: {  	v13 =	vmul.f32 v13, v7;
	v7 =	vld [tilespmem:s17+$0x9850]  }
0xeb: {  	s4 =	sadd.s32 $0x200, s4;
	v12 =	vmul.f32 v12, v8;
	v8 =	vld [tilespmem:s17+$0x9860]  }
0xec: {  	[tilespmem:s17+$0x9800] =	vst v13;
	v6 =	vmul.f32 v6, v11;
	v63 =	vld [tilespmem:s17+$0x9870]  }
0xed: {  	[tilespmem:s17+$0x9810] =	vst v12;
	v5 =	vmul.f32 v5, v10  }
0xee: {  	[tilespmem:s17+$0x9820] =	vst v6;
	v4 =	vmul.f32 v4, v9  }
0xef: {  	[tilespmem:s17+$0x9830] =	vst v5;
	v3 =	vmul.f32 v3, v7  }
0xf0: {  	s4 =	sadd.s32 $0x3, s16;
	[tilespmem:s17+$0x9840] =	vst v4;
	v2 =	vmul.f32 v2, v8  }
0xf1: {  	p2 =	sge.u32 s4, s25;
	[tilespmem:s17+$0x9850] =	vst v3;
	v1 =	vmul.f32 v1, v63  }
0xf2: {  	s16 =	sshll.u32 @!p2 s4, $0x7;
	[tilespmem:s17+$0x9860] =	vst v2  }
0xf3: {  	s18 =	simm.s32 @!p2 $0x5800;
	s16 =	sand.u32 @!p2 $0x3FFFFF80, s16;
	[tilespmem:s17+$0x9870] =	vst v1;
	s17 =	simm.s32 @!p2 $0x40  }
0xf4: {  	[tilespmem:s18], [sflag:$0x2] =	stream.indirect.gather @!p2 [hbm4b:s22+s17], $0x80, s16, s17, $0xb8;
	[tilespmem:$0x1F800] =	vst v63  }
0xf5: {  	s3 =	sadd.s32 $0x1C80, s3  }
0xf6: {  	[spmem:s24] =	stream.indirect.scatter.add.f32 [tilespmem:s5], [sflag:$0x6], $0x80, s3, s21, $0xb8;
	[tilespmem:$0x1F800] =	vst v63  }
0xf7: {  	s14 =	sadd.s32 $0x1, s14;
	s3 =	sadd.s32 @!p1 s2, s15;
	_ =	swait.ge [sflag:s11], $0x2000  }
0xf8: {  	s16 =	simm.s32 @!p1 $0x7800;
	s3 =	sshll.u32 @!p1 s3, $0xA;
	[sflag:s11] =	ssyncset.done $0x0  }
0xf9: {  	s15 =	simm.s32 @!p1 $0x0;
	s3 =	sadd.s32 @!p1 s28, s3;
	[sflag:s11] =	ssyncadd.s32 $0xFFFFE000  }
0xfa: {  	[tilespmem:s16], [sflag:$0x3] =	stream.linear.gather @!p1 [hbm4b:s3+s15], $0x2000, $0x38;
	[tilespmem:$0x1F800] =	vst v63  }
0xfb: {  	p1 =	sne.s32 s14, s13  }
.Ltmp3:
0xfc: {  	_ = 	snop;
	(pc) =	sbr.rel @p1 .LBB2_4-.Ltmp3, $4  }
0xfd: {  	s3 =	sadd.s32 @!p2 s2, s4;
	_ =	swait.ge [sflag:s12], $0x2000  }
0xfe: {  	s4 =	simm.s32 @!p2 $0x0;
	s3 =	sshll.u32 @!p2 s3, $0xA;
	[sflag:s12] =	ssyncset.done $0x0  }
0xff: {  	s15 =	simm.s32 @!p2 $0x9800;
	s3 =	sadd.s32 @!p2 s28, s3;
	[sflag:s12] =	ssyncadd.s32 $0xFFFFE000  }
0x100: {  	[tilespmem:s15], [sflag:$0x4] =	stream.linear.gather @!p2 [hbm4b:s3+s4], $0x2000, $0x38;
	[tilespmem:$0x1F800] =	vst v63  }
0x101: {  	s3 =	simm.s32 @p0 $0x0;
	s4 =	rddreg [dreg:$0x8]  }
0x102: {  	[tilespmem:s3], [sflag:$0x7] =	stream.linear.gather @p0 [hbm4b:s4+s3], $0xC00, $0x38;
	[tilespmem:$0x1F800] =	vst v63  }
0x103: {  	s4 =	simm.s32 @p0 $0x7  }
0x104: {  	_ =	swait.ge @p0 [sflag:s4], $0xC00  }
0x105: {  	[sflag:s4] =	ssyncset.done @p0 $0x0  }
0x106: {  	s14 =	simm.s32 @p0 $0x1C00;
	s15 =	rddreg [dreg:$0x9];
	[sflag:s4] =	ssyncadd.s32 @p0 $0xFFFFF400  }
0x107: {  	[tilespmem:s14], [sflag:$0x7] =	stream.linear.gather @p0 [hbm4b:s15+s3], $0xC00, $0x38;
	[tilespmem:$0x1F800] =	vst v63  }
0x108: {  	_ =	swait.ge @p0 [sflag:s4], $0xC00  }
0x109: {  	[sflag:s4] =	ssyncset.done @p0 $0x0  }
0x10a: {  	s3 =	simm.s32 @!p0 $0x0;
	[sflag:s4] =	ssyncadd.s32 @p0 $0xFFFFF400;
	s4 =	rddreg [dreg:$0xa]  }
0x10b: {  	[tilespmem:s3], [sflag:$0x7] =	stream.linear.gather @!p0 [hbm4b:s4+s3], $0x1C00, $0x38;
	[tilespmem:$0x1F800] =	vst v63  }
0x10c: {  	s4 =	simm.s32 @!p0 $0x7  }
0x10d: {  	_ =	swait.ge @!p0 [sflag:s4], $0x1C00  }
0x10e: {  	[sflag:s4] =	ssyncset.done @!p0 $0x0  }
0x10f: {  	s14 =	simm.s32 @!p0 $0x1C00;
	s15 =	rddreg [dreg:$0xb];
	[sflag:s4] =	ssyncadd.s32 @!p0 $0xFFFFE400  }
0x110: {  	[tilespmem:s14], [sflag:$0x7] =	stream.linear.gather @!p0 [hbm4b:s15+s3], $0x1C00, $0x38;
	[tilespmem:$0x1F800] =	vst v63  }
0x111: {  	_ =	swait.ge @!p0 [sflag:s4], $0x1C00  }
0x112: {  	[sflag:s4] =	ssyncset.done @!p0 $0x0  }
0x113: {  	s14 =	simm.s32 $0x0;
	[sflag:s4] =	ssyncadd.s32 @!p0 $0xFFFFE400  }
0x114: {  	[tilespmem:s30], [sflag:$0x1] =	stream.indirect.gather [hbm4b:s22+s21], $0x80, s14, s21, $0xb8;
	[tilespmem:$0x1F800] =	vst v63  }
0x115: {  	s15 =	rddreg [dreg:$0x19]  }
0x116: {  	[tilespmem:s0], [sflag:$0x3] =	stream.linear.gather [hbm4b:s15+s14], $0x2000, $0x38;
	[tilespmem:$0x1F800] =	vst v63  }
0x117: {  	s16 =	simm.s32 $0x80;
	s17 =	simm.s32 $0x5800  }
0x118: {  	[tilespmem:s17], [sflag:$0x2] =	stream.indirect.gather [hbm4b:s22+s21], $0x80, s16, s21, $0xb8;
	[tilespmem:$0x1F800] =	vst v63  }
0x119: {  	s18 =	rddreg [dreg:$0x18]  }
0x11a: {  	[tilespmem:s5], [sflag:$0x4] =	stream.linear.gather [hbm4b:s18+s14], $0x2000, $0x38;
	[tilespmem:$0x1F800] =	vst v63  }
.LBB2_10:
0x11b: {  	_ =	swait.ge [sflag:s6], $0x2000  }
0x11c: {  	[sflag:s6] =	ssyncset.done $0x0  }
0x11d: {  	[sflag:s6] =	ssyncadd.s32 $0xFFFFE000  }
0x11e: {  	_ =	swait.ge [sflag:s8], $0x2000  }
0x11f: {  	[sflag:s8] =	ssyncset.done $0x0  }
0x120: {  	s3 =	simm.s32 $0x0;
	[sflag:s8] =	ssyncadd.s32 $0xFFFFE000  }
0x121: {  	v7 =	vld [tilespmem:s3+$0x3800]  }
0x122: {  	v12 =	vld [tilespmem:s3+$0x3810]  }
0x123: {  	v6 =	vld [tilespmem:s3+$0x3820]  }
0x124: {  	v5 =	vld [tilespmem:s3+$0x3830]  }
0x125: {  	v4 =	vld [tilespmem:s3+$0x3840]  }
0x126: {  	v3 =	vld [tilespmem:s3+$0x3850]  }
0x127: {  	v2 =	vld [tilespmem:s3+$0x3860]  }
0x128: {  	v1 =	vld [tilespmem:s3+$0x3870]  }
0x129: {  	v13 =	vld [tilespmem:s3+$0x7800]  }
0x12a: {  	v14 =	vld [tilespmem:s3+$0x7810]  }
0x12b: {  	v11 =	vld [tilespmem:s3+$0x7820]  }
0x12c: {  	v10 =	vld [tilespmem:s3+$0x7830]  }
0x12d: {  	v9 =	vld [tilespmem:s3+$0x7840]  }
0x12e: {  	v8 =	vld [tilespmem:s3+$0x7850];
	v13 =	vmul.f32 v7, v13  }
0x12f: {  	s4 =	simm.s32 $0x200;
	v12 =	vmul.f32 v12, v14;
	v7 =	vld [tilespmem:s3+$0x7860]  }
.LBB2_11:
0x130: {  	s15 =	sshra.s32 s4, $0x2;
	p1 =	sne.s32 s4, $0x7E00;
	[tilespmem:s3+$0x7800] =	vst v13;
	v6 =	vmul.f32 v6, v11;
	v11 =	vld [tilespmem:s3+$0x7870]  }
0x131: {  	v13 =	vld [tilespmem:s15+$0x3800];
	[tilespmem:s3+$0x7810] =	vst v12;
	v5 =	vmul.f32 v5, v10  }
0x132: {  	v12 =	vld [tilespmem:s15+$0x3810];
	[tilespmem:s3+$0x7820] =	vst v6;
	v4 =	vmul.f32 v4, v9  }
0x133: {  	v6 =	vld [tilespmem:s15+$0x3820];
	[tilespmem:s3+$0x7830] =	vst v5;
	v3 =	vmul.f32 v3, v8  }
0x134: {  	v5 =	vld [tilespmem:s15+$0x3830];
	[tilespmem:s3+$0x7840] =	vst v4;
	v2 =	vmul.f32 v2, v7  }
0x135: {  	v4 =	vld [tilespmem:s15+$0x3840];
	[tilespmem:s3+$0x7850] =	vst v3;
	v1 =	vmul.f32 v1, v11  }
0x136: {  	v3 =	vld [tilespmem:s15+$0x3850];
	[tilespmem:s3+$0x7860] =	vst v2  }
0x137: {  	v2 =	vld [tilespmem:s15+$0x3860];
	[tilespmem:s3+$0x7870] =	vst v1;
	s3 =	smov.u32 s15  }
0x138: {  	v1 =	vld [tilespmem:s3+$0x3870]  }
0x139: {  	v7 =	vld [tilespmem:s3+$0x7800]  }
0x13a: {  	v14 =	vld [tilespmem:s3+$0x7810]  }
.Ltmp4:
0x13b: {  	v11 =	vld [tilespmem:s3+$0x7820];
	(pc) =	sbr.rel @p1 .LBB2_11-.Ltmp4, $4  }
0x13c: {  	v10 =	vld [tilespmem:s3+$0x7830]  }
0x13d: {  	v9 =	vld [tilespmem:s3+$0x7840]  }
0x13e: {  	v13 =	vmul.f32 v13, v7;
	v8 =	vld [tilespmem:s3+$0x7850]  }
0x13f: {  	s4 =	sadd.s32 $0x200, s4;
	v12 =	vmul.f32 v12, v14;
	v7 =	vld [tilespmem:s3+$0x7860]  }
0x140: {  	[tilespmem:s3+$0x7800] =	vst v13;
	v6 =	vmul.f32 v6, v11;
	v11 =	vld [tilespmem:s3+$0x7870]  }
0x141: {  	[tilespmem:s3+$0x7810] =	vst v12;
	v5 =	vmul.f32 v5, v10  }
0x142: {  	[tilespmem:s3+$0x7820] =	vst v6;
	v4 =	vmul.f32 v4, v9  }
0x143: {  	s16 =	sshll.u32 s14, $0x1;
	[tilespmem:s3+$0x7830] =	vst v5;
	v3 =	vmul.f32 v3, v8  }
0x144: {  	s15 =	sadd.s32 $0x2, s16;
	[tilespmem:s3+$0x7840] =	vst v4;
	v2 =	vmul.f32 v2, v7  }
0x145: {  	p1 =	sge.u32 s15, s25;
	[tilespmem:s3+$0x7850] =	vst v3;
	v1 =	vmul.f32 v1, v11  }
0x146: {  	s4 =	sshll.u32 @!p1 s15, $0x7;
	[tilespmem:s3+$0x7860] =	vst v2  }
0x147: {  	s17 =	simm.s32 @!p1 $0x3800;
	[tilespmem:s3+$0x7870] =	vst v1;
	s3 =	sand.u32 @!p1 $0x3FFFFF80, s4;
	s4 =	simm.s32 @!p1 $0x40  }
0x148: {  	[tilespmem:s17], [sflag:$0x1] =	stream.indirect.gather @!p1 [hbm4b:s22+s4], $0x80, s3, s4, $0xb8;
	[tilespmem:$0x1F800] =	vst v63  }
0x149: {  	s17 =	sshll.u32 s14, $0xA  }
0x14a: {  	s3 =	sshra.s32 s17, $0x2  }
0x14b: {  	s18 =	sadd.s32 $0x1C00, s3  }
0x14c: {  	[spmem:s24] =	stream.indirect.scatter.add.f32 [tilespmem:s0], [sflag:$0x5], $0x80, s18, s21, $0xb8;
	[tilespmem:$0x1F800] =	vst v63  }
0x14d: {  	_ =	swait.ge [sflag:s9], $0x2000  }
0x14e: {  	[sflag:s9] =	ssyncset.done $0x0  }
0x14f: {  	[sflag:s9] =	ssyncadd.s32 $0xFFFFE000  }
0x150: {  	_ =	swait.ge [sflag:s10], $0x2000  }
0x151: {  	[sflag:s10] =	ssyncset.done $0x0  }
0x152: {  	s17 =	simm.s32 $0x0;
	[sflag:s10] =	ssyncadd.s32 $0xFFFFE000  }
0x153: {  	v8 =	vld [tilespmem:s17+$0x5800]  }
0x154: {  	v12 =	vld [tilespmem:s17+$0x5810]  }
0x155: {  	v6 =	vld [tilespmem:s17+$0x5820]  }
0x156: {  	v5 =	vld [tilespmem:s17+$0x5830]  }
0x157: {  	v4 =	vld [tilespmem:s17+$0x5840]  }
0x158: {  	v3 =	vld [tilespmem:s17+$0x5850]  }
0x159: {  	v2 =	vld [tilespmem:s17+$0x5860]  }
0x15a: {  	v1 =	vld [tilespmem:s17+$0x5870]  }
0x15b: {  	v13 =	vld [tilespmem:s17+$0x9800]  }
0x15c: {  	v14 =	vld [tilespmem:s17+$0x9810]  }
0x15d: {  	v11 =	vld [tilespmem:s17+$0x9820]  }
0x15e: {  	v10 =	vld [tilespmem:s17+$0x9830]  }
0x15f: {  	v9 =	vld [tilespmem:s17+$0x9840]  }
0x160: {  	v7 =	vld [tilespmem:s17+$0x9850];
	v13 =	vmul.f32 v8, v13  }
0x161: {  	s4 =	simm.s32 $0x200;
	v12 =	vmul.f32 v12, v14;
	v8 =	vld [tilespmem:s17+$0x9860]  }
.LBB2_13:
0x162: {  	s18 =	sshra.s32 s4, $0x2;
	p2 =	sne.s32 s4, $0x7E00;
	[tilespmem:s17+$0x9800] =	vst v13;
	v6 =	vmul.f32 v6, v11;
	v11 =	vld [tilespmem:s17+$0x9870]  }
0x163: {  	v13 =	vld [tilespmem:s18+$0x5800];
	[tilespmem:s17+$0x9810] =	vst v12;
	v5 =	vmul.f32 v5, v10  }
0x164: {  	v12 =	vld [tilespmem:s18+$0x5810];
	[tilespmem:s17+$0x9820] =	vst v6;
	v4 =	vmul.f32 v4, v9  }
0x165: {  	v6 =	vld [tilespmem:s18+$0x5820];
	[tilespmem:s17+$0x9830] =	vst v5;
	v3 =	vmul.f32 v3, v7  }
0x166: {  	v5 =	vld [tilespmem:s18+$0x5830];
	[tilespmem:s17+$0x9840] =	vst v4;
	v2 =	vmul.f32 v2, v8  }
0x167: {  	v4 =	vld [tilespmem:s18+$0x5840];
	[tilespmem:s17+$0x9850] =	vst v3;
	v1 =	vmul.f32 v1, v11  }
0x168: {  	v3 =	vld [tilespmem:s18+$0x5850];
	[tilespmem:s17+$0x9860] =	vst v2  }
0x169: {  	v2 =	vld [tilespmem:s18+$0x5860];
	[tilespmem:s17+$0x9870] =	vst v1;
	s17 =	smov.u32 s18  }
0x16a: {  	v1 =	vld [tilespmem:s17+$0x5870]  }
0x16b: {  	v7 =	vld [tilespmem:s17+$0x9800]  }
0x16c: {  	v8 =	vld [tilespmem:s17+$0x9810]  }
.Ltmp5:
0x16d: {  	v11 =	vld [tilespmem:s17+$0x9820];
	(pc) =	sbr.rel @p2 .LBB2_13-.Ltmp5, $4  }
0x16e: {  	v10 =	vld [tilespmem:s17+$0x9830]  }
0x16f: {  	v9 =	vld [tilespmem:s17+$0x9840]  }
0x170: {  	v13 =	vmul.f32 v13, v7;
	v7 =	vld [tilespmem:s17+$0x9850]  }
0x171: {  	s4 =	sadd.s32 $0x200, s4;
	v12 =	vmul.f32 v12, v8;
	v8 =	vld [tilespmem:s17+$0x9860]  }
0x172: {  	[tilespmem:s17+$0x9800] =	vst v13;
	v6 =	vmul.f32 v6, v11;
	v63 =	vld [tilespmem:s17+$0x9870]  }
0x173: {  	[tilespmem:s17+$0x9810] =	vst v12;
	v5 =	vmul.f32 v5, v10  }
0x174: {  	[tilespmem:s17+$0x9820] =	vst v6;
	v4 =	vmul.f32 v4, v9  }
0x175: {  	[tilespmem:s17+$0x9830] =	vst v5;
	v3 =	vmul.f32 v3, v7  }
0x176: {  	s4 =	sadd.s32 $0x3, s16;
	[tilespmem:s17+$0x9840] =	vst v4;
	v2 =	vmul.f32 v2, v8  }
0x177: {  	p2 =	sge.u32 s4, s25;
	[tilespmem:s17+$0x9850] =	vst v3;
	v1 =	vmul.f32 v1, v63  }
0x178: {  	s16 =	sshll.u32 @!p2 s4, $0x7;
	[tilespmem:s17+$0x9860] =	vst v2  }
0x179: {  	s18 =	simm.s32 @!p2 $0x5800;
	s16 =	sand.u32 @!p2 $0x3FFFFF80, s16;
	[tilespmem:s17+$0x9870] =	vst v1;
	s17 =	simm.s32 @!p2 $0x40  }
0x17a: {  	[tilespmem:s18], [sflag:$0x2] =	stream.indirect.gather @!p2 [hbm4b:s22+s17], $0x80, s16, s17, $0xb8;
	[tilespmem:$0x1F800] =	vst v63  }
0x17b: {  	s3 =	sadd.s32 $0x1C80, s3  }
0x17c: {  	[spmem:s24] =	stream.indirect.scatter.add.f32 [tilespmem:s5], [sflag:$0x6], $0x80, s3, s21, $0xb8;
	[tilespmem:$0x1F800] =	vst v63  }
0x17d: {  	s14 =	sadd.s32 $0x1, s14;
	s3 =	sadd.s32 @!p1 s7, s15;
	_ =	swait.ge [sflag:s11], $0x2000  }
0x17e: {  	s16 =	simm.s32 @!p1 $0x7800;
	s3 =	sshll.u32 @!p1 s3, $0xA;
	[sflag:s11] =	ssyncset.done $0x0  }
0x17f: {  	s15 =	simm.s32 @!p1 $0x0;
	s3 =	sadd.s32 @!p1 s28, s3;
	[sflag:s11] =	ssyncadd.s32 $0xFFFFE000  }
0x180: {  	[tilespmem:s16], [sflag:$0x3] =	stream.linear.gather @!p1 [hbm4b:s3+s15], $0x2000, $0x38;
	[tilespmem:$0x1F800] =	vst v63  }
0x181: {  	p1 =	sne.s32 s14, s13  }
.Ltmp6:
0x182: {  	_ = 	snop;
	(pc) =	sbr.rel @p1 .LBB2_10-.Ltmp6, $4  }
0x183: {  	s3 =	sadd.s32 @!p2 s7, s4;
	_ =	swait.ge [sflag:s12], $0x2000  }
0x184: {  	s4 =	simm.s32 @!p2 $0x0;
	s3 =	sshll.u32 @!p2 s3, $0xA;
	[sflag:s12] =	ssyncset.done $0x0  }
0x185: {  	s15 =	simm.s32 @!p2 $0x9800;
	s3 =	sadd.s32 @!p2 s28, s3;
	[sflag:s12] =	ssyncadd.s32 $0xFFFFE000  }
0x186: {  	[tilespmem:s15], [sflag:$0x4] =	stream.linear.gather @!p2 [hbm4b:s3+s4], $0x2000, $0x38;
	[tilespmem:$0x1F800] =	vst v63  }
0x187: {  	s3 =	stileid.u32  }
0x188: {  	[bflag:$0x0] =	sbarrier.arrive $0xFFFF;
	s3 =	sshll.u32 s3, $0x6  }
0x189: {  	s4 =	sshrl.u32 s26, $0x3;
	s14 =	rddreg [dreg:$0xc];
	s3 =	sor.u32 $0x1C07, s3  }
0x18a: {  	[hbm:s14], [sflag:s3] =	dma.local [spmem:s4], $0x400  }
0x18b: {  	_ =	swait.ge [sflag:s31], $0x400  }
0x18c: {  	[sflag:s31] =	ssyncset.done $0x0;
	s17 =	rddreg [dreg:$0xd]  }
0x18d: {  	s18 =	rddreg [dreg:$0x1b];
	[sflag:s31] =	ssyncadd.s32 $0xFFFFFC00  }
0x18e: {  	[hbm:s17], [sflag:s3] =	dma.local [spmem:s18], $0x400  }
0x18f: {  	_ =	swait.ge [sflag:s31], $0x400  }
0x190: {  	[sflag:s31] =	ssyncset.done $0x0;
	s15 =	rddreg [dreg:$0xe]  }
0x191: {  	s16 =	rddreg [dreg:$0x1c];
	[sflag:s31] =	ssyncadd.s32 $0xFFFFFC00  }
0x192: {  	[hbm:s15], [sflag:s3] =	dma.local [spmem:s16], $0x400  }
0x193: {  	_ =	swait.ge [sflag:s31], $0x400  }
0x194: {  	[sflag:s31] =	ssyncset.done $0x0;
	s17 =	rddreg [dreg:$0xf]  }
0x195: {  	s18 =	rddreg [dreg:$0x1d];
	[sflag:s31] =	ssyncadd.s32 $0xFFFFFC00  }
0x196: {  	[hbm:s17], [sflag:s3] =	dma.local [spmem:s18], $0x400  }
0x197: {  	_ =	swait.ge [sflag:s31], $0x400  }
0x198: {  	[sflag:s31] =	ssyncset.done $0x0;
	s15 =	rddreg [dreg:$0x10]  }
0x199: {  	s16 =	rddreg [dreg:$0x1e];
	[sflag:s31] =	ssyncadd.s32 $0xFFFFFC00  }
0x19a: {  	[hbm:s15], [sflag:s3] =	dma.local [spmem:s16], $0x400  }
0x19b: {  	_ =	swait.ge [sflag:s31], $0x400  }
0x19c: {  	[sflag:s31] =	ssyncset.done $0x0;
	s17 =	rddreg [dreg:$0x11]  }
0x19d: {  	s18 =	rddreg [dreg:$0x1f];
	[sflag:s31] =	ssyncadd.s32 $0xFFFFFC00  }
0x19e: {  	[hbm:s17], [sflag:s3] =	dma.local [spmem:s18], $0x400  }
0x19f: {  	_ =	swait.ge [sflag:s31], $0x400  }
0x1a0: {  	s16 =	sld [smem:$0x7F5]  }
0x1a1: {  	[sflag:s31] =	ssyncset.done $0x0  }
0x1a2: {  	s15 =	rddreg [dreg:$0x12];
	[sflag:s31] =	ssyncadd.s32 $0xFFFFFC00  }
0x1a3: {  	[hbm:s15], [sflag:s3] =	dma.local [spmem:s16], $0x400  }
0x1a4: {  	_ =	swait.ge [sflag:s31], $0x400  }
0x1a5: {  	s18 =	sld [smem:$0x7F6]  }
0x1a6: {  	[sflag:s31] =	ssyncset.done $0x0  }
0x1a7: {  	s17 =	rddreg [dreg:$0x13];
	[sflag:s31] =	ssyncadd.s32 $0xFFFFFC00  }
0x1a8: {  	[hbm:s17], [sflag:s3] =	dma.local [spmem:s18], $0x400  }
0x1a9: {  	_ =	swait.ge [sflag:s31], $0x400  }
0x1aa: {  	s15 =	sld [smem:$0x7F7]  }
0x1ab: {  	[sflag:s31] =	ssyncset.done $0x0  }
0x1ac: {  	s14 =	rddreg [dreg:$0x14];
	[sflag:s31] =	ssyncadd.s32 $0xFFFFFC00  }
0x1ad: {  	[hbm:s14], [sflag:s3] =	dma.local [spmem:s15], $0x400  }
0x1ae: {  	_ =	swait.ge [sflag:s31], $0x400  }
0x1af: {  	s17 =	sld [smem:$0x7F8]  }
0x1b0: {  	[sflag:s31] =	ssyncset.done $0x0  }
0x1b1: {  	s16 =	rddreg [dreg:$0x15];
	[sflag:s31] =	ssyncadd.s32 $0xFFFFFC00  }
0x1b2: {  	[hbm:s16], [sflag:s3] =	dma.local [spmem:s17], $0x400  }
0x1b3: {  	_ =	swait.ge [sflag:s31], $0x400  }
0x1b4: {  	s1 =	sadd.s32 $0x1, s1;
	s18 =	rddreg [dreg:$0x1a]  }
0x1b5: {  	p1 =	sne.s32 s1, s18  }
.Ltmp7:
0x1b6: {  	_ = 	snop;
	(pc) =	sbr.rel @p1 .LBB2_1-.Ltmp7, $3  }
0x1b7: {  	_ =	sdelay $0x1  }
0x1b8: {  	[sflag:s31] =	ssyncset.done $0x0  }
0x1b9: {  	[sflag:s31] =	ssyncadd.s32 $0xFFFFFC00  }
0x1ba: {  	_ =	sfence.sel $0x180000  }
0x1bb: {  	[bflag:$0x0] =	sbarrier.arrive $0xFFFF  }
0x1bc: {  	_ =	strace $0x90000047  }
0x1bd: {  	s0 =	stileid.u32;
	[bflag:$0x2] =	sbarrier.arrive $0xFFFF  }
0x1be: {  	p0 =	sne.s32 s0, $0x0;
	s0 =	rddreg [dreg:$0x3]  }
0x1bf: {  	s0 =	sadd.s32 @!p0 $0x100000, s0  }
0x1c0: {  	[sflag:s0] =	ssyncadd.tile.s32 @!p0 $0x1;
	_ =	shalt  }
.Lfunc_end2:
_tile_overlayer_lowered:
.L_overlay_start_2:
0x1c1: {  	(tag) =	ssettag $0x2  }
0x1c2: {  	s0 =	rddreg [dreg:$0x0];
	s2 =	stileid.u32  }
0x1c3: {  	s1 =	rddreg [dreg:$0x1];
	p0 =	sne.s32 s2, $0x0  }
0x1c4: {  	s3 =	rddreg [dreg:$0x2];
	[bflag:$0x3] =	sbarrier.arrive $0xFFFF;
	s2 =	simm.s32 @!p0 $0x1C07  }
0x1c5: {  	[timem:s3], [sflag:s2] =	dma.local @!p0 [hbm:s0], s1  }
0x1c6: {  	s0 =	simm.s32 @!p0 $0x7  }
0x1c7: {  	_ =	swait.ge @!p0 [sflag:s0], s1  }
0x1c8: {  	s1 =	ssub.s32 @!p0 $0x0, s1;
	[sflag:s0] =	ssyncset.done @!p0 $0x0  }
0x1c9: {  	[sflag:s0] =	ssyncadd.s32 @!p0 s1  }
0x1ca: {  	[bflag:$0x3] =	sbarrier.arrive $0xFFFF  }
0x1cb: {  	_ =	shalt  }

</sc_bundles>
